<compile_context>
chip_gen: v7x
topology: tpu7x:2x2x1
jax: 0.10.2.dev20260603
libtpu: 0.0.44.dev20260713+nightly
codegen_flags: <defaults>
</compile_context>

<pallas_src>
import jax
import jax.numpy as jnp
from jax import lax
from jax.experimental import pallas as pl
from jax.experimental.pallas import tpu as pltpu
from jax.experimental.pallas import tpu_sc as plsc

N_TOKENS = 2048
D_IN = 768
D_OUT = 768
N_EXPERTS = 64

BLK = 256
NB = N_TOKENS // BLK
NSTEPS = NB + N_EXPERTS - 1

NC, NS = 2, 16
NW = NC * NS
TPW = N_TOKENS // NW
EC = N_EXPERTS // 16
TC_ = TPW // 16

def _sc_mesh():
    return plsc.VectorSubcoreMesh(
        core_axis_name="c", subcore_axis_name="s",
        num_cores=NC, num_subcores=NS)


def _wid():
    return lax.axis_index("s") * NC + lax.axis_index("c")



def _route_a_body(idx_hbm, hists_hbm, idx_v, hist_v):
    wid = _wid()
    base = wid * TPW
    pltpu.sync_copy(idx_hbm.at[pl.ds(base, TPW)], idx_v)
    zeros16 = jnp.zeros((16,), jnp.int32)
    ones16 = jnp.ones((16,), jnp.int32)
    for k in range(EC):
        hist_v[pl.ds(k * 16, 16)] = zeros16
    for k in range(TC_):
        v = idx_v[pl.ds(k * 16, 16)]
        plsc.addupdate_scatter(hist_v, [v], ones16)
    pltpu.sync_copy(hist_v, hists_hbm.at[wid])


def _sc_route_a(idxs):
    return pl.kernel(
        _route_a_body,
        out_type=jax.ShapeDtypeStruct((NW, N_EXPERTS), jnp.int32),
        mesh=_sc_mesh(),
        compiler_params=pltpu.CompilerParams(needs_layout_passes=False),
        scratch_types=[
            pltpu.VMEM((TPW,), jnp.int32),
            pltpu.VMEM((N_EXPERTS,), jnp.int32),
        ],
    )(idxs)



def _route_b_body(x_hbm, idx_hbm, hists_hbm,
                  xs_hbm, pos_hbm,
                  idx_v, allhist_v, cnt_v, pos_v, rows_v, tmp_v, sem):
    wid = _wid()
    base = wid * TPW
    pltpu.sync_copy(idx_hbm.at[pl.ds(base, TPW)], idx_v)
    pltpu.sync_copy(hists_hbm, allhist_v)

    zeros16 = jnp.zeros((16,), jnp.int32)
    ones16 = jnp.ones((16,), jnp.int32)
    carry = jnp.int32(0)
    for k in range(EC):
        tot = zeros16
        pre = zeros16
        for t in range(NW):
            row = allhist_v[t, pl.ds(k * 16, 16)]
            flag = (jnp.int32(t) < wid).astype(jnp.int32)
            pre = pre + row * flag
            tot = tot + row
        csum = plsc.cumsum(tot)
        offs_k = (csum - tot) + carry
        carry = carry + jnp.sum(tot)
        cnt_v[pl.ds(k * 16, 16)] = offs_k + pre

    lane = lax.broadcasted_iota(jnp.int32, (16,), 0)
    for k in range(TC_):
        v = idx_v[pl.ds(k * 16, 16)]
        tmp_v[...] = v
        rank = zeros16
        for sft in range(1, 16):
            sh = plsc.load_gather(tmp_v, [(lane - sft) & 15])
            rank = rank + ((lane >= sft) & (sh == v)).astype(jnp.int32)
        basev = plsc.load_gather(cnt_v, [v])
        pos_v[pl.ds(k * 16, 16)] = basev + rank
        plsc.addupdate_scatter(cnt_v, [v], ones16)

    pltpu.sync_copy(pos_v, pos_hbm.at[pl.ds(base, TPW)])
    pltpu.sync_copy(x_hbm.at[pl.ds(base, TPW)], rows_v)
    pltpu.async_copy(rows_v, xs_hbm.at[pos_v], sem).wait()


def _sc_route_b(x, idxs, hists):
    return pl.kernel(
        _route_b_body,
        out_type=(
            jax.ShapeDtypeStruct((N_TOKENS, D_IN), jnp.float32),
            jax.ShapeDtypeStruct((N_TOKENS,), jnp.int32),
        ),
        mesh=_sc_mesh(),
        compiler_params=pltpu.CompilerParams(needs_layout_passes=False),
        scratch_types=[
            pltpu.VMEM((TPW,), jnp.int32),
            pltpu.VMEM((NW, N_EXPERTS), jnp.int32),
            pltpu.VMEM((N_EXPERTS,), jnp.int32),
            pltpu.VMEM((TPW,), jnp.int32),
            pltpu.VMEM((TPW, D_IN), jnp.float32),
            pltpu.VMEM((16,), jnp.int32),
            pltpu.SemaphoreType.DMA,
        ],
    )(x, idxs, hists)



def _unsort_body(ys_hbm, pos_hbm, out_hbm, pos_v, rows_v, sem):
    wid = _wid()
    base = wid * TPW
    pltpu.sync_copy(pos_hbm.at[pl.ds(base, TPW)], pos_v)
    pltpu.async_copy(ys_hbm.at[pos_v], rows_v, sem).wait()
    pltpu.sync_copy(rows_v, out_hbm.at[pl.ds(base, TPW)])


def _sc_unsort(y_sorted, pos):
    return pl.kernel(
        _unsort_body,
        out_type=jax.ShapeDtypeStruct((N_TOKENS, D_OUT), jnp.float32),
        mesh=_sc_mesh(),
        compiler_params=pltpu.CompilerParams(needs_layout_passes=False),
        scratch_types=[
            pltpu.VMEM((TPW,), jnp.int32),
            pltpu.VMEM((TPW, D_OUT), jnp.float32),
            pltpu.SemaphoreType.DMA,
        ],
    )(y_sorted, pos)



NWS = 2
WS = D_OUT // NWS


def _gmm_body(blk_ref, exp_ref, lo_ref, hi_ref, xs_ref, *rest):
    *w_refs, b_ref, o_ref = rest
    s = pl.program_id(0)
    lo = lo_ref[s]
    hi = hi_ref[s]
    blk = blk_ref[s]

    @pl.when(hi > lo)
    def _():
        rows = blk * BLK + lax.broadcasted_iota(jnp.int32, (BLK, 1), 0)
        mask = (rows >= lo) & (rows < hi)
        x_blk = xs_ref[...]
        y = jnp.concatenate(
            [
                lax.dot_general(
                    x_blk, w_ref[0],
                    (((1,), (1,)), ((), ())),
                    preferred_element_type=jnp.float32,
                )
                for w_ref in w_refs
            ],
            axis=1,
        )
        y = jnp.maximum(y + b_ref[0], 0.0)
        o_ref[...] = jnp.where(mask, y, o_ref[...])


def _grouped_matmul(x_sorted, W, b, blocks, experts, lo, hi):
    grid_spec = pltpu.PrefetchScalarGridSpec(
        num_scalar_prefetch=4,
        grid=(NSTEPS,),
        in_specs=[
            pl.BlockSpec((BLK, D_IN), lambda s, bs, es, ls, hs: (bs[s], 0)),
        ] + [
            pl.BlockSpec((1, WS, D_IN),
                         lambda s, bs, es, ls, hs, i=i: (es[s], i, 0))
            for i in range(NWS)
        ] + [
            pl.BlockSpec((1, 1, D_OUT), lambda s, bs, es, ls, hs: (es[s], 0, 0)),
        ],
        out_specs=pl.BlockSpec((BLK, D_OUT), lambda s, bs, es, ls, hs: (bs[s], 0)),
    )
    w_parts = [W] * NWS
    return pl.pallas_call(
        _gmm_body,
        grid_spec=grid_spec,
        out_shape=jax.ShapeDtypeStruct((N_TOKENS, D_OUT), jnp.float32),
        compiler_params=pltpu.CompilerParams(
            dimension_semantics=("arbitrary",),
        ),
    )(blocks, experts, lo, hi, x_sorted, *w_parts,
      b.reshape(N_EXPERTS, 1, D_OUT))


def _schedule(hists):
    tot = jnp.sum(hists, axis=0)
    offs = (jnp.cumsum(tot) - tot).astype(jnp.int32)
    keys_e = offs * 128 + jnp.arange(N_EXPERTS, dtype=jnp.int32)
    bounds = jnp.arange(1, NB, dtype=jnp.int32) * BLK
    keys_b = bounds * 128 + 64
    keys = jnp.sort(jnp.concatenate([keys_e, keys_b]))
    starts = keys >> 7
    is_exp = (keys & 64) == 0
    eid = jnp.where(is_exp, keys & 63, -1)
    experts = jax.lax.cummax(eid)
    blocks = jnp.clip(starts // BLK, 0, NB - 1)
    ends = jnp.concatenate([starts[1:], jnp.array([N_TOKENS], jnp.int32)])
    return blocks, experts, starts, ends


def kernel(x, idxs, W, b):
    idxs = idxs.astype(jnp.int32)
    hists = _sc_route_a(idxs)
    x_sorted, pos = _sc_route_b(x, idxs, hists)
    blocks, experts, lo, hi = _schedule(hists)
    y_sorted = _grouped_matmul(x_sorted, W, b, blocks, experts, lo, hi)
    return _sc_unsort(y_sorted, pos)

# --- scband reference (transcript-rebuilt; emitter-appended) ---
"""Pipeline reference for scband-naive-30700426232145 (READ-ONLY COPY).

The authoritative reference and input builder live on the scoring server;
editing this copy changes nothing except your own understanding.
"""

import jax, jax.numpy as jnp
import numpy as np

N_TOKENS = 2048
D_IN = 768
D_OUT = 768
N_EXPERTS = 64


def setup_inputs(seed: int = 0) -> dict:
    key = jax.random.key(seed)
    k1, k2, k3, k4 = jax.random.split(key, 4)
    x = jax.random.normal(k1, (N_TOKENS, D_IN), dtype=jnp.float32)
    idxs = jax.random.randint(k2, (N_TOKENS,), 0, N_EXPERTS)
    # Per-expert Linear parameters: W[e] is [out_features, in_features], b[e] is [out_features]
    # (matches torch nn.Linear layout, init scaled like kaiming-uniform magnitude)
    bound = 1.0 / np.sqrt(D_IN)
    W = jax.random.uniform(k3, (N_EXPERTS, D_OUT, D_IN), dtype=jnp.float32, minval=-bound, maxval=bound)
    b = jax.random.uniform(k4, (N_EXPERTS, D_OUT), dtype=jnp.float32, minval=-bound, maxval=bound)
    return {"x": x, "idxs": idxs, "W": W, "b": b}


def reference(x, idxs, W, b):
    # Faithful translation of the Naive MoE forward:
    #   y[idxs == e] = layers[e](x[idxs == e])  for each expert e
    #   return relu(y)
    # Boolean fancy-indexing is not traceable, so we compute each expert's
    # Linear on all tokens and select rows via where-masking (same math for
    # the selected rows; every token's row is overwritten exactly once since
    # idxs in [0, n_models)).
    n_tokens = x.shape[0]
    y = jnp.zeros((n_tokens, W.shape[1]), dtype=x.dtype)
    for e in range(W.shape[0]):
        y_e = x @ W[e].T + b[e]
        mask = (idxs == e)[:, None]
        y = jnp.where(mask, y_e, y)
    return jax.nn.relu(y)

if __name__ == "__main__":
    import jax
    _d = setup_inputs()
    print(jax.jit(kernel)(*tuple(_d.values())))

</pallas_src>

<mosaic_0001>
#map = affine_map<(d0, d1) -> (0, 0)>
#map1 = affine_map<(d0, d1) -> (0)>
module attributes {stable_mosaic.version = 14 : i64} {
  func.func @_route_b_body(%arg0: i32, %arg1: i32, %arg2: memref<2048x768xf32, #tpu.memory_space<hbm>>, %arg3: memref<2048xi32, #tpu.memory_space<hbm>>, %arg4: memref<32x64xi32, #tpu.memory_space<hbm>>, %arg5: memref<2048x768xf32, #tpu.memory_space<hbm>>, %arg6: memref<2048xi32, #tpu.memory_space<hbm>>, %arg7: memref<64xi32, #tpu.memory_space<vmem>>, %arg8: memref<32x64xi32, #tpu.memory_space<vmem>>, %arg9: memref<64xi32, #tpu.memory_space<vmem>>, %arg10: memref<64xi32, #tpu.memory_space<vmem>>, %arg11: memref<64x768xf32, #tpu.memory_space<vmem>>, %arg12: memref<16xi32, #tpu.memory_space<vmem>>, %arg13: memref<!tpu.dma_semaphore, #tpu.memory_space<semaphore_mem>>) attributes {dimension_semantics = [#tpu.dimension_semantics<core_parallel>, #tpu.dimension_semantics<subcore_parallel>], iteration_bounds = array<i64: 2, 16>, scalar_prefetch = 0 : i64, scratch_operands = 7 : i64, tpu.core_type = #tpu.core_type<sc_vector_subcore>, window_params = [{transform_indices = #map}, {transform_indices = #map1}, {transform_indices = #map}, {transform_indices = #map}, {transform_indices = #map1}]} {
    %mul3A = arith.constant 2 : i32
    %mul3A_0 = arith.muli %arg1, %mul3A : i32
    %add3A = arith.addi %mul3A_0, %arg0 : i32
    %mul3A_1 = arith.constant 64 : i32
    %mul3A_2 = arith.muli %add3A, %mul3A_1 : i32
    "tpu.region"() ({
      %run_scoped3A = tpu.sem_alloc : memref<!tpu.dma_semaphore, #tpu.memory_space<semaphore_mem>>
      %dma_start3A_2337 = tpu.memref_slice %arg3[%mul3A_2] : memref<2048xi32, #tpu.memory_space<hbm>> -> memref<64xi32, #tpu.memory_space<hbm>>
      %dma_start3A_2338 = tpu.memref_slice %arg3[%mul3A_2] : memref<2048xi32, #tpu.memory_space<hbm>> -> memref<64xi32, #tpu.memory_space<hbm>>
      tpu.enqueue_dma source(%dma_start3A_2338 : memref<64xi32, #tpu.memory_space<hbm>>) target(%arg7 : memref<64xi32, #tpu.memory_space<vmem>>) target_semaphore(%run_scoped3A : memref<!tpu.dma_semaphore, #tpu.memory_space<semaphore_mem>>)
      %dma_wait3A_2339 = tpu.memref_slice %arg3[%mul3A_2] : memref<2048xi32, #tpu.memory_space<hbm>> -> memref<64xi32, #tpu.memory_space<hbm>>
      %dma_wait3A_2340 = tpu.memref_slice %arg3[%mul3A_2] : memref<2048xi32, #tpu.memory_space<hbm>> -> memref<64xi32, #tpu.memory_space<hbm>>
      tpu.wait_dma2 semaphore(%run_scoped3A : memref<!tpu.dma_semaphore, #tpu.memory_space<semaphore_mem>>) src(%dma_wait3A_2340 : memref<64xi32, #tpu.memory_space<hbm>>) dst(%arg7 : memref<64xi32, #tpu.memory_space<vmem>>)
      tpu.yield
    }) : () -> ()
    "tpu.region"() ({
      %run_scoped3A = tpu.sem_alloc : memref<!tpu.dma_semaphore, #tpu.memory_space<semaphore_mem>>
      tpu.enqueue_dma source(%arg4 : memref<32x64xi32, #tpu.memory_space<hbm>>) target(%arg8 : memref<32x64xi32, #tpu.memory_space<vmem>>) target_semaphore(%run_scoped3A : memref<!tpu.dma_semaphore, #tpu.memory_space<semaphore_mem>>)
      tpu.wait_dma2 semaphore(%run_scoped3A : memref<!tpu.dma_semaphore, #tpu.memory_space<semaphore_mem>>) src(%arg4 : memref<32x64xi32, #tpu.memory_space<hbm>>) dst(%arg8 : memref<32x64xi32, #tpu.memory_space<vmem>>)
      tpu.yield
    }) : () -> ()
    %broadcast_in_dim3A = arith.constant 0 : i32
    %broadcast_in_dim3A_3 = vector.broadcast %broadcast_in_dim3A : i32 to vector<16xi32>
    %broadcast_in_dim3A_4 = arith.constant 1 : i32
    %broadcast_in_dim3A_5 = vector.broadcast %broadcast_in_dim3A_4 : i32 to vector<16xi32>
    %get3A = arith.constant 0 : i32
    %get3A_6 = arith.index_cast %get3A : i32 to index
    %get3A_7 = arith.constant 0 : index
    %get3A_8 = tpu.vector_load %arg8[%get3A_6, %get3A_7] {strides = array<i32>} : memref<32x64xi32, #tpu.memory_space<vmem>>, vector<16xi32>,
    %lt3A = arith.constant 0 : i32
    %lt3A_9 = arith.cmpi slt, %lt3A, %add3A : i32
    %convert_element_type3A = arith.extui %lt3A_9 : i1 to i32
    %mul3A_10 = vector.broadcast %convert_element_type3A : i32 to vector<16xi32>
    %mul3A_11 = arith.muli %get3A_8, %mul3A_10 : vector<16xi32>
    %add3A_12 = arith.addi %broadcast_in_dim3A_3, %mul3A_11 : vector<16xi32>
    %add3A_13 = arith.addi %broadcast_in_dim3A_3, %get3A_8 : vector<16xi32>
    %get3A_14 = arith.constant 1 : i32
    %get3A_15 = arith.index_cast %get3A_14 : i32 to index
    %get3A_16 = arith.constant 0 : index
    %get3A_17 = tpu.vector_load %arg8[%get3A_15, %get3A_16] {strides = array<i32>} : memref<32x64xi32, #tpu.memory_space<vmem>>, vector<16xi32>,
    %lt3A_18 = arith.constant 1 : i32
    %lt3A_19 = arith.cmpi slt, %lt3A_18, %add3A : i32
    %convert_element_type3A_20 = arith.extui %lt3A_19 : i1 to i32
    %mul3A_21 = vector.broadcast %convert_element_type3A_20 : i32 to vector<16xi32>
    %mul3A_22 = arith.muli %get3A_17, %mul3A_21 : vector<16xi32>
    %add3A_23 = arith.addi %add3A_12, %mul3A_22 : vector<16xi32>
    %add3A_24 = arith.addi %add3A_13, %get3A_17 : vector<16xi32>
    %get3A_25 = arith.constant 2 : i32
    %get3A_26 = arith.index_cast %get3A_25 : i32 to index
    %get3A_27 = arith.constant 0 : index
    %get3A_28 = tpu.vector_load %arg8[%get3A_26, %get3A_27] {strides = array<i32>} : memref<32x64xi32, #tpu.memory_space<vmem>>, vector<16xi32>,
    %lt3A_29 = arith.constant 2 : i32
    %lt3A_30 = arith.cmpi slt, %lt3A_29, %add3A : i32
    %convert_element_type3A_31 = arith.extui %lt3A_30 : i1 to i32
    %mul3A_32 = vector.broadcast %convert_element_type3A_31 : i32 to vector<16xi32>
    %mul3A_33 = arith.muli %get3A_28, %mul3A_32 : vector<16xi32>
    %add3A_34 = arith.addi %add3A_23, %mul3A_33 : vector<16xi32>
    %add3A_35 = arith.addi %add3A_24, %get3A_28 : vector<16xi32>
    %get3A_36 = arith.constant 3 : i32
    %get3A_37 = arith.index_cast %get3A_36 : i32 to index
    %get3A_38 = arith.constant 0 : index
    %get3A_39 = tpu.vector_load %arg8[%get3A_37, %get3A_38] {strides = array<i32>} : memref<32x64xi32, #tpu.memory_space<vmem>>, vector<16xi32>,
    %lt3A_40 = arith.constant 3 : i32
    %lt3A_41 = arith.cmpi slt, %lt3A_40, %add3A : i32
    %convert_element_type3A_42 = arith.extui %lt3A_41 : i1 to i32
    %mul3A_43 = vector.broadcast %convert_element_type3A_42 : i32 to vector<16xi32>
    %mul3A_44 = arith.muli %get3A_39, %mul3A_43 : vector<16xi32>
    %add3A_45 = arith.addi %add3A_34, %mul3A_44 : vector<16xi32>
    %add3A_46 = arith.addi %add3A_35, %get3A_39 : vector<16xi32>
    %get3A_47 = arith.constant 4 : i32
    %get3A_48 = arith.index_cast %get3A_47 : i32 to index
    %get3A_49 = arith.constant 0 : index
    %get3A_50 = tpu.vector_load %arg8[%get3A_48, %get3A_49] {strides = array<i32>} : memref<32x64xi32, #tpu.memory_space<vmem>>, vector<16xi32>,
    %lt3A_51 = arith.constant 4 : i32
    %lt3A_52 = arith.cmpi slt, %lt3A_51, %add3A : i32
    %convert_element_type3A_53 = arith.extui %lt3A_52 : i1 to i32
    %mul3A_54 = vector.broadcast %convert_element_type3A_53 : i32 to vector<16xi32>
    %mul3A_55 = arith.muli %get3A_50, %mul3A_54 : vector<16xi32>
    %add3A_56 = arith.addi %add3A_45, %mul3A_55 : vector<16xi32>
    %add3A_57 = arith.addi %add3A_46, %get3A_50 : vector<16xi32>
    %get3A_58 = arith.constant 5 : i32
    %get3A_59 = arith.index_cast %get3A_58 : i32 to index
    %get3A_60 = arith.constant 0 : index
    %get3A_61 = tpu.vector_load %arg8[%get3A_59, %get3A_60] {strides = array<i32>} : memref<32x64xi32, #tpu.memory_space<vmem>>, vector<16xi32>,
    %lt3A_62 = arith.constant 5 : i32
    %lt3A_63 = arith.cmpi slt, %lt3A_62, %add3A : i32
    %convert_element_type3A_64 = arith.extui %lt3A_63 : i1 to i32
    %mul3A_65 = vector.broadcast %convert_element_type3A_64 : i32 to vector<16xi32>
    %mul3A_66 = arith.muli %get3A_61, %mul3A_65 : vector<16xi32>
    %add3A_67 = arith.addi %add3A_56, %mul3A_66 : vector<16xi32>
    %add3A_68 = arith.addi %add3A_57, %get3A_61 : vector<16xi32>
    %get3A_69 = arith.constant 6 : i32
    %get3A_70 = arith.index_cast %get3A_69 : i32 to index
    %get3A_71 = arith.constant 0 : index
    %get3A_72 = tpu.vector_load %arg8[%get3A_70, %get3A_71] {strides = array<i32>} : memref<32x64xi32, #tpu.memory_space<vmem>>, vector<16xi32>,
    %lt3A_73 = arith.constant 6 : i32
    %lt3A_74 = arith.cmpi slt, %lt3A_73, %add3A : i32
    %convert_element_type3A_75 = arith.extui %lt3A_74 : i1 to i32
    %mul3A_76 = vector.broadcast %convert_element_type3A_75 : i32 to vector<16xi32>
    %mul3A_77 = arith.muli %get3A_72, %mul3A_76 : vector<16xi32>
    %add3A_78 = arith.addi %add3A_67, %mul3A_77 : vector<16xi32>
    %add3A_79 = arith.addi %add3A_68, %get3A_72 : vector<16xi32>
    %get3A_80 = arith.constant 7 : i32
    %get3A_81 = arith.index_cast %get3A_80 : i32 to index
    %get3A_82 = arith.constant 0 : index
    %get3A_83 = tpu.vector_load %arg8[%get3A_81, %get3A_82] {strides = array<i32>} : memref<32x64xi32, #tpu.memory_space<vmem>>, vector<16xi32>,
    %lt3A_84 = arith.constant 7 : i32
    %lt3A_85 = arith.cmpi slt, %lt3A_84, %add3A : i32
    %convert_element_type3A_86 = arith.extui %lt3A_85 : i1 to i32
    %mul3A_87 = vector.broadcast %convert_element_type3A_86 : i32 to vector<16xi32>
    %mul3A_88 = arith.muli %get3A_83, %mul3A_87 : vector<16xi32>
    %add3A_89 = arith.addi %add3A_78, %mul3A_88 : vector<16xi32>
    %add3A_90 = arith.addi %add3A_79, %get3A_83 : vector<16xi32>
    %get3A_91 = arith.constant 8 : i32
    %get3A_92 = arith.index_cast %get3A_91 : i32 to index
    %get3A_93 = arith.constant 0 : index
    %get3A_94 = tpu.vector_load %arg8[%get3A_92, %get3A_93] {strides = array<i32>} : memref<32x64xi32, #tpu.memory_space<vmem>>, vector<16xi32>,
    %lt3A_95 = arith.constant 8 : i32
    %lt3A_96 = arith.cmpi slt, %lt3A_95, %add3A : i32
    %convert_element_type3A_97 = arith.extui %lt3A_96 : i1 to i32
    %mul3A_98 = vector.broadcast %convert_element_type3A_97 : i32 to vector<16xi32>
    %mul3A_99 = arith.muli %get3A_94, %mul3A_98 : vector<16xi32>
    %add3A_100 = arith.addi %add3A_89, %mul3A_99 : vector<16xi32>
    %add3A_101 = arith.addi %add3A_90, %get3A_94 : vector<16xi32>
    %get3A_102 = arith.constant 9 : i32
    %get3A_103 = arith.index_cast %get3A_102 : i32 to index
    %get3A_104 = arith.constant 0 : index
    %get3A_105 = tpu.vector_load %arg8[%get3A_103, %get3A_104] {strides = array<i32>} : memref<32x64xi32, #tpu.memory_space<vmem>>, vector<16xi32>,
    %lt3A_106 = arith.constant 9 : i32
    %lt3A_107 = arith.cmpi slt, %lt3A_106, %add3A : i32
    %convert_element_type3A_108 = arith.extui %lt3A_107 : i1 to i32
    %mul3A_109 = vector.broadcast %convert_element_type3A_108 : i32 to vector<16xi32>
    %mul3A_110 = arith.muli %get3A_105, %mul3A_109 : vector<16xi32>
    %add3A_111 = arith.addi %add3A_100, %mul3A_110 : vector<16xi32>
    %add3A_112 = arith.addi %add3A_101, %get3A_105 : vector<16xi32>
    %get3A_113 = arith.constant 10 : i32
    %get3A_114 = arith.index_cast %get3A_113 : i32 to index
    %get3A_115 = arith.constant 0 : index
    %get3A_116 = tpu.vector_load %arg8[%get3A_114, %get3A_115] {strides = array<i32>} : memref<32x64xi32, #tpu.memory_space<vmem>>, vector<16xi32>,
    %lt3A_117 = arith.constant 10 : i32
    %lt3A_118 = arith.cmpi slt, %lt3A_117, %add3A : i32
    %convert_element_type3A_119 = arith.extui %lt3A_118 : i1 to i32
    %mul3A_120 = vector.broadcast %convert_element_type3A_119 : i32 to vector<16xi32>
    %mul3A_121 = arith.muli %get3A_116, %mul3A_120 : vector<16xi32>
    %add3A_122 = arith.addi %add3A_111, %mul3A_121 : vector<16xi32>
    %add3A_123 = arith.addi %add3A_112, %get3A_116 : vector<16xi32>
    %get3A_124 = arith.constant 11 : i32
    %get3A_125 = arith.index_cast %get3A_124 : i32 to index
    %get3A_126 = arith.constant 0 : index
    %get3A_127 = tpu.vector_load %arg8[%get3A_125, %get3A_126] {strides = array<i32>} : memref<32x64xi32, #tpu.memory_space<vmem>>, vector<16xi32>,
    %lt3A_128 = arith.constant 11 : i32
    %lt3A_129 = arith.cmpi slt, %lt3A_128, %add3A : i32
    %convert_element_type3A_130 = arith.extui %lt3A_129 : i1 to i32
    %mul3A_131 = vector.broadcast %convert_element_type3A_130 : i32 to vector<16xi32>
    %mul3A_132 = arith.muli %get3A_127, %mul3A_131 : vector<16xi32>
    %add3A_133 = arith.addi %add3A_122, %mul3A_132 : vector<16xi32>
    %add3A_134 = arith.addi %add3A_123, %get3A_127 : vector<16xi32>
    %get3A_135 = arith.constant 12 : i32
    %get3A_136 = arith.index_cast %get3A_135 : i32 to index
    %get3A_137 = arith.constant 0 : index
    %get3A_138 = tpu.vector_load %arg8[%get3A_136, %get3A_137] {strides = array<i32>} : memref<32x64xi32, #tpu.memory_space<vmem>>, vector<16xi32>,
    %lt3A_139 = arith.constant 12 : i32
    %lt3A_140 = arith.cmpi slt, %lt3A_139, %add3A : i32
    %convert_element_type3A_141 = arith.extui %lt3A_140 : i1 to i32
    %mul3A_142 = vector.broadcast %convert_element_type3A_141 : i32 to vector<16xi32>
    %mul3A_143 = arith.muli %get3A_138, %mul3A_142 : vector<16xi32>
    %add3A_144 = arith.addi %add3A_133, %mul3A_143 : vector<16xi32>
    %add3A_145 = arith.addi %add3A_134, %get3A_138 : vector<16xi32>
    %get3A_146 = arith.constant 13 : i32
    %get3A_147 = arith.index_cast %get3A_146 : i32 to index
    %get3A_148 = arith.constant 0 : index
    %get3A_149 = tpu.vector_load %arg8[%get3A_147, %get3A_148] {strides = array<i32>} : memref<32x64xi32, #tpu.memory_space<vmem>>, vector<16xi32>,
    %lt3A_150 = arith.constant 13 : i32
    %lt3A_151 = arith.cmpi slt, %lt3A_150, %add3A : i32
    %convert_element_type3A_152 = arith.extui %lt3A_151 : i1 to i32
    %mul3A_153 = vector.broadcast %convert_element_type3A_152 : i32 to vector<16xi32>
    %mul3A_154 = arith.muli %get3A_149, %mul3A_153 : vector<16xi32>
    %add3A_155 = arith.addi %add3A_144, %mul3A_154 : vector<16xi32>
    %add3A_156 = arith.addi %add3A_145, %get3A_149 : vector<16xi32>
    %get3A_157 = arith.constant 14 : i32
    %get3A_158 = arith.index_cast %get3A_157 : i32 to index
    %get3A_159 = arith.constant 0 : index
    %get3A_160 = tpu.vector_load %arg8[%get3A_158, %get3A_159] {strides = array<i32>} : memref<32x64xi32, #tpu.memory_space<vmem>>, vector<16xi32>,
    %lt3A_161 = arith.constant 14 : i32
    %lt3A_162 = arith.cmpi slt, %lt3A_161, %add3A : i32
    %convert_element_type3A_163 = arith.extui %lt3A_162 : i1 to i32
    %mul3A_164 = vector.broadcast %convert_element_type3A_163 : i32 to vector<16xi32>
    %mul3A_165 = arith.muli %get3A_160, %mul3A_164 : vector<16xi32>
    %add3A_166 = arith.addi %add3A_155, %mul3A_165 : vector<16xi32>
    %add3A_167 = arith.addi %add3A_156, %get3A_160 : vector<16xi32>
    %get3A_168 = arith.constant 15 : i32
    %get3A_169 = arith.index_cast %get3A_168 : i32 to index
    %get3A_170 = arith.constant 0 : index
    %get3A_171 = tpu.vector_load %arg8[%get3A_169, %get3A_170] {strides = array<i32>} : memref<32x64xi32, #tpu.memory_space<vmem>>, vector<16xi32>,
    %lt3A_172 = arith.constant 15 : i32
    %lt3A_173 = arith.cmpi slt, %lt3A_172, %add3A : i32
    %convert_element_type3A_174 = arith.extui %lt3A_173 : i1 to i32
    %mul3A_175 = vector.broadcast %convert_element_type3A_174 : i32 to vector<16xi32>
    %mul3A_176 = arith.muli %get3A_171, %mul3A_175 : vector<16xi32>
    %add3A_177 = arith.addi %add3A_166, %mul3A_176 : vector<16xi32>
    %add3A_178 = arith.addi %add3A_167, %get3A_171 : vector<16xi32>
    %get3A_179 = arith.constant 16 : i32
    %get3A_180 = arith.index_cast %get3A_179 : i32 to index
    %get3A_181 = arith.constant 0 : index
    %get3A_182 = tpu.vector_load %arg8[%get3A_180, %get3A_181] {strides = array<i32>} : memref<32x64xi32, #tpu.memory_space<vmem>>, vector<16xi32>,
    %lt3A_183 = arith.constant 16 : i32
    %lt3A_184 = arith.cmpi slt, %lt3A_183, %add3A : i32
    %convert_element_type3A_185 = arith.extui %lt3A_184 : i1 to i32
    %mul3A_186 = vector.broadcast %convert_element_type3A_185 : i32 to vector<16xi32>
    %mul3A_187 = arith.muli %get3A_182, %mul3A_186 : vector<16xi32>
    %add3A_188 = arith.addi %add3A_177, %mul3A_187 : vector<16xi32>
    %add3A_189 = arith.addi %add3A_178, %get3A_182 : vector<16xi32>
    %get3A_190 = arith.constant 17 : i32
    %get3A_191 = arith.index_cast %get3A_190 : i32 to index
    %get3A_192 = arith.constant 0 : index
    %get3A_193 = tpu.vector_load %arg8[%get3A_191, %get3A_192] {strides = array<i32>} : memref<32x64xi32, #tpu.memory_space<vmem>>, vector<16xi32>,
    %lt3A_194 = arith.constant 17 : i32
    %lt3A_195 = arith.cmpi slt, %lt3A_194, %add3A : i32
    %convert_element_type3A_196 = arith.extui %lt3A_195 : i1 to i32
    %mul3A_197 = vector.broadcast %convert_element_type3A_196 : i32 to vector<16xi32>
    %mul3A_198 = arith.muli %get3A_193, %mul3A_197 : vector<16xi32>
    %add3A_199 = arith.addi %add3A_188, %mul3A_198 : vector<16xi32>
    %add3A_200 = arith.addi %add3A_189, %get3A_193 : vector<16xi32>
    %get3A_201 = arith.constant 18 : i32
    %get3A_202 = arith.index_cast %get3A_201 : i32 to index
    %get3A_203 = arith.constant 0 : index
    %get3A_204 = tpu.vector_load %arg8[%get3A_202, %get3A_203] {strides = array<i32>} : memref<32x64xi32, #tpu.memory_space<vmem>>, vector<16xi32>,
    %lt3A_205 = arith.constant 18 : i32
    %lt3A_206 = arith.cmpi slt, %lt3A_205, %add3A : i32
    %convert_element_type3A_207 = arith.extui %lt3A_206 : i1 to i32
    %mul3A_208 = vector.broadcast %convert_element_type3A_207 : i32 to vector<16xi32>
    %mul3A_209 = arith.muli %get3A_204, %mul3A_208 : vector<16xi32>
    %add3A_210 = arith.addi %add3A_199, %mul3A_209 : vector<16xi32>
    %add3A_211 = arith.addi %add3A_200, %get3A_204 : vector<16xi32>
    %get3A_212 = arith.constant 19 : i32
    %get3A_213 = arith.index_cast %get3A_212 : i32 to index
    %get3A_214 = arith.constant 0 : index
    %get3A_215 = tpu.vector_load %arg8[%get3A_213, %get3A_214] {strides = array<i32>} : memref<32x64xi32, #tpu.memory_space<vmem>>, vector<16xi32>,
    %lt3A_216 = arith.constant 19 : i32
    %lt3A_217 = arith.cmpi slt, %lt3A_216, %add3A : i32
    %convert_element_type3A_218 = arith.extui %lt3A_217 : i1 to i32
    %mul3A_219 = vector.broadcast %convert_element_type3A_218 : i32 to vector<16xi32>
    %mul3A_220 = arith.muli %get3A_215, %mul3A_219 : vector<16xi32>
    %add3A_221 = arith.addi %add3A_210, %mul3A_220 : vector<16xi32>
    %add3A_222 = arith.addi %add3A_211, %get3A_215 : vector<16xi32>
    %get3A_223 = arith.constant 20 : i32
    %get3A_224 = arith.index_cast %get3A_223 : i32 to index
    %get3A_225 = arith.constant 0 : index
    %get3A_226 = tpu.vector_load %arg8[%get3A_224, %get3A_225] {strides = array<i32>} : memref<32x64xi32, #tpu.memory_space<vmem>>, vector<16xi32>,
    %lt3A_227 = arith.constant 20 : i32
    %lt3A_228 = arith.cmpi slt, %lt3A_227, %add3A : i32
    %convert_element_type3A_229 = arith.extui %lt3A_228 : i1 to i32
    %mul3A_230 = vector.broadcast %convert_element_type3A_229 : i32 to vector<16xi32>
    %mul3A_231 = arith.muli %get3A_226, %mul3A_230 : vector<16xi32>
    %add3A_232 = arith.addi %add3A_221, %mul3A_231 : vector<16xi32>
    %add3A_233 = arith.addi %add3A_222, %get3A_226 : vector<16xi32>
    %get3A_234 = arith.constant 21 : i32
    %get3A_235 = arith.index_cast %get3A_234 : i32 to index
    %get3A_236 = arith.constant 0 : index
    %get3A_237 = tpu.vector_load %arg8[%get3A_235, %get3A_236] {strides = array<i32>} : memref<32x64xi32, #tpu.memory_space<vmem>>, vector<16xi32>,
    %lt3A_238 = arith.constant 21 : i32
    %lt3A_239 = arith.cmpi slt, %lt3A_238, %add3A : i32
    %convert_element_type3A_240 = arith.extui %lt3A_239 : i1 to i32
    %mul3A_241 = vector.broadcast %convert_element_type3A_240 : i32 to vector<16xi32>
    %mul3A_242 = arith.muli %get3A_237, %mul3A_241 : vector<16xi32>
    %add3A_243 = arith.addi %add3A_232, %mul3A_242 : vector<16xi32>
    %add3A_244 = arith.addi %add3A_233, %get3A_237 : vector<16xi32>
    %get3A_245 = arith.constant 22 : i32
    %get3A_246 = arith.index_cast %get3A_245 : i32 to index
    %get3A_247 = arith.constant 0 : index
    %get3A_248 = tpu.vector_load %arg8[%get3A_246, %get3A_247] {strides = array<i32>} : memref<32x64xi32, #tpu.memory_space<vmem>>, vector<16xi32>,
    %lt3A_249 = arith.constant 22 : i32
    %lt3A_250 = arith.cmpi slt, %lt3A_249, %add3A : i32
    %convert_element_type3A_251 = arith.extui %lt3A_250 : i1 to i32
    %mul3A_252 = vector.broadcast %convert_element_type3A_251 : i32 to vector<16xi32>
    %mul3A_253 = arith.muli %get3A_248, %mul3A_252 : vector<16xi32>
    %add3A_254 = arith.addi %add3A_243, %mul3A_253 : vector<16xi32>
    %add3A_255 = arith.addi %add3A_244, %get3A_248 : vector<16xi32>
    %get3A_256 = arith.constant 23 : i32
    %get3A_257 = arith.index_cast %get3A_256 : i32 to index
    %get3A_258 = arith.constant 0 : index
    %get3A_259 = tpu.vector_load %arg8[%get3A_257, %get3A_258] {strides = array<i32>} : memref<32x64xi32, #tpu.memory_space<vmem>>, vector<16xi32>,
    %lt3A_260 = arith.constant 23 : i32
    %lt3A_261 = arith.cmpi slt, %lt3A_260, %add3A : i32
    %convert_element_type3A_262 = arith.extui %lt3A_261 : i1 to i32
    %mul3A_263 = vector.broadcast %convert_element_type3A_262 : i32 to vector<16xi32>
    %mul3A_264 = arith.muli %get3A_259, %mul3A_263 : vector<16xi32>
    %add3A_265 = arith.addi %add3A_254, %mul3A_264 : vector<16xi32>
    %add3A_266 = arith.addi %add3A_255, %get3A_259 : vector<16xi32>
    %get3A_267 = arith.constant 24 : i32
    %get3A_268 = arith.index_cast %get3A_267 : i32 to index
    %get3A_269 = arith.constant 0 : index
    %get3A_270 = tpu.vector_load %arg8[%get3A_268, %get3A_269] {strides = array<i32>} : memref<32x64xi32, #tpu.memory_space<vmem>>, vector<16xi32>,
    %lt3A_271 = arith.constant 24 : i32
    %lt3A_272 = arith.cmpi slt, %lt3A_271, %add3A : i32
    %convert_element_type3A_273 = arith.extui %lt3A_272 : i1 to i32
    %mul3A_274 = vector.broadcast %convert_element_type3A_273 : i32 to vector<16xi32>
    %mul3A_275 = arith.muli %get3A_270, %mul3A_274 : vector<16xi32>
    %add3A_276 = arith.addi %add3A_265, %mul3A_275 : vector<16xi32>
    %add3A_277 = arith.addi %add3A_266, %get3A_270 : vector<16xi32>
    %get3A_278 = arith.constant 25 : i32
    %get3A_279 = arith.index_cast %get3A_278 : i32 to index
    %get3A_280 = arith.constant 0 : index
    %get3A_281 = tpu.vector_load %arg8[%get3A_279, %get3A_280] {strides = array<i32>} : memref<32x64xi32, #tpu.memory_space<vmem>>, vector<16xi32>,
    %lt3A_282 = arith.constant 25 : i32
    %lt3A_283 = arith.cmpi slt, %lt3A_282, %add3A : i32
    %convert_element_type3A_284 = arith.extui %lt3A_283 : i1 to i32
    %mul3A_285 = vector.broadcast %convert_element_type3A_284 : i32 to vector<16xi32>
    %mul3A_286 = arith.muli %get3A_281, %mul3A_285 : vector<16xi32>
    %add3A_287 = arith.addi %add3A_276, %mul3A_286 : vector<16xi32>
    %add3A_288 = arith.addi %add3A_277, %get3A_281 : vector<16xi32>
    %get3A_289 = arith.constant 26 : i32
    %get3A_290 = arith.index_cast %get3A_289 : i32 to index
    %get3A_291 = arith.constant 0 : index
    %get3A_292 = tpu.vector_load %arg8[%get3A_290, %get3A_291] {strides = array<i32>} : memref<32x64xi32, #tpu.memory_space<vmem>>, vector<16xi32>,
    %lt3A_293 = arith.constant 26 : i32
    %lt3A_294 = arith.cmpi slt, %lt3A_293, %add3A : i32
    %convert_element_type3A_295 = arith.extui %lt3A_294 : i1 to i32
    %mul3A_296 = vector.broadcast %convert_element_type3A_295 : i32 to vector<16xi32>
    %mul3A_297 = arith.muli %get3A_292, %mul3A_296 : vector<16xi32>
    %add3A_298 = arith.addi %add3A_287, %mul3A_297 : vector<16xi32>
    %add3A_299 = arith.addi %add3A_288, %get3A_292 : vector<16xi32>
    %get3A_300 = arith.constant 27 : i32
    %get3A_301 = arith.index_cast %get3A_300 : i32 to index
    %get3A_302 = arith.constant 0 : index
    %get3A_303 = tpu.vector_load %arg8[%get3A_301, %get3A_302] {strides = array<i32>} : memref<32x64xi32, #tpu.memory_space<vmem>>, vector<16xi32>,
    %lt3A_304 = arith.constant 27 : i32
    %lt3A_305 = arith.cmpi slt, %lt3A_304, %add3A : i32
    %convert_element_type3A_306 = arith.extui %lt3A_305 : i1 to i32
    %mul3A_307 = vector.broadcast %convert_element_type3A_306 : i32 to vector<16xi32>
    %mul3A_308 = arith.muli %get3A_303, %mul3A_307 : vector<16xi32>
    %add3A_309 = arith.addi %add3A_298, %mul3A_308 : vector<16xi32>
    %add3A_310 = arith.addi %add3A_299, %get3A_303 : vector<16xi32>
    %get3A_311 = arith.constant 28 : i32
    %get3A_312 = arith.index_cast %get3A_311 : i32 to index
    %get3A_313 = arith.constant 0 : index
    %get3A_314 = tpu.vector_load %arg8[%get3A_312, %get3A_313] {strides = array<i32>} : memref<32x64xi32, #tpu.memory_space<vmem>>, vector<16xi32>,
    %lt3A_315 = arith.constant 28 : i32
    %lt3A_316 = arith.cmpi slt, %lt3A_315, %add3A : i32
    %convert_element_type3A_317 = arith.extui %lt3A_316 : i1 to i32
    %mul3A_318 = vector.broadcast %convert_element_type3A_317 : i32 to vector<16xi32>
    %mul3A_319 = arith.muli %get3A_314, %mul3A_318 : vector<16xi32>
    %add3A_320 = arith.addi %add3A_309, %mul3A_319 : vector<16xi32>
    %add3A_321 = arith.addi %add3A_310, %get3A_314 : vector<16xi32>
    %get3A_322 = arith.constant 29 : i32
    %get3A_323 = arith.index_cast %get3A_322 : i32 to index
    %get3A_324 = arith.constant 0 : index
    %get3A_325 = tpu.vector_load %arg8[%get3A_323, %get3A_324] {strides = array<i32>} : memref<32x64xi32, #tpu.memory_space<vmem>>, vector<16xi32>,
    %lt3A_326 = arith.constant 29 : i32
    %lt3A_327 = arith.cmpi slt, %lt3A_326, %add3A : i32
    %convert_element_type3A_328 = arith.extui %lt3A_327 : i1 to i32
    %mul3A_329 = vector.broadcast %convert_element_type3A_328 : i32 to vector<16xi32>
    %mul3A_330 = arith.muli %get3A_325, %mul3A_329 : vector<16xi32>
    %add3A_331 = arith.addi %add3A_320, %mul3A_330 : vector<16xi32>
    %add3A_332 = arith.addi %add3A_321, %get3A_325 : vector<16xi32>
    %get3A_333 = arith.constant 30 : i32
    %get3A_334 = arith.index_cast %get3A_333 : i32 to index
    %get3A_335 = arith.constant 0 : index
    %get3A_336 = tpu.vector_load %arg8[%get3A_334, %get3A_335] {strides = array<i32>} : memref<32x64xi32, #tpu.memory_space<vmem>>, vector<16xi32>,
    %lt3A_337 = arith.constant 30 : i32
    %lt3A_338 = arith.cmpi slt, %lt3A_337, %add3A : i32
    %convert_element_type3A_339 = arith.extui %lt3A_338 : i1 to i32
    %mul3A_340 = vector.broadcast %convert_element_type3A_339 : i32 to vector<16xi32>
    %mul3A_341 = arith.muli %get3A_336, %mul3A_340 : vector<16xi32>
    %add3A_342 = arith.addi %add3A_331, %mul3A_341 : vector<16xi32>
    %add3A_343 = arith.addi %add3A_332, %get3A_336 : vector<16xi32>
    %get3A_344 = arith.constant 31 : i32
    %get3A_345 = arith.index_cast %get3A_344 : i32 to index
    %get3A_346 = arith.constant 0 : index
    %get3A_347 = tpu.vector_load %arg8[%get3A_345, %get3A_346] {strides = array<i32>} : memref<32x64xi32, #tpu.memory_space<vmem>>, vector<16xi32>,
    %lt3A_348 = arith.constant 31 : i32
    %lt3A_349 = arith.cmpi slt, %lt3A_348, %add3A : i32
    %convert_element_type3A_350 = arith.extui %lt3A_349 : i1 to i32
    %mul3A_351 = vector.broadcast %convert_element_type3A_350 : i32 to vector<16xi32>
    %mul3A_352 = arith.muli %get3A_347, %mul3A_351 : vector<16xi32>
    %add3A_353 = arith.addi %add3A_342, %mul3A_352 : vector<16xi32>
    %add3A_354 = arith.addi %add3A_343, %get3A_347 : vector<16xi32>
    %broadcast_in_dim3A_355 = arith.constant true
    %broadcast_in_dim3A_356 = vector.broadcast %broadcast_in_dim3A_355 : i1 to vector<16xi1>
    %masked_cumsum3A = tpu.scan <sum>, %add3A_354 masked %broadcast_in_dim3A_356 : vector<16xi32>, vector<16xi1> -> vector<16xi32>
    %sub3A = arith.subi %masked_cumsum3A, %add3A_354 : vector<16xi32>
    %add3A_357 = arith.constant 0 : i32
    %add3A_358 = vector.broadcast %add3A_357 : i32 to vector<16xi32>
    %add3A_359 = arith.addi %sub3A, %add3A_358 : vector<16xi32>
    %reduce_sum3A = arith.constant true
    %reduce_sum3A_360 = vector.broadcast %reduce_sum3A : i1 to vector<16xi1>
    %reduce_sum3A_361 = tpu.scan <sum>, %add3A_354 masked %reduce_sum3A_360 : vector<16xi32>, vector<16xi1> -> vector<16xi32>
    %reduce_sum3A_362 = vector.extract %reduce_sum3A_361[15] : i32 from vector<16xi32>
    %add3A_363 = arith.constant 0 : i32
    %add3A_364 = arith.addi %add3A_363, %reduce_sum3A_362 : i32
    %add3A_365 = arith.addi %add3A_359, %add3A_353 : vector<16xi32>
    %swap3A = arith.constant 0 : index
    %swap3A_366 = tpu.vector_load %arg9[%swap3A] {strides = array<i32>} : memref<64xi32, #tpu.memory_space<vmem>>, vector<16xi32>,
    tpu.vector_store %arg9[%swap3A], %add3A_365 {strides = array<i32>} : memref<64xi32, #tpu.memory_space<vmem>>, vector<16xi32>,
    %get3A_367 = arith.constant 0 : i32
    %get3A_368 = arith.index_cast %get3A_367 : i32 to index
    %get3A_369 = arith.constant 16 : index
    %get3A_370 = tpu.vector_load %arg8[%get3A_368, %get3A_369] {strides = array<i32>} : memref<32x64xi32, #tpu.memory_space<vmem>>, vector<16xi32>,
    %lt3A_371 = arith.constant 0 : i32
    %lt3A_372 = arith.cmpi slt, %lt3A_371, %add3A : i32
    %convert_element_type3A_373 = arith.extui %lt3A_372 : i1 to i32
    %mul3A_374 = vector.broadcast %convert_element_type3A_373 : i32 to vector<16xi32>
    %mul3A_375 = arith.muli %get3A_370, %mul3A_374 : vector<16xi32>
    %add3A_376 = arith.addi %broadcast_in_dim3A_3, %mul3A_375 : vector<16xi32>
    %add3A_377 = arith.addi %broadcast_in_dim3A_3, %get3A_370 : vector<16xi32>
    %get3A_378 = arith.constant 1 : i32
    %get3A_379 = arith.index_cast %get3A_378 : i32 to index
    %get3A_380 = arith.constant 16 : index
    %get3A_381 = tpu.vector_load %arg8[%get3A_379, %get3A_380] {strides = array<i32>} : memref<32x64xi32, #tpu.memory_space<vmem>>, vector<16xi32>,
    %lt3A_382 = arith.constant 1 : i32
    %lt3A_383 = arith.cmpi slt, %lt3A_382, %add3A : i32
    %convert_element_type3A_384 = arith.extui %lt3A_383 : i1 to i32
    %mul3A_385 = vector.broadcast %convert_element_type3A_384 : i32 to vector<16xi32>
    %mul3A_386 = arith.muli %get3A_381, %mul3A_385 : vector<16xi32>
    %add3A_387 = arith.addi %add3A_376, %mul3A_386 : vector<16xi32>
    %add3A_388 = arith.addi %add3A_377, %get3A_381 : vector<16xi32>
    %get3A_389 = arith.constant 2 : i32
    %get3A_390 = arith.index_cast %get3A_389 : i32 to index
    %get3A_391 = arith.constant 16 : index
    %get3A_392 = tpu.vector_load %arg8[%get3A_390, %get3A_391] {strides = array<i32>} : memref<32x64xi32, #tpu.memory_space<vmem>>, vector<16xi32>,
    %lt3A_393 = arith.constant 2 : i32
    %lt3A_394 = arith.cmpi slt, %lt3A_393, %add3A : i32
    %convert_element_type3A_395 = arith.extui %lt3A_394 : i1 to i32
    %mul3A_396 = vector.broadcast %convert_element_type3A_395 : i32 to vector<16xi32>
    %mul3A_397 = arith.muli %get3A_392, %mul3A_396 : vector<16xi32>
    %add3A_398 = arith.addi %add3A_387, %mul3A_397 : vector<16xi32>
    %add3A_399 = arith.addi %add3A_388, %get3A_392 : vector<16xi32>
    %get3A_400 = arith.constant 3 : i32
    %get3A_401 = arith.index_cast %get3A_400 : i32 to index
    %get3A_402 = arith.constant 16 : index
    %get3A_403 = tpu.vector_load %arg8[%get3A_401, %get3A_402] {strides = array<i32>} : memref<32x64xi32, #tpu.memory_space<vmem>>, vector<16xi32>,
    %lt3A_404 = arith.constant 3 : i32
    %lt3A_405 = arith.cmpi slt, %lt3A_404, %add3A : i32
    %convert_element_type3A_406 = arith.extui %lt3A_405 : i1 to i32
    %mul3A_407 = vector.broadcast %convert_element_type3A_406 : i32 to vector<16xi32>
    %mul3A_408 = arith.muli %get3A_403, %mul3A_407 : vector<16xi32>
    %add3A_409 = arith.addi %add3A_398, %mul3A_408 : vector<16xi32>
    %add3A_410 = arith.addi %add3A_399, %get3A_403 : vector<16xi32>
    %get3A_411 = arith.constant 4 : i32
    %get3A_412 = arith.index_cast %get3A_411 : i32 to index
    %get3A_413 = arith.constant 16 : index
    %get3A_414 = tpu.vector_load %arg8[%get3A_412, %get3A_413] {strides = array<i32>} : memref<32x64xi32, #tpu.memory_space<vmem>>, vector<16xi32>,
    %lt3A_415 = arith.constant 4 : i32
    %lt3A_416 = arith.cmpi slt, %lt3A_415, %add3A : i32
    %convert_element_type3A_417 = arith.extui %lt3A_416 : i1 to i32
    %mul3A_418 = vector.broadcast %convert_element_type3A_417 : i32 to vector<16xi32>
    %mul3A_419 = arith.muli %get3A_414, %mul3A_418 : vector<16xi32>
    %add3A_420 = arith.addi %add3A_409, %mul3A_419 : vector<16xi32>
    %add3A_421 = arith.addi %add3A_410, %get3A_414 : vector<16xi32>
    %get3A_422 = arith.constant 5 : i32
    %get3A_423 = arith.index_cast %get3A_422 : i32 to index
    %get3A_424 = arith.constant 16 : index
    %get3A_425 = tpu.vector_load %arg8[%get3A_423, %get3A_424] {strides = array<i32>} : memref<32x64xi32, #tpu.memory_space<vmem>>, vector<16xi32>,
    %lt3A_426 = arith.constant 5 : i32
    %lt3A_427 = arith.cmpi slt, %lt3A_426, %add3A : i32
    %convert_element_type3A_428 = arith.extui %lt3A_427 : i1 to i32
    %mul3A_429 = vector.broadcast %convert_element_type3A_428 : i32 to vector<16xi32>
    %mul3A_430 = arith.muli %get3A_425, %mul3A_429 : vector<16xi32>
    %add3A_431 = arith.addi %add3A_420, %mul3A_430 : vector<16xi32>
    %add3A_432 = arith.addi %add3A_421, %get3A_425 : vector<16xi32>
    %get3A_433 = arith.constant 6 : i32
    %get3A_434 = arith.index_cast %get3A_433 : i32 to index
    %get3A_435 = arith.constant 16 : index
    %get3A_436 = tpu.vector_load %arg8[%get3A_434, %get3A_435] {strides = array<i32>} : memref<32x64xi32, #tpu.memory_space<vmem>>, vector<16xi32>,
    %lt3A_437 = arith.constant 6 : i32
    %lt3A_438 = arith.cmpi slt, %lt3A_437, %add3A : i32
    %convert_element_type3A_439 = arith.extui %lt3A_438 : i1 to i32
    %mul3A_440 = vector.broadcast %convert_element_type3A_439 : i32 to vector<16xi32>
    %mul3A_441 = arith.muli %get3A_436, %mul3A_440 : vector<16xi32>
    %add3A_442 = arith.addi %add3A_431, %mul3A_441 : vector<16xi32>
    %add3A_443 = arith.addi %add3A_432, %get3A_436 : vector<16xi32>
    %get3A_444 = arith.constant 7 : i32
    %get3A_445 = arith.index_cast %get3A_444 : i32 to index
    %get3A_446 = arith.constant 16 : index
    %get3A_447 = tpu.vector_load %arg8[%get3A_445, %get3A_446] {strides = array<i32>} : memref<32x64xi32, #tpu.memory_space<vmem>>, vector<16xi32>,
    %lt3A_448 = arith.constant 7 : i32
    %lt3A_449 = arith.cmpi slt, %lt3A_448, %add3A : i32
    %convert_element_type3A_450 = arith.extui %lt3A_449 : i1 to i32
    %mul3A_451 = vector.broadcast %convert_element_type3A_450 : i32 to vector<16xi32>
    %mul3A_452 = arith.muli %get3A_447, %mul3A_451 : vector<16xi32>
    %add3A_453 = arith.addi %add3A_442, %mul3A_452 : vector<16xi32>
    %add3A_454 = arith.addi %add3A_443, %get3A_447 : vector<16xi32>
    %get3A_455 = arith.constant 8 : i32
    %get3A_456 = arith.index_cast %get3A_455 : i32 to index
    %get3A_457 = arith.constant 16 : index
    %get3A_458 = tpu.vector_load %arg8[%get3A_456, %get3A_457] {strides = array<i32>} : memref<32x64xi32, #tpu.memory_space<vmem>>, vector<16xi32>,
    %lt3A_459 = arith.constant 8 : i32
    %lt3A_460 = arith.cmpi slt, %lt3A_459, %add3A : i32
    %convert_element_type3A_461 = arith.extui %lt3A_460 : i1 to i32
    %mul3A_462 = vector.broadcast %convert_element_type3A_461 : i32 to vector<16xi32>
    %mul3A_463 = arith.muli %get3A_458, %mul3A_462 : vector<16xi32>
    %add3A_464 = arith.addi %add3A_453, %mul3A_463 : vector<16xi32>
    %add3A_465 = arith.addi %add3A_454, %get3A_458 : vector<16xi32>
    %get3A_466 = arith.constant 9 : i32
    %get3A_467 = arith.index_cast %get3A_466 : i32 to index
    %get3A_468 = arith.constant 16 : index
    %get3A_469 = tpu.vector_load %arg8[%get3A_467, %get3A_468] {strides = array<i32>} : memref<32x64xi32, #tpu.memory_space<vmem>>, vector<16xi32>,
    %lt3A_470 = arith.constant 9 : i32
    %lt3A_471 = arith.cmpi slt, %lt3A_470, %add3A : i32
    %convert_element_type3A_472 = arith.extui %lt3A_471 : i1 to i32
    %mul3A_473 = vector.broadcast %convert_element_type3A_472 : i32 to vector<16xi32>
    %mul3A_474 = arith.muli %get3A_469, %mul3A_473 : vector<16xi32>
    %add3A_475 = arith.addi %add3A_464, %mul3A_474 : vector<16xi32>
    %add3A_476 = arith.addi %add3A_465, %get3A_469 : vector<16xi32>
    %get3A_477 = arith.constant 10 : i32
    %get3A_478 = arith.index_cast %get3A_477 : i32 to index
    %get3A_479 = arith.constant 16 : index
    %get3A_480 = tpu.vector_load %arg8[%get3A_478, %get3A_479] {strides = array<i32>} : memref<32x64xi32, #tpu.memory_space<vmem>>, vector<16xi32>,
    %lt3A_481 = arith.constant 10 : i32
    %lt3A_482 = arith.cmpi slt, %lt3A_481, %add3A : i32
    %convert_element_type3A_483 = arith.extui %lt3A_482 : i1 to i32
    %mul3A_484 = vector.broadcast %convert_element_type3A_483 : i32 to vector<16xi32>
    %mul3A_485 = arith.muli %get3A_480, %mul3A_484 : vector<16xi32>
    %add3A_486 = arith.addi %add3A_475, %mul3A_485 : vector<16xi32>
    %add3A_487 = arith.addi %add3A_476, %get3A_480 : vector<16xi32>
    %get3A_488 = arith.constant 11 : i32
    %get3A_489 = arith.index_cast %get3A_488 : i32 to index
    %get3A_490 = arith.constant 16 : index
    %get3A_491 = tpu.vector_load %arg8[%get3A_489, %get3A_490] {strides = array<i32>} : memref<32x64xi32, #tpu.memory_space<vmem>>, vector<16xi32>,
    %lt3A_492 = arith.constant 11 : i32
    %lt3A_493 = arith.cmpi slt, %lt3A_492, %add3A : i32
    %convert_element_type3A_494 = arith.extui %lt3A_493 : i1 to i32
    %mul3A_495 = vector.broadcast %convert_element_type3A_494 : i32 to vector<16xi32>
    %mul3A_496 = arith.muli %get3A_491, %mul3A_495 : vector<16xi32>
    %add3A_497 = arith.addi %add3A_486, %mul3A_496 : vector<16xi32>
    %add3A_498 = arith.addi %add3A_487, %get3A_491 : vector<16xi32>
    %get3A_499 = arith.constant 12 : i32
    %get3A_500 = arith.index_cast %get3A_499 : i32 to index
    %get3A_501 = arith.constant 16 : index
    %get3A_502 = tpu.vector_load %arg8[%get3A_500, %get3A_501] {strides = array<i32>} : memref<32x64xi32, #tpu.memory_space<vmem>>, vector<16xi32>,
    %lt3A_503 = arith.constant 12 : i32
    %lt3A_504 = arith.cmpi slt, %lt3A_503, %add3A : i32
    %convert_element_type3A_505 = arith.extui %lt3A_504 : i1 to i32
    %mul3A_506 = vector.broadcast %convert_element_type3A_505 : i32 to vector<16xi32>
    %mul3A_507 = arith.muli %get3A_502, %mul3A_506 : vector<16xi32>
    %add3A_508 = arith.addi %add3A_497, %mul3A_507 : vector<16xi32>
    %add3A_509 = arith.addi %add3A_498, %get3A_502 : vector<16xi32>
    %get3A_510 = arith.constant 13 : i32
    %get3A_511 = arith.index_cast %get3A_510 : i32 to index
    %get3A_512 = arith.constant 16 : index
    %get3A_513 = tpu.vector_load %arg8[%get3A_511, %get3A_512] {strides = array<i32>} : memref<32x64xi32, #tpu.memory_space<vmem>>, vector<16xi32>,
    %lt3A_514 = arith.constant 13 : i32
    %lt3A_515 = arith.cmpi slt, %lt3A_514, %add3A : i32
    %convert_element_type3A_516 = arith.extui %lt3A_515 : i1 to i32
    %mul3A_517 = vector.broadcast %convert_element_type3A_516 : i32 to vector<16xi32>
    %mul3A_518 = arith.muli %get3A_513, %mul3A_517 : vector<16xi32>
    %add3A_519 = arith.addi %add3A_508, %mul3A_518 : vector<16xi32>
    %add3A_520 = arith.addi %add3A_509, %get3A_513 : vector<16xi32>
    %get3A_521 = arith.constant 14 : i32
    %get3A_522 = arith.index_cast %get3A_521 : i32 to index
    %get3A_523 = arith.constant 16 : index
    %get3A_524 = tpu.vector_load %arg8[%get3A_522, %get3A_523] {strides = array<i32>} : memref<32x64xi32, #tpu.memory_space<vmem>>, vector<16xi32>,
    %lt3A_525 = arith.constant 14 : i32
    %lt3A_526 = arith.cmpi slt, %lt3A_525, %add3A : i32
    %convert_element_type3A_527 = arith.extui %lt3A_526 : i1 to i32
    %mul3A_528 = vector.broadcast %convert_element_type3A_527 : i32 to vector<16xi32>
    %mul3A_529 = arith.muli %get3A_524, %mul3A_528 : vector<16xi32>
    %add3A_530 = arith.addi %add3A_519, %mul3A_529 : vector<16xi32>
    %add3A_531 = arith.addi %add3A_520, %get3A_524 : vector<16xi32>
    %get3A_532 = arith.constant 15 : i32
    %get3A_533 = arith.index_cast %get3A_532 : i32 to index
    %get3A_534 = arith.constant 16 : index
    %get3A_535 = tpu.vector_load %arg8[%get3A_533, %get3A_534] {strides = array<i32>} : memref<32x64xi32, #tpu.memory_space<vmem>>, vector<16xi32>,
    %lt3A_536 = arith.constant 15 : i32
    %lt3A_537 = arith.cmpi slt, %lt3A_536, %add3A : i32
    %convert_element_type3A_538 = arith.extui %lt3A_537 : i1 to i32
    %mul3A_539 = vector.broadcast %convert_element_type3A_538 : i32 to vector<16xi32>
    %mul3A_540 = arith.muli %get3A_535, %mul3A_539 : vector<16xi32>
    %add3A_541 = arith.addi %add3A_530, %mul3A_540 : vector<16xi32>
    %add3A_542 = arith.addi %add3A_531, %get3A_535 : vector<16xi32>
    %get3A_543 = arith.constant 16 : i32
    %get3A_544 = arith.index_cast %get3A_543 : i32 to index
    %get3A_545 = arith.constant 16 : index
    %get3A_546 = tpu.vector_load %arg8[%get3A_544, %get3A_545] {strides = array<i32>} : memref<32x64xi32, #tpu.memory_space<vmem>>, vector<16xi32>,
    %lt3A_547 = arith.constant 16 : i32
    %lt3A_548 = arith.cmpi slt, %lt3A_547, %add3A : i32
    %convert_element_type3A_549 = arith.extui %lt3A_548 : i1 to i32
    %mul3A_550 = vector.broadcast %convert_element_type3A_549 : i32 to vector<16xi32>
    %mul3A_551 = arith.muli %get3A_546, %mul3A_550 : vector<16xi32>
    %add3A_552 = arith.addi %add3A_541, %mul3A_551 : vector<16xi32>
    %add3A_553 = arith.addi %add3A_542, %get3A_546 : vector<16xi32>
    %get3A_554 = arith.constant 17 : i32
    %get3A_555 = arith.index_cast %get3A_554 : i32 to index
    %get3A_556 = arith.constant 16 : index
    %get3A_557 = tpu.vector_load %arg8[%get3A_555, %get3A_556] {strides = array<i32>} : memref<32x64xi32, #tpu.memory_space<vmem>>, vector<16xi32>,
    %lt3A_558 = arith.constant 17 : i32
    %lt3A_559 = arith.cmpi slt, %lt3A_558, %add3A : i32
    %convert_element_type3A_560 = arith.extui %lt3A_559 : i1 to i32
    %mul3A_561 = vector.broadcast %convert_element_type3A_560 : i32 to vector<16xi32>
    %mul3A_562 = arith.muli %get3A_557, %mul3A_561 : vector<16xi32>
    %add3A_563 = arith.addi %add3A_552, %mul3A_562 : vector<16xi32>
    %add3A_564 = arith.addi %add3A_553, %get3A_557 : vector<16xi32>
    %get3A_565 = arith.constant 18 : i32
    %get3A_566 = arith.index_cast %get3A_565 : i32 to index
    %get3A_567 = arith.constant 16 : index
    %get3A_568 = tpu.vector_load %arg8[%get3A_566, %get3A_567] {strides = array<i32>} : memref<32x64xi32, #tpu.memory_space<vmem>>, vector<16xi32>,
    %lt3A_569 = arith.constant 18 : i32
    %lt3A_570 = arith.cmpi slt, %lt3A_569, %add3A : i32
    %convert_element_type3A_571 = arith.extui %lt3A_570 : i1 to i32
    %mul3A_572 = vector.broadcast %convert_element_type3A_571 : i32 to vector<16xi32>
    %mul3A_573 = arith.muli %get3A_568, %mul3A_572 : vector<16xi32>
    %add3A_574 = arith.addi %add3A_563, %mul3A_573 : vector<16xi32>
    %add3A_575 = arith.addi %add3A_564, %get3A_568 : vector<16xi32>
    %get3A_576 = arith.constant 19 : i32
    %get3A_577 = arith.index_cast %get3A_576 : i32 to index
    %get3A_578 = arith.constant 16 : index
    %get3A_579 = tpu.vector_load %arg8[%get3A_577, %get3A_578] {strides = array<i32>} : memref<32x64xi32, #tpu.memory_space<vmem>>, vector<16xi32>,
    %lt3A_580 = arith.constant 19 : i32
    %lt3A_581 = arith.cmpi slt, %lt3A_580, %add3A : i32
    %convert_element_type3A_582 = arith.extui %lt3A_581 : i1 to i32
    %mul3A_583 = vector.broadcast %convert_element_type3A_582 : i32 to vector<16xi32>
    %mul3A_584 = arith.muli %get3A_579, %mul3A_583 : vector<16xi32>
    %add3A_585 = arith.addi %add3A_574, %mul3A_584 : vector<16xi32>
    %add3A_586 = arith.addi %add3A_575, %get3A_579 : vector<16xi32>
    %get3A_587 = arith.constant 20 : i32
    %get3A_588 = arith.index_cast %get3A_587 : i32 to index
    %get3A_589 = arith.constant 16 : index
    %get3A_590 = tpu.vector_load %arg8[%get3A_588, %get3A_589] {strides = array<i32>} : memref<32x64xi32, #tpu.memory_space<vmem>>, vector<16xi32>,
    %lt3A_591 = arith.constant 20 : i32
    %lt3A_592 = arith.cmpi slt, %lt3A_591, %add3A : i32
    %convert_element_type3A_593 = arith.extui %lt3A_592 : i1 to i32
    %mul3A_594 = vector.broadcast %convert_element_type3A_593 : i32 to vector<16xi32>
    %mul3A_595 = arith.muli %get3A_590, %mul3A_594 : vector<16xi32>
    %add3A_596 = arith.addi %add3A_585, %mul3A_595 : vector<16xi32>
    %add3A_597 = arith.addi %add3A_586, %get3A_590 : vector<16xi32>
    %get3A_598 = arith.constant 21 : i32
    %get3A_599 = arith.index_cast %get3A_598 : i32 to index
    %get3A_600 = arith.constant 16 : index
    %get3A_601 = tpu.vector_load %arg8[%get3A_599, %get3A_600] {strides = array<i32>} : memref<32x64xi32, #tpu.memory_space<vmem>>, vector<16xi32>,
    %lt3A_602 = arith.constant 21 : i32
    %lt3A_603 = arith.cmpi slt, %lt3A_602, %add3A : i32
    %convert_element_type3A_604 = arith.extui %lt3A_603 : i1 to i32
    %mul3A_605 = vector.broadcast %convert_element_type3A_604 : i32 to vector<16xi32>
    %mul3A_606 = arith.muli %get3A_601, %mul3A_605 : vector<16xi32>
    %add3A_607 = arith.addi %add3A_596, %mul3A_606 : vector<16xi32>
    %add3A_608 = arith.addi %add3A_597, %get3A_601 : vector<16xi32>
    %get3A_609 = arith.constant 22 : i32
    %get3A_610 = arith.index_cast %get3A_609 : i32 to index
    %get3A_611 = arith.constant 16 : index
    %get3A_612 = tpu.vector_load %arg8[%get3A_610, %get3A_611] {strides = array<i32>} : memref<32x64xi32, #tpu.memory_space<vmem>>, vector<16xi32>,
    %lt3A_613 = arith.constant 22 : i32
    %lt3A_614 = arith.cmpi slt, %lt3A_613, %add3A : i32
    %convert_element_type3A_615 = arith.extui %lt3A_614 : i1 to i32
    %mul3A_616 = vector.broadcast %convert_element_type3A_615 : i32 to vector<16xi32>
    %mul3A_617 = arith.muli %get3A_612, %mul3A_616 : vector<16xi32>
    %add3A_618 = arith.addi %add3A_607, %mul3A_617 : vector<16xi32>
    %add3A_619 = arith.addi %add3A_608, %get3A_612 : vector<16xi32>
    %get3A_620 = arith.constant 23 : i32
    %get3A_621 = arith.index_cast %get3A_620 : i32 to index
    %get3A_622 = arith.constant 16 : index
    %get3A_623 = tpu.vector_load %arg8[%get3A_621, %get3A_622] {strides = array<i32>} : memref<32x64xi32, #tpu.memory_space<vmem>>, vector<16xi32>,
    %lt3A_624 = arith.constant 23 : i32
    %lt3A_625 = arith.cmpi slt, %lt3A_624, %add3A : i32
    %convert_element_type3A_626 = arith.extui %lt3A_625 : i1 to i32
    %mul3A_627 = vector.broadcast %convert_element_type3A_626 : i32 to vector<16xi32>
    %mul3A_628 = arith.muli %get3A_623, %mul3A_627 : vector<16xi32>
    %add3A_629 = arith.addi %add3A_618, %mul3A_628 : vector<16xi32>
    %add3A_630 = arith.addi %add3A_619, %get3A_623 : vector<16xi32>
    %get3A_631 = arith.constant 24 : i32
    %get3A_632 = arith.index_cast %get3A_631 : i32 to index
    %get3A_633 = arith.constant 16 : index
    %get3A_634 = tpu.vector_load %arg8[%get3A_632, %get3A_633] {strides = array<i32>} : memref<32x64xi32, #tpu.memory_space<vmem>>, vector<16xi32>,
    %lt3A_635 = arith.constant 24 : i32
    %lt3A_636 = arith.cmpi slt, %lt3A_635, %add3A : i32
    %convert_element_type3A_637 = arith.extui %lt3A_636 : i1 to i32
    %mul3A_638 = vector.broadcast %convert_element_type3A_637 : i32 to vector<16xi32>
    %mul3A_639 = arith.muli %get3A_634, %mul3A_638 : vector<16xi32>
    %add3A_640 = arith.addi %add3A_629, %mul3A_639 : vector<16xi32>
    %add3A_641 = arith.addi %add3A_630, %get3A_634 : vector<16xi32>
    %get3A_642 = arith.constant 25 : i32
    %get3A_643 = arith.index_cast %get3A_642 : i32 to index
    %get3A_644 = arith.constant 16 : index
    %get3A_645 = tpu.vector_load %arg8[%get3A_643, %get3A_644] {strides = array<i32>} : memref<32x64xi32, #tpu.memory_space<vmem>>, vector<16xi32>,
    %lt3A_646 = arith.constant 25 : i32
    %lt3A_647 = arith.cmpi slt, %lt3A_646, %add3A : i32
    %convert_element_type3A_648 = arith.extui %lt3A_647 : i1 to i32
    %mul3A_649 = vector.broadcast %convert_element_type3A_648 : i32 to vector<16xi32>
    %mul3A_650 = arith.muli %get3A_645, %mul3A_649 : vector<16xi32>
    %add3A_651 = arith.addi %add3A_640, %mul3A_650 : vector<16xi32>
    %add3A_652 = arith.addi %add3A_641, %get3A_645 : vector<16xi32>
    %get3A_653 = arith.constant 26 : i32
    %get3A_654 = arith.index_cast %get3A_653 : i32 to index
    %get3A_655 = arith.constant 16 : index
    %get3A_656 = tpu.vector_load %arg8[%get3A_654, %get3A_655] {strides = array<i32>} : memref<32x64xi32, #tpu.memory_space<vmem>>, vector<16xi32>,
    %lt3A_657 = arith.constant 26 : i32
    %lt3A_658 = arith.cmpi slt, %lt3A_657, %add3A : i32
    %convert_element_type3A_659 = arith.extui %lt3A_658 : i1 to i32
    %mul3A_660 = vector.broadcast %convert_element_type3A_659 : i32 to vector<16xi32>
    %mul3A_661 = arith.muli %get3A_656, %mul3A_660 : vector<16xi32>
    %add3A_662 = arith.addi %add3A_651, %mul3A_661 : vector<16xi32>
    %add3A_663 = arith.addi %add3A_652, %get3A_656 : vector<16xi32>
    %get3A_664 = arith.constant 27 : i32
    %get3A_665 = arith.index_cast %get3A_664 : i32 to index
    %get3A_666 = arith.constant 16 : index
    %get3A_667 = tpu.vector_load %arg8[%get3A_665, %get3A_666] {strides = array<i32>} : memref<32x64xi32, #tpu.memory_space<vmem>>, vector<16xi32>,
    %lt3A_668 = arith.constant 27 : i32
    %lt3A_669 = arith.cmpi slt, %lt3A_668, %add3A : i32
    %convert_element_type3A_670 = arith.extui %lt3A_669 : i1 to i32
    %mul3A_671 = vector.broadcast %convert_element_type3A_670 : i32 to vector<16xi32>
    %mul3A_672 = arith.muli %get3A_667, %mul3A_671 : vector<16xi32>
    %add3A_673 = arith.addi %add3A_662, %mul3A_672 : vector<16xi32>
    %add3A_674 = arith.addi %add3A_663, %get3A_667 : vector<16xi32>
    %get3A_675 = arith.constant 28 : i32
    %get3A_676 = arith.index_cast %get3A_675 : i32 to index
    %get3A_677 = arith.constant 16 : index
    %get3A_678 = tpu.vector_load %arg8[%get3A_676, %get3A_677] {strides = array<i32>} : memref<32x64xi32, #tpu.memory_space<vmem>>, vector<16xi32>,
    %lt3A_679 = arith.constant 28 : i32
    %lt3A_680 = arith.cmpi slt, %lt3A_679, %add3A : i32
    %convert_element_type3A_681 = arith.extui %lt3A_680 : i1 to i32
    %mul3A_682 = vector.broadcast %convert_element_type3A_681 : i32 to vector<16xi32>
    %mul3A_683 = arith.muli %get3A_678, %mul3A_682 : vector<16xi32>
    %add3A_684 = arith.addi %add3A_673, %mul3A_683 : vector<16xi32>
    %add3A_685 = arith.addi %add3A_674, %get3A_678 : vector<16xi32>
    %get3A_686 = arith.constant 29 : i32
    %get3A_687 = arith.index_cast %get3A_686 : i32 to index
    %get3A_688 = arith.constant 16 : index
    %get3A_689 = tpu.vector_load %arg8[%get3A_687, %get3A_688] {strides = array<i32>} : memref<32x64xi32, #tpu.memory_space<vmem>>, vector<16xi32>,
    %lt3A_690 = arith.constant 29 : i32
    %lt3A_691 = arith.cmpi slt, %lt3A_690, %add3A : i32
    %convert_element_type3A_692 = arith.extui %lt3A_691 : i1 to i32
    %mul3A_693 = vector.broadcast %convert_element_type3A_692 : i32 to vector<16xi32>
    %mul3A_694 = arith.muli %get3A_689, %mul3A_693 : vector<16xi32>
    %add3A_695 = arith.addi %add3A_684, %mul3A_694 : vector<16xi32>
    %add3A_696 = arith.addi %add3A_685, %get3A_689 : vector<16xi32>
    %get3A_697 = arith.constant 30 : i32
    %get3A_698 = arith.index_cast %get3A_697 : i32 to index
    %get3A_699 = arith.constant 16 : index
    %get3A_700 = tpu.vector_load %arg8[%get3A_698, %get3A_699] {strides = array<i32>} : memref<32x64xi32, #tpu.memory_space<vmem>>, vector<16xi32>,
    %lt3A_701 = arith.constant 30 : i32
    %lt3A_702 = arith.cmpi slt, %lt3A_701, %add3A : i32
    %convert_element_type3A_703 = arith.extui %lt3A_702 : i1 to i32
    %mul3A_704 = vector.broadcast %convert_element_type3A_703 : i32 to vector<16xi32>
    %mul3A_705 = arith.muli %get3A_700, %mul3A_704 : vector<16xi32>
    %add3A_706 = arith.addi %add3A_695, %mul3A_705 : vector<16xi32>
    %add3A_707 = arith.addi %add3A_696, %get3A_700 : vector<16xi32>
    %get3A_708 = arith.constant 31 : i32
    %get3A_709 = arith.index_cast %get3A_708 : i32 to index
    %get3A_710 = arith.constant 16 : index
    %get3A_711 = tpu.vector_load %arg8[%get3A_709, %get3A_710] {strides = array<i32>} : memref<32x64xi32, #tpu.memory_space<vmem>>, vector<16xi32>,
    %lt3A_712 = arith.constant 31 : i32
    %lt3A_713 = arith.cmpi slt, %lt3A_712, %add3A : i32
    %convert_element_type3A_714 = arith.extui %lt3A_713 : i1 to i32
    %mul3A_715 = vector.broadcast %convert_element_type3A_714 : i32 to vector<16xi32>
    %mul3A_716 = arith.muli %get3A_711, %mul3A_715 : vector<16xi32>
    %add3A_717 = arith.addi %add3A_706, %mul3A_716 : vector<16xi32>
    %add3A_718 = arith.addi %add3A_707, %get3A_711 : vector<16xi32>
    %broadcast_in_dim3A_719 = arith.constant true
    %broadcast_in_dim3A_720 = vector.broadcast %broadcast_in_dim3A_719 : i1 to vector<16xi1>
    %masked_cumsum3A_721 = tpu.scan <sum>, %add3A_718 masked %broadcast_in_dim3A_720 : vector<16xi32>, vector<16xi1> -> vector<16xi32>
    %sub3A_722 = arith.subi %masked_cumsum3A_721, %add3A_718 : vector<16xi32>
    %add3A_723 = vector.broadcast %add3A_364 : i32 to vector<16xi32>
    %add3A_724 = arith.addi %sub3A_722, %add3A_723 : vector<16xi32>
    %reduce_sum3A_725 = arith.constant true
    %reduce_sum3A_726 = vector.broadcast %reduce_sum3A_725 : i1 to vector<16xi1>
    %reduce_sum3A_727 = tpu.scan <sum>, %add3A_718 masked %reduce_sum3A_726 : vector<16xi32>, vector<16xi1> -> vector<16xi32>
    %reduce_sum3A_728 = vector.extract %reduce_sum3A_727[15] : i32 from vector<16xi32>
    %add3A_729 = arith.addi %add3A_364, %reduce_sum3A_728 : i32
    %add3A_730 = arith.addi %add3A_724, %add3A_717 : vector<16xi32>
    %swap3A_731 = arith.constant 16 : index
    %swap3A_732 = tpu.vector_load %arg9[%swap3A_731] {strides = array<i32>} : memref<64xi32, #tpu.memory_space<vmem>>, vector<16xi32>,
    tpu.vector_store %arg9[%swap3A_731], %add3A_730 {strides = array<i32>} : memref<64xi32, #tpu.memory_space<vmem>>, vector<16xi32>,
    %get3A_733 = arith.constant 0 : i32
    %get3A_734 = arith.index_cast %get3A_733 : i32 to index
    %get3A_735 = arith.constant 32 : index
    %get3A_736 = tpu.vector_load %arg8[%get3A_734, %get3A_735] {strides = array<i32>} : memref<32x64xi32, #tpu.memory_space<vmem>>, vector<16xi32>,
    %lt3A_737 = arith.constant 0 : i32
    %lt3A_738 = arith.cmpi slt, %lt3A_737, %add3A : i32
    %convert_element_type3A_739 = arith.extui %lt3A_738 : i1 to i32
    %mul3A_740 = vector.broadcast %convert_element_type3A_739 : i32 to vector<16xi32>
    %mul3A_741 = arith.muli %get3A_736, %mul3A_740 : vector<16xi32>
    %add3A_742 = arith.addi %broadcast_in_dim3A_3, %mul3A_741 : vector<16xi32>
    %add3A_743 = arith.addi %broadcast_in_dim3A_3, %get3A_736 : vector<16xi32>
    %get3A_744 = arith.constant 1 : i32
    %get3A_745 = arith.index_cast %get3A_744 : i32 to index
    %get3A_746 = arith.constant 32 : index
    %get3A_747 = tpu.vector_load %arg8[%get3A_745, %get3A_746] {strides = array<i32>} : memref<32x64xi32, #tpu.memory_space<vmem>>, vector<16xi32>,
    %lt3A_748 = arith.constant 1 : i32
    %lt3A_749 = arith.cmpi slt, %lt3A_748, %add3A : i32
    %convert_element_type3A_750 = arith.extui %lt3A_749 : i1 to i32
    %mul3A_751 = vector.broadcast %convert_element_type3A_750 : i32 to vector<16xi32>
    %mul3A_752 = arith.muli %get3A_747, %mul3A_751 : vector<16xi32>
    %add3A_753 = arith.addi %add3A_742, %mul3A_752 : vector<16xi32>
    %add3A_754 = arith.addi %add3A_743, %get3A_747 : vector<16xi32>
    %get3A_755 = arith.constant 2 : i32
    %get3A_756 = arith.index_cast %get3A_755 : i32 to index
    %get3A_757 = arith.constant 32 : index
    %get3A_758 = tpu.vector_load %arg8[%get3A_756, %get3A_757] {strides = array<i32>} : memref<32x64xi32, #tpu.memory_space<vmem>>, vector<16xi32>,
    %lt3A_759 = arith.constant 2 : i32
    %lt3A_760 = arith.cmpi slt, %lt3A_759, %add3A : i32
    %convert_element_type3A_761 = arith.extui %lt3A_760 : i1 to i32
    %mul3A_762 = vector.broadcast %convert_element_type3A_761 : i32 to vector<16xi32>
    %mul3A_763 = arith.muli %get3A_758, %mul3A_762 : vector<16xi32>
    %add3A_764 = arith.addi %add3A_753, %mul3A_763 : vector<16xi32>
    %add3A_765 = arith.addi %add3A_754, %get3A_758 : vector<16xi32>
    %get3A_766 = arith.constant 3 : i32
    %get3A_767 = arith.index_cast %get3A_766 : i32 to index
    %get3A_768 = arith.constant 32 : index
    %get3A_769 = tpu.vector_load %arg8[%get3A_767, %get3A_768] {strides = array<i32>} : memref<32x64xi32, #tpu.memory_space<vmem>>, vector<16xi32>,
    %lt3A_770 = arith.constant 3 : i32
    %lt3A_771 = arith.cmpi slt, %lt3A_770, %add3A : i32
    %convert_element_type3A_772 = arith.extui %lt3A_771 : i1 to i32
    %mul3A_773 = vector.broadcast %convert_element_type3A_772 : i32 to vector<16xi32>
    %mul3A_774 = arith.muli %get3A_769, %mul3A_773 : vector<16xi32>
    %add3A_775 = arith.addi %add3A_764, %mul3A_774 : vector<16xi32>
    %add3A_776 = arith.addi %add3A_765, %get3A_769 : vector<16xi32>
    %get3A_777 = arith.constant 4 : i32
    %get3A_778 = arith.index_cast %get3A_777 : i32 to index
    %get3A_779 = arith.constant 32 : index
    %get3A_780 = tpu.vector_load %arg8[%get3A_778, %get3A_779] {strides = array<i32>} : memref<32x64xi32, #tpu.memory_space<vmem>>, vector<16xi32>,
    %lt3A_781 = arith.constant 4 : i32
    %lt3A_782 = arith.cmpi slt, %lt3A_781, %add3A : i32
    %convert_element_type3A_783 = arith.extui %lt3A_782 : i1 to i32
    %mul3A_784 = vector.broadcast %convert_element_type3A_783 : i32 to vector<16xi32>
    %mul3A_785 = arith.muli %get3A_780, %mul3A_784 : vector<16xi32>
    %add3A_786 = arith.addi %add3A_775, %mul3A_785 : vector<16xi32>
    %add3A_787 = arith.addi %add3A_776, %get3A_780 : vector<16xi32>
    %get3A_788 = arith.constant 5 : i32
    %get3A_789 = arith.index_cast %get3A_788 : i32 to index
    %get3A_790 = arith.constant 32 : index
    %get3A_791 = tpu.vector_load %arg8[%get3A_789, %get3A_790] {strides = array<i32>} : memref<32x64xi32, #tpu.memory_space<vmem>>, vector<16xi32>,
    %lt3A_792 = arith.constant 5 : i32
    %lt3A_793 = arith.cmpi slt, %lt3A_792, %add3A : i32
    %convert_element_type3A_794 = arith.extui %lt3A_793 : i1 to i32
    %mul3A_795 = vector.broadcast %convert_element_type3A_794 : i32 to vector<16xi32>
    %mul3A_796 = arith.muli %get3A_791, %mul3A_795 : vector<16xi32>
    %add3A_797 = arith.addi %add3A_786, %mul3A_796 : vector<16xi32>
    %add3A_798 = arith.addi %add3A_787, %get3A_791 : vector<16xi32>
    %get3A_799 = arith.constant 6 : i32
    %get3A_800 = arith.index_cast %get3A_799 : i32 to index
    %get3A_801 = arith.constant 32 : index
    %get3A_802 = tpu.vector_load %arg8[%get3A_800, %get3A_801] {strides = array<i32>} : memref<32x64xi32, #tpu.memory_space<vmem>>, vector<16xi32>,
    %lt3A_803 = arith.constant 6 : i32
    %lt3A_804 = arith.cmpi slt, %lt3A_803, %add3A : i32
    %convert_element_type3A_805 = arith.extui %lt3A_804 : i1 to i32
    %mul3A_806 = vector.broadcast %convert_element_type3A_805 : i32 to vector<16xi32>
    %mul3A_807 = arith.muli %get3A_802, %mul3A_806 : vector<16xi32>
    %add3A_808 = arith.addi %add3A_797, %mul3A_807 : vector<16xi32>
    %add3A_809 = arith.addi %add3A_798, %get3A_802 : vector<16xi32>
    %get3A_810 = arith.constant 7 : i32
    %get3A_811 = arith.index_cast %get3A_810 : i32 to index
    %get3A_812 = arith.constant 32 : index
    %get3A_813 = tpu.vector_load %arg8[%get3A_811, %get3A_812] {strides = array<i32>} : memref<32x64xi32, #tpu.memory_space<vmem>>, vector<16xi32>,
    %lt3A_814 = arith.constant 7 : i32
    %lt3A_815 = arith.cmpi slt, %lt3A_814, %add3A : i32
    %convert_element_type3A_816 = arith.extui %lt3A_815 : i1 to i32
    %mul3A_817 = vector.broadcast %convert_element_type3A_816 : i32 to vector<16xi32>
    %mul3A_818 = arith.muli %get3A_813, %mul3A_817 : vector<16xi32>
    %add3A_819 = arith.addi %add3A_808, %mul3A_818 : vector<16xi32>
    %add3A_820 = arith.addi %add3A_809, %get3A_813 : vector<16xi32>
    %get3A_821 = arith.constant 8 : i32
    %get3A_822 = arith.index_cast %get3A_821 : i32 to index
    %get3A_823 = arith.constant 32 : index
    %get3A_824 = tpu.vector_load %arg8[%get3A_822, %get3A_823] {strides = array<i32>} : memref<32x64xi32, #tpu.memory_space<vmem>>, vector<16xi32>,
    %lt3A_825 = arith.constant 8 : i32
    %lt3A_826 = arith.cmpi slt, %lt3A_825, %add3A : i32
    %convert_element_type3A_827 = arith.extui %lt3A_826 : i1 to i32
    %mul3A_828 = vector.broadcast %convert_element_type3A_827 : i32 to vector<16xi32>
    %mul3A_829 = arith.muli %get3A_824, %mul3A_828 : vector<16xi32>
    %add3A_830 = arith.addi %add3A_819, %mul3A_829 : vector<16xi32>
    %add3A_831 = arith.addi %add3A_820, %get3A_824 : vector<16xi32>
    %get3A_832 = arith.constant 9 : i32
    %get3A_833 = arith.index_cast %get3A_832 : i32 to index
    %get3A_834 = arith.constant 32 : index
    %get3A_835 = tpu.vector_load %arg8[%get3A_833, %get3A_834] {strides = array<i32>} : memref<32x64xi32, #tpu.memory_space<vmem>>, vector<16xi32>,
    %lt3A_836 = arith.constant 9 : i32
    %lt3A_837 = arith.cmpi slt, %lt3A_836, %add3A : i32
    %convert_element_type3A_838 = arith.extui %lt3A_837 : i1 to i32
    %mul3A_839 = vector.broadcast %convert_element_type3A_838 : i32 to vector<16xi32>
    %mul3A_840 = arith.muli %get3A_835, %mul3A_839 : vector<16xi32>
    %add3A_841 = arith.addi %add3A_830, %mul3A_840 : vector<16xi32>
    %add3A_842 = arith.addi %add3A_831, %get3A_835 : vector<16xi32>
    %get3A_843 = arith.constant 10 : i32
    %get3A_844 = arith.index_cast %get3A_843 : i32 to index
    %get3A_845 = arith.constant 32 : index
    %get3A_846 = tpu.vector_load %arg8[%get3A_844, %get3A_845] {strides = array<i32>} : memref<32x64xi32, #tpu.memory_space<vmem>>, vector<16xi32>,
    %lt3A_847 = arith.constant 10 : i32
    %lt3A_848 = arith.cmpi slt, %lt3A_847, %add3A : i32
    %convert_element_type3A_849 = arith.extui %lt3A_848 : i1 to i32
    %mul3A_850 = vector.broadcast %convert_element_type3A_849 : i32 to vector<16xi32>
    %mul3A_851 = arith.muli %get3A_846, %mul3A_850 : vector<16xi32>
    %add3A_852 = arith.addi %add3A_841, %mul3A_851 : vector<16xi32>
    %add3A_853 = arith.addi %add3A_842, %get3A_846 : vector<16xi32>
    %get3A_854 = arith.constant 11 : i32
    %get3A_855 = arith.index_cast %get3A_854 : i32 to index
    %get3A_856 = arith.constant 32 : index
    %get3A_857 = tpu.vector_load %arg8[%get3A_855, %get3A_856] {strides = array<i32>} : memref<32x64xi32, #tpu.memory_space<vmem>>, vector<16xi32>,
    %lt3A_858 = arith.constant 11 : i32
    %lt3A_859 = arith.cmpi slt, %lt3A_858, %add3A : i32
    %convert_element_type3A_860 = arith.extui %lt3A_859 : i1 to i32
    %mul3A_861 = vector.broadcast %convert_element_type3A_860 : i32 to vector<16xi32>
    %mul3A_862 = arith.muli %get3A_857, %mul3A_861 : vector<16xi32>
    %add3A_863 = arith.addi %add3A_852, %mul3A_862 : vector<16xi32>
    %add3A_864 = arith.addi %add3A_853, %get3A_857 : vector<16xi32>
    %get3A_865 = arith.constant 12 : i32
    %get3A_866 = arith.index_cast %get3A_865 : i32 to index
    %get3A_867 = arith.constant 32 : index
    %get3A_868 = tpu.vector_load %arg8[%get3A_866, %get3A_867] {strides = array<i32>} : memref<32x64xi32, #tpu.memory_space<vmem>>, vector<16xi32>,
    %lt3A_869 = arith.constant 12 : i32
    %lt3A_870 = arith.cmpi slt, %lt3A_869, %add3A : i32
    %convert_element_type3A_871 = arith.extui %lt3A_870 : i1 to i32
    %mul3A_872 = vector.broadcast %convert_element_type3A_871 : i32 to vector<16xi32>
    %mul3A_873 = arith.muli %get3A_868, %mul3A_872 : vector<16xi32>
    %add3A_874 = arith.addi %add3A_863, %mul3A_873 : vector<16xi32>
    %add3A_875 = arith.addi %add3A_864, %get3A_868 : vector<16xi32>
    %get3A_876 = arith.constant 13 : i32
    %get3A_877 = arith.index_cast %get3A_876 : i32 to index
    %get3A_878 = arith.constant 32 : index
    %get3A_879 = tpu.vector_load %arg8[%get3A_877, %get3A_878] {strides = array<i32>} : memref<32x64xi32, #tpu.memory_space<vmem>>, vector<16xi32>,
    %lt3A_880 = arith.constant 13 : i32
    %lt3A_881 = arith.cmpi slt, %lt3A_880, %add3A : i32
    %convert_element_type3A_882 = arith.extui %lt3A_881 : i1 to i32
    %mul3A_883 = vector.broadcast %convert_element_type3A_882 : i32 to vector<16xi32>
    %mul3A_884 = arith.muli %get3A_879, %mul3A_883 : vector<16xi32>
    %add3A_885 = arith.addi %add3A_874, %mul3A_884 : vector<16xi32>
    %add3A_886 = arith.addi %add3A_875, %get3A_879 : vector<16xi32>
    %get3A_887 = arith.constant 14 : i32
    %get3A_888 = arith.index_cast %get3A_887 : i32 to index
    %get3A_889 = arith.constant 32 : index
    %get3A_890 = tpu.vector_load %arg8[%get3A_888, %get3A_889] {strides = array<i32>} : memref<32x64xi32, #tpu.memory_space<vmem>>, vector<16xi32>,
    %lt3A_891 = arith.constant 14 : i32
    %lt3A_892 = arith.cmpi slt, %lt3A_891, %add3A : i32
    %convert_element_type3A_893 = arith.extui %lt3A_892 : i1 to i32
    %mul3A_894 = vector.broadcast %convert_element_type3A_893 : i32 to vector<16xi32>
    %mul3A_895 = arith.muli %get3A_890, %mul3A_894 : vector<16xi32>
    %add3A_896 = arith.addi %add3A_885, %mul3A_895 : vector<16xi32>
    %add3A_897 = arith.addi %add3A_886, %get3A_890 : vector<16xi32>
    %get3A_898 = arith.constant 15 : i32
    %get3A_899 = arith.index_cast %get3A_898 : i32 to index
    %get3A_900 = arith.constant 32 : index
    %get3A_901 = tpu.vector_load %arg8[%get3A_899, %get3A_900] {strides = array<i32>} : memref<32x64xi32, #tpu.memory_space<vmem>>, vector<16xi32>,
    %lt3A_902 = arith.constant 15 : i32
    %lt3A_903 = arith.cmpi slt, %lt3A_902, %add3A : i32
    %convert_element_type3A_904 = arith.extui %lt3A_903 : i1 to i32
    %mul3A_905 = vector.broadcast %convert_element_type3A_904 : i32 to vector<16xi32>
    %mul3A_906 = arith.muli %get3A_901, %mul3A_905 : vector<16xi32>
    %add3A_907 = arith.addi %add3A_896, %mul3A_906 : vector<16xi32>
    %add3A_908 = arith.addi %add3A_897, %get3A_901 : vector<16xi32>
    %get3A_909 = arith.constant 16 : i32
    %get3A_910 = arith.index_cast %get3A_909 : i32 to index
    %get3A_911 = arith.constant 32 : index
    %get3A_912 = tpu.vector_load %arg8[%get3A_910, %get3A_911] {strides = array<i32>} : memref<32x64xi32, #tpu.memory_space<vmem>>, vector<16xi32>,
    %lt3A_913 = arith.constant 16 : i32
    %lt3A_914 = arith.cmpi slt, %lt3A_913, %add3A : i32
    %convert_element_type3A_915 = arith.extui %lt3A_914 : i1 to i32
    %mul3A_916 = vector.broadcast %convert_element_type3A_915 : i32 to vector<16xi32>
    %mul3A_917 = arith.muli %get3A_912, %mul3A_916 : vector<16xi32>
    %add3A_918 = arith.addi %add3A_907, %mul3A_917 : vector<16xi32>
    %add3A_919 = arith.addi %add3A_908, %get3A_912 : vector<16xi32>
    %get3A_920 = arith.constant 17 : i32
    %get3A_921 = arith.index_cast %get3A_920 : i32 to index
    %get3A_922 = arith.constant 32 : index
    %get3A_923 = tpu.vector_load %arg8[%get3A_921, %get3A_922] {strides = array<i32>} : memref<32x64xi32, #tpu.memory_space<vmem>>, vector<16xi32>,
    %lt3A_924 = arith.constant 17 : i32
    %lt3A_925 = arith.cmpi slt, %lt3A_924, %add3A : i32
    %convert_element_type3A_926 = arith.extui %lt3A_925 : i1 to i32
    %mul3A_927 = vector.broadcast %convert_element_type3A_926 : i32 to vector<16xi32>
    %mul3A_928 = arith.muli %get3A_923, %mul3A_927 : vector<16xi32>
    %add3A_929 = arith.addi %add3A_918, %mul3A_928 : vector<16xi32>
    %add3A_930 = arith.addi %add3A_919, %get3A_923 : vector<16xi32>
    %get3A_931 = arith.constant 18 : i32
    %get3A_932 = arith.index_cast %get3A_931 : i32 to index
    %get3A_933 = arith.constant 32 : index
    %get3A_934 = tpu.vector_load %arg8[%get3A_932, %get3A_933] {strides = array<i32>} : memref<32x64xi32, #tpu.memory_space<vmem>>, vector<16xi32>,
    %lt3A_935 = arith.constant 18 : i32
    %lt3A_936 = arith.cmpi slt, %lt3A_935, %add3A : i32
    %convert_element_type3A_937 = arith.extui %lt3A_936 : i1 to i32
    %mul3A_938 = vector.broadcast %convert_element_type3A_937 : i32 to vector<16xi32>
    %mul3A_939 = arith.muli %get3A_934, %mul3A_938 : vector<16xi32>
    %add3A_940 = arith.addi %add3A_929, %mul3A_939 : vector<16xi32>
    %add3A_941 = arith.addi %add3A_930, %get3A_934 : vector<16xi32>
    %get3A_942 = arith.constant 19 : i32
    %get3A_943 = arith.index_cast %get3A_942 : i32 to index
    %get3A_944 = arith.constant 32 : index
    %get3A_945 = tpu.vector_load %arg8[%get3A_943, %get3A_944] {strides = array<i32>} : memref<32x64xi32, #tpu.memory_space<vmem>>, vector<16xi32>,
    %lt3A_946 = arith.constant 19 : i32
    %lt3A_947 = arith.cmpi slt, %lt3A_946, %add3A : i32
    %convert_element_type3A_948 = arith.extui %lt3A_947 : i1 to i32
    %mul3A_949 = vector.broadcast %convert_element_type3A_948 : i32 to vector<16xi32>
    %mul3A_950 = arith.muli %get3A_945, %mul3A_949 : vector<16xi32>
    %add3A_951 = arith.addi %add3A_940, %mul3A_950 : vector<16xi32>
    %add3A_952 = arith.addi %add3A_941, %get3A_945 : vector<16xi32>
    %get3A_953 = arith.constant 20 : i32
    %get3A_954 = arith.index_cast %get3A_953 : i32 to index
    %get3A_955 = arith.constant 32 : index
    %get3A_956 = tpu.vector_load %arg8[%get3A_954, %get3A_955] {strides = array<i32>} : memref<32x64xi32, #tpu.memory_space<vmem>>, vector<16xi32>,
    %lt3A_957 = arith.constant 20 : i32
    %lt3A_958 = arith.cmpi slt, %lt3A_957, %add3A : i32
    %convert_element_type3A_959 = arith.extui %lt3A_958 : i1 to i32
    %mul3A_960 = vector.broadcast %convert_element_type3A_959 : i32 to vector<16xi32>
    %mul3A_961 = arith.muli %get3A_956, %mul3A_960 : vector<16xi32>
    %add3A_962 = arith.addi %add3A_951, %mul3A_961 : vector<16xi32>
    %add3A_963 = arith.addi %add3A_952, %get3A_956 : vector<16xi32>
    %get3A_964 = arith.constant 21 : i32
    %get3A_965 = arith.index_cast %get3A_964 : i32 to index
    %get3A_966 = arith.constant 32 : index
    %get3A_967 = tpu.vector_load %arg8[%get3A_965, %get3A_966] {strides = array<i32>} : memref<32x64xi32, #tpu.memory_space<vmem>>, vector<16xi32>,
    %lt3A_968 = arith.constant 21 : i32
    %lt3A_969 = arith.cmpi slt, %lt3A_968, %add3A : i32
    %convert_element_type3A_970 = arith.extui %lt3A_969 : i1 to i32
    %mul3A_971 = vector.broadcast %convert_element_type3A_970 : i32 to vector<16xi32>
    %mul3A_972 = arith.muli %get3A_967, %mul3A_971 : vector<16xi32>
    %add3A_973 = arith.addi %add3A_962, %mul3A_972 : vector<16xi32>
    %add3A_974 = arith.addi %add3A_963, %get3A_967 : vector<16xi32>
    %get3A_975 = arith.constant 22 : i32
    %get3A_976 = arith.index_cast %get3A_975 : i32 to index
    %get3A_977 = arith.constant 32 : index
    %get3A_978 = tpu.vector_load %arg8[%get3A_976, %get3A_977] {strides = array<i32>} : memref<32x64xi32, #tpu.memory_space<vmem>>, vector<16xi32>,
    %lt3A_979 = arith.constant 22 : i32
    %lt3A_980 = arith.cmpi slt, %lt3A_979, %add3A : i32
    %convert_element_type3A_981 = arith.extui %lt3A_980 : i1 to i32
    %mul3A_982 = vector.broadcast %convert_element_type3A_981 : i32 to vector<16xi32>
    %mul3A_983 = arith.muli %get3A_978, %mul3A_982 : vector<16xi32>
    %add3A_984 = arith.addi %add3A_973, %mul3A_983 : vector<16xi32>
    %add3A_985 = arith.addi %add3A_974, %get3A_978 : vector<16xi32>
    %get3A_986 = arith.constant 23 : i32
    %get3A_987 = arith.index_cast %get3A_986 : i32 to index
    %get3A_988 = arith.constant 32 : index
    %get3A_989 = tpu.vector_load %arg8[%get3A_987, %get3A_988] {strides = array<i32>} : memref<32x64xi32, #tpu.memory_space<vmem>>, vector<16xi32>,
    %lt3A_990 = arith.constant 23 : i32
    %lt3A_991 = arith.cmpi slt, %lt3A_990, %add3A : i32
    %convert_element_type3A_992 = arith.extui %lt3A_991 : i1 to i32
    %mul3A_993 = vector.broadcast %convert_element_type3A_992 : i32 to vector<16xi32>
    %mul3A_994 = arith.muli %get3A_989, %mul3A_993 : vector<16xi32>
    %add3A_995 = arith.addi %add3A_984, %mul3A_994 : vector<16xi32>
    %add3A_996 = arith.addi %add3A_985, %get3A_989 : vector<16xi32>
    %get3A_997 = arith.constant 24 : i32
    %get3A_998 = arith.index_cast %get3A_997 : i32 to index
    %get3A_999 = arith.constant 32 : index
    %get3A_1000 = tpu.vector_load %arg8[%get3A_998, %get3A_999] {strides = array<i32>} : memref<32x64xi32, #tpu.memory_space<vmem>>, vector<16xi32>,
    %lt3A_1001 = arith.constant 24 : i32
    %lt3A_1002 = arith.cmpi slt, %lt3A_1001, %add3A : i32
    %convert_element_type3A_1003 = arith.extui %lt3A_1002 : i1 to i32
    %mul3A_1004 = vector.broadcast %convert_element_type3A_1003 : i32 to vector<16xi32>
    %mul3A_1005 = arith.muli %get3A_1000, %mul3A_1004 : vector<16xi32>
    %add3A_1006 = arith.addi %add3A_995, %mul3A_1005 : vector<16xi32>
    %add3A_1007 = arith.addi %add3A_996, %get3A_1000 : vector<16xi32>
    %get3A_1008 = arith.constant 25 : i32
    %get3A_1009 = arith.index_cast %get3A_1008 : i32 to index
    %get3A_1010 = arith.constant 32 : index
    %get3A_1011 = tpu.vector_load %arg8[%get3A_1009, %get3A_1010] {strides = array<i32>} : memref<32x64xi32, #tpu.memory_space<vmem>>, vector<16xi32>,
    %lt3A_1012 = arith.constant 25 : i32
    %lt3A_1013 = arith.cmpi slt, %lt3A_1012, %add3A : i32
    %convert_element_type3A_1014 = arith.extui %lt3A_1013 : i1 to i32
    %mul3A_1015 = vector.broadcast %convert_element_type3A_1014 : i32 to vector<16xi32>
    %mul3A_1016 = arith.muli %get3A_1011, %mul3A_1015 : vector<16xi32>
    %add3A_1017 = arith.addi %add3A_1006, %mul3A_1016 : vector<16xi32>
    %add3A_1018 = arith.addi %add3A_1007, %get3A_1011 : vector<16xi32>
    %get3A_1019 = arith.constant 26 : i32
    %get3A_1020 = arith.index_cast %get3A_1019 : i32 to index
    %get3A_1021 = arith.constant 32 : index
    %get3A_1022 = tpu.vector_load %arg8[%get3A_1020, %get3A_1021] {strides = array<i32>} : memref<32x64xi32, #tpu.memory_space<vmem>>, vector<16xi32>,
    %lt3A_1023 = arith.constant 26 : i32
    %lt3A_1024 = arith.cmpi slt, %lt3A_1023, %add3A : i32
    %convert_element_type3A_1025 = arith.extui %lt3A_1024 : i1 to i32
    %mul3A_1026 = vector.broadcast %convert_element_type3A_1025 : i32 to vector<16xi32>
    %mul3A_1027 = arith.muli %get3A_1022, %mul3A_1026 : vector<16xi32>
    %add3A_1028 = arith.addi %add3A_1017, %mul3A_1027 : vector<16xi32>
    %add3A_1029 = arith.addi %add3A_1018, %get3A_1022 : vector<16xi32>
    %get3A_1030 = arith.constant 27 : i32
    %get3A_1031 = arith.index_cast %get3A_1030 : i32 to index
    %get3A_1032 = arith.constant 32 : index
    %get3A_1033 = tpu.vector_load %arg8[%get3A_1031, %get3A_1032] {strides = array<i32>} : memref<32x64xi32, #tpu.memory_space<vmem>>, vector<16xi32>,
    %lt3A_1034 = arith.constant 27 : i32
    %lt3A_1035 = arith.cmpi slt, %lt3A_1034, %add3A : i32
    %convert_element_type3A_1036 = arith.extui %lt3A_1035 : i1 to i32
    %mul3A_1037 = vector.broadcast %convert_element_type3A_1036 : i32 to vector<16xi32>
    %mul3A_1038 = arith.muli %get3A_1033, %mul3A_1037 : vector<16xi32>
    %add3A_1039 = arith.addi %add3A_1028, %mul3A_1038 : vector<16xi32>
    %add3A_1040 = arith.addi %add3A_1029, %get3A_1033 : vector<16xi32>
    %get3A_1041 = arith.constant 28 : i32
    %get3A_1042 = arith.index_cast %get3A_1041 : i32 to index
    %get3A_1043 = arith.constant 32 : index
    %get3A_1044 = tpu.vector_load %arg8[%get3A_1042, %get3A_1043] {strides = array<i32>} : memref<32x64xi32, #tpu.memory_space<vmem>>, vector<16xi32>,
    %lt3A_1045 = arith.constant 28 : i32
    %lt3A_1046 = arith.cmpi slt, %lt3A_1045, %add3A : i32
    %convert_element_type3A_1047 = arith.extui %lt3A_1046 : i1 to i32
    %mul3A_1048 = vector.broadcast %convert_element_type3A_1047 : i32 to vector<16xi32>
    %mul3A_1049 = arith.muli %get3A_1044, %mul3A_1048 : vector<16xi32>
    %add3A_1050 = arith.addi %add3A_1039, %mul3A_1049 : vector<16xi32>
    %add3A_1051 = arith.addi %add3A_1040, %get3A_1044 : vector<16xi32>
    %get3A_1052 = arith.constant 29 : i32
    %get3A_1053 = arith.index_cast %get3A_1052 : i32 to index
    %get3A_1054 = arith.constant 32 : index
    %get3A_1055 = tpu.vector_load %arg8[%get3A_1053, %get3A_1054] {strides = array<i32>} : memref<32x64xi32, #tpu.memory_space<vmem>>, vector<16xi32>,
    %lt3A_1056 = arith.constant 29 : i32
    %lt3A_1057 = arith.cmpi slt, %lt3A_1056, %add3A : i32
    %convert_element_type3A_1058 = arith.extui %lt3A_1057 : i1 to i32
    %mul3A_1059 = vector.broadcast %convert_element_type3A_1058 : i32 to vector<16xi32>
    %mul3A_1060 = arith.muli %get3A_1055, %mul3A_1059 : vector<16xi32>
    %add3A_1061 = arith.addi %add3A_1050, %mul3A_1060 : vector<16xi32>
    %add3A_1062 = arith.addi %add3A_1051, %get3A_1055 : vector<16xi32>
    %get3A_1063 = arith.constant 30 : i32
    %get3A_1064 = arith.index_cast %get3A_1063 : i32 to index
    %get3A_1065 = arith.constant 32 : index
    %get3A_1066 = tpu.vector_load %arg8[%get3A_1064, %get3A_1065] {strides = array<i32>} : memref<32x64xi32, #tpu.memory_space<vmem>>, vector<16xi32>,
    %lt3A_1067 = arith.constant 30 : i32
    %lt3A_1068 = arith.cmpi slt, %lt3A_1067, %add3A : i32
    %convert_element_type3A_1069 = arith.extui %lt3A_1068 : i1 to i32
    %mul3A_1070 = vector.broadcast %convert_element_type3A_1069 : i32 to vector<16xi32>
    %mul3A_1071 = arith.muli %get3A_1066, %mul3A_1070 : vector<16xi32>
    %add3A_1072 = arith.addi %add3A_1061, %mul3A_1071 : vector<16xi32>
    %add3A_1073 = arith.addi %add3A_1062, %get3A_1066 : vector<16xi32>
    %get3A_1074 = arith.constant 31 : i32
    %get3A_1075 = arith.index_cast %get3A_1074 : i32 to index
    %get3A_1076 = arith.constant 32 : index
    %get3A_1077 = tpu.vector_load %arg8[%get3A_1075, %get3A_1076] {strides = array<i32>} : memref<32x64xi32, #tpu.memory_space<vmem>>, vector<16xi32>,
    %lt3A_1078 = arith.constant 31 : i32
    %lt3A_1079 = arith.cmpi slt, %lt3A_1078, %add3A : i32
    %convert_element_type3A_1080 = arith.extui %lt3A_1079 : i1 to i32
    %mul3A_1081 = vector.broadcast %convert_element_type3A_1080 : i32 to vector<16xi32>
    %mul3A_1082 = arith.muli %get3A_1077, %mul3A_1081 : vector<16xi32>
    %add3A_1083 = arith.addi %add3A_1072, %mul3A_1082 : vector<16xi32>
    %add3A_1084 = arith.addi %add3A_1073, %get3A_1077 : vector<16xi32>
    %broadcast_in_dim3A_1085 = arith.constant true
    %broadcast_in_dim3A_1086 = vector.broadcast %broadcast_in_dim3A_1085 : i1 to vector<16xi1>
    %masked_cumsum3A_1087 = tpu.scan <sum>, %add3A_1084 masked %broadcast_in_dim3A_1086 : vector<16xi32>, vector<16xi1> -> vector<16xi32>
    %sub3A_1088 = arith.subi %masked_cumsum3A_1087, %add3A_1084 : vector<16xi32>
    %add3A_1089 = vector.broadcast %add3A_729 : i32 to vector<16xi32>
    %add3A_1090 = arith.addi %sub3A_1088, %add3A_1089 : vector<16xi32>
    %reduce_sum3A_1091 = arith.constant true
    %reduce_sum3A_1092 = vector.broadcast %reduce_sum3A_1091 : i1 to vector<16xi1>
    %reduce_sum3A_1093 = tpu.scan <sum>, %add3A_1084 masked %reduce_sum3A_1092 : vector<16xi32>, vector<16xi1> -> vector<16xi32>
    %reduce_sum3A_1094 = vector.extract %reduce_sum3A_1093[15] : i32 from vector<16xi32>
    %add3A_1095 = arith.addi %add3A_729, %reduce_sum3A_1094 : i32
    %add3A_1096 = arith.addi %add3A_1090, %add3A_1083 : vector<16xi32>
    %swap3A_1097 = arith.constant 32 : index
    %swap3A_1098 = tpu.vector_load %arg9[%swap3A_1097] {strides = array<i32>} : memref<64xi32, #tpu.memory_space<vmem>>, vector<16xi32>,
    tpu.vector_store %arg9[%swap3A_1097], %add3A_1096 {strides = array<i32>} : memref<64xi32, #tpu.memory_space<vmem>>, vector<16xi32>,
    %get3A_1099 = arith.constant 0 : i32
    %get3A_1100 = arith.index_cast %get3A_1099 : i32 to index
    %get3A_1101 = arith.constant 48 : index
    %get3A_1102 = tpu.vector_load %arg8[%get3A_1100, %get3A_1101] {strides = array<i32>} : memref<32x64xi32, #tpu.memory_space<vmem>>, vector<16xi32>,
    %lt3A_1103 = arith.constant 0 : i32
    %lt3A_1104 = arith.cmpi slt, %lt3A_1103, %add3A : i32
    %convert_element_type3A_1105 = arith.extui %lt3A_1104 : i1 to i32
    %mul3A_1106 = vector.broadcast %convert_element_type3A_1105 : i32 to vector<16xi32>
    %mul3A_1107 = arith.muli %get3A_1102, %mul3A_1106 : vector<16xi32>
    %add3A_1108 = arith.addi %broadcast_in_dim3A_3, %mul3A_1107 : vector<16xi32>
    %add3A_1109 = arith.addi %broadcast_in_dim3A_3, %get3A_1102 : vector<16xi32>
    %get3A_1110 = arith.constant 1 : i32
    %get3A_1111 = arith.index_cast %get3A_1110 : i32 to index
    %get3A_1112 = arith.constant 48 : index
    %get3A_1113 = tpu.vector_load %arg8[%get3A_1111, %get3A_1112] {strides = array<i32>} : memref<32x64xi32, #tpu.memory_space<vmem>>, vector<16xi32>,
    %lt3A_1114 = arith.constant 1 : i32
    %lt3A_1115 = arith.cmpi slt, %lt3A_1114, %add3A : i32
    %convert_element_type3A_1116 = arith.extui %lt3A_1115 : i1 to i32
    %mul3A_1117 = vector.broadcast %convert_element_type3A_1116 : i32 to vector<16xi32>
    %mul3A_1118 = arith.muli %get3A_1113, %mul3A_1117 : vector<16xi32>
    %add3A_1119 = arith.addi %add3A_1108, %mul3A_1118 : vector<16xi32>
    %add3A_1120 = arith.addi %add3A_1109, %get3A_1113 : vector<16xi32>
    %get3A_1121 = arith.constant 2 : i32
    %get3A_1122 = arith.index_cast %get3A_1121 : i32 to index
    %get3A_1123 = arith.constant 48 : index
    %get3A_1124 = tpu.vector_load %arg8[%get3A_1122, %get3A_1123] {strides = array<i32>} : memref<32x64xi32, #tpu.memory_space<vmem>>, vector<16xi32>,
    %lt3A_1125 = arith.constant 2 : i32
    %lt3A_1126 = arith.cmpi slt, %lt3A_1125, %add3A : i32
    %convert_element_type3A_1127 = arith.extui %lt3A_1126 : i1 to i32
    %mul3A_1128 = vector.broadcast %convert_element_type3A_1127 : i32 to vector<16xi32>
    %mul3A_1129 = arith.muli %get3A_1124, %mul3A_1128 : vector<16xi32>
    %add3A_1130 = arith.addi %add3A_1119, %mul3A_1129 : vector<16xi32>
    %add3A_1131 = arith.addi %add3A_1120, %get3A_1124 : vector<16xi32>
    %get3A_1132 = arith.constant 3 : i32
    %get3A_1133 = arith.index_cast %get3A_1132 : i32 to index
    %get3A_1134 = arith.constant 48 : index
    %get3A_1135 = tpu.vector_load %arg8[%get3A_1133, %get3A_1134] {strides = array<i32>} : memref<32x64xi32, #tpu.memory_space<vmem>>, vector<16xi32>,
    %lt3A_1136 = arith.constant 3 : i32
    %lt3A_1137 = arith.cmpi slt, %lt3A_1136, %add3A : i32
    %convert_element_type3A_1138 = arith.extui %lt3A_1137 : i1 to i32
    %mul3A_1139 = vector.broadcast %convert_element_type3A_1138 : i32 to vector<16xi32>
    %mul3A_1140 = arith.muli %get3A_1135, %mul3A_1139 : vector<16xi32>
    %add3A_1141 = arith.addi %add3A_1130, %mul3A_1140 : vector<16xi32>
    %add3A_1142 = arith.addi %add3A_1131, %get3A_1135 : vector<16xi32>
    %get3A_1143 = arith.constant 4 : i32
    %get3A_1144 = arith.index_cast %get3A_1143 : i32 to index
    %get3A_1145 = arith.constant 48 : index
    %get3A_1146 = tpu.vector_load %arg8[%get3A_1144, %get3A_1145] {strides = array<i32>} : memref<32x64xi32, #tpu.memory_space<vmem>>, vector<16xi32>,
    %lt3A_1147 = arith.constant 4 : i32
    %lt3A_1148 = arith.cmpi slt, %lt3A_1147, %add3A : i32
    %convert_element_type3A_1149 = arith.extui %lt3A_1148 : i1 to i32
    %mul3A_1150 = vector.broadcast %convert_element_type3A_1149 : i32 to vector<16xi32>
    %mul3A_1151 = arith.muli %get3A_1146, %mul3A_1150 : vector<16xi32>
    %add3A_1152 = arith.addi %add3A_1141, %mul3A_1151 : vector<16xi32>
    %add3A_1153 = arith.addi %add3A_1142, %get3A_1146 : vector<16xi32>
    %get3A_1154 = arith.constant 5 : i32
    %get3A_1155 = arith.index_cast %get3A_1154 : i32 to index
    %get3A_1156 = arith.constant 48 : index
    %get3A_1157 = tpu.vector_load %arg8[%get3A_1155, %get3A_1156] {strides = array<i32>} : memref<32x64xi32, #tpu.memory_space<vmem>>, vector<16xi32>,
    %lt3A_1158 = arith.constant 5 : i32
    %lt3A_1159 = arith.cmpi slt, %lt3A_1158, %add3A : i32
    %convert_element_type3A_1160 = arith.extui %lt3A_1159 : i1 to i32
    %mul3A_1161 = vector.broadcast %convert_element_type3A_1160 : i32 to vector<16xi32>
    %mul3A_1162 = arith.muli %get3A_1157, %mul3A_1161 : vector<16xi32>
    %add3A_1163 = arith.addi %add3A_1152, %mul3A_1162 : vector<16xi32>
    %add3A_1164 = arith.addi %add3A_1153, %get3A_1157 : vector<16xi32>
    %get3A_1165 = arith.constant 6 : i32
    %get3A_1166 = arith.index_cast %get3A_1165 : i32 to index
    %get3A_1167 = arith.constant 48 : index
    %get3A_1168 = tpu.vector_load %arg8[%get3A_1166, %get3A_1167] {strides = array<i32>} : memref<32x64xi32, #tpu.memory_space<vmem>>, vector<16xi32>,
    %lt3A_1169 = arith.constant 6 : i32
    %lt3A_1170 = arith.cmpi slt, %lt3A_1169, %add3A : i32
    %convert_element_type3A_1171 = arith.extui %lt3A_1170 : i1 to i32
    %mul3A_1172 = vector.broadcast %convert_element_type3A_1171 : i32 to vector<16xi32>
    %mul3A_1173 = arith.muli %get3A_1168, %mul3A_1172 : vector<16xi32>
    %add3A_1174 = arith.addi %add3A_1163, %mul3A_1173 : vector<16xi32>
    %add3A_1175 = arith.addi %add3A_1164, %get3A_1168 : vector<16xi32>
    %get3A_1176 = arith.constant 7 : i32
    %get3A_1177 = arith.index_cast %get3A_1176 : i32 to index
    %get3A_1178 = arith.constant 48 : index
    %get3A_1179 = tpu.vector_load %arg8[%get3A_1177, %get3A_1178] {strides = array<i32>} : memref<32x64xi32, #tpu.memory_space<vmem>>, vector<16xi32>,
    %lt3A_1180 = arith.constant 7 : i32
    %lt3A_1181 = arith.cmpi slt, %lt3A_1180, %add3A : i32
    %convert_element_type3A_1182 = arith.extui %lt3A_1181 : i1 to i32
    %mul3A_1183 = vector.broadcast %convert_element_type3A_1182 : i32 to vector<16xi32>
    %mul3A_1184 = arith.muli %get3A_1179, %mul3A_1183 : vector<16xi32>
    %add3A_1185 = arith.addi %add3A_1174, %mul3A_1184 : vector<16xi32>
    %add3A_1186 = arith.addi %add3A_1175, %get3A_1179 : vector<16xi32>
    %get3A_1187 = arith.constant 8 : i32
    %get3A_1188 = arith.index_cast %get3A_1187 : i32 to index
    %get3A_1189 = arith.constant 48 : index
    %get3A_1190 = tpu.vector_load %arg8[%get3A_1188, %get3A_1189] {strides = array<i32>} : memref<32x64xi32, #tpu.memory_space<vmem>>, vector<16xi32>,
    %lt3A_1191 = arith.constant 8 : i32
    %lt3A_1192 = arith.cmpi slt, %lt3A_1191, %add3A : i32
    %convert_element_type3A_1193 = arith.extui %lt3A_1192 : i1 to i32
    %mul3A_1194 = vector.broadcast %convert_element_type3A_1193 : i32 to vector<16xi32>
    %mul3A_1195 = arith.muli %get3A_1190, %mul3A_1194 : vector<16xi32>
    %add3A_1196 = arith.addi %add3A_1185, %mul3A_1195 : vector<16xi32>
    %add3A_1197 = arith.addi %add3A_1186, %get3A_1190 : vector<16xi32>
    %get3A_1198 = arith.constant 9 : i32
    %get3A_1199 = arith.index_cast %get3A_1198 : i32 to index
    %get3A_1200 = arith.constant 48 : index
    %get3A_1201 = tpu.vector_load %arg8[%get3A_1199, %get3A_1200] {strides = array<i32>} : memref<32x64xi32, #tpu.memory_space<vmem>>, vector<16xi32>,
    %lt3A_1202 = arith.constant 9 : i32
    %lt3A_1203 = arith.cmpi slt, %lt3A_1202, %add3A : i32
    %convert_element_type3A_1204 = arith.extui %lt3A_1203 : i1 to i32
    %mul3A_1205 = vector.broadcast %convert_element_type3A_1204 : i32 to vector<16xi32>
    %mul3A_1206 = arith.muli %get3A_1201, %mul3A_1205 : vector<16xi32>
    %add3A_1207 = arith.addi %add3A_1196, %mul3A_1206 : vector<16xi32>
    %add3A_1208 = arith.addi %add3A_1197, %get3A_1201 : vector<16xi32>
    %get3A_1209 = arith.constant 10 : i32
    %get3A_1210 = arith.index_cast %get3A_1209 : i32 to index
    %get3A_1211 = arith.constant 48 : index
    %get3A_1212 = tpu.vector_load %arg8[%get3A_1210, %get3A_1211] {strides = array<i32>} : memref<32x64xi32, #tpu.memory_space<vmem>>, vector<16xi32>,
    %lt3A_1213 = arith.constant 10 : i32
    %lt3A_1214 = arith.cmpi slt, %lt3A_1213, %add3A : i32
    %convert_element_type3A_1215 = arith.extui %lt3A_1214 : i1 to i32
    %mul3A_1216 = vector.broadcast %convert_element_type3A_1215 : i32 to vector<16xi32>
    %mul3A_1217 = arith.muli %get3A_1212, %mul3A_1216 : vector<16xi32>
    %add3A_1218 = arith.addi %add3A_1207, %mul3A_1217 : vector<16xi32>
    %add3A_1219 = arith.addi %add3A_1208, %get3A_1212 : vector<16xi32>
    %get3A_1220 = arith.constant 11 : i32
    %get3A_1221 = arith.index_cast %get3A_1220 : i32 to index
    %get3A_1222 = arith.constant 48 : index
    %get3A_1223 = tpu.vector_load %arg8[%get3A_1221, %get3A_1222] {strides = array<i32>} : memref<32x64xi32, #tpu.memory_space<vmem>>, vector<16xi32>,
    %lt3A_1224 = arith.constant 11 : i32
    %lt3A_1225 = arith.cmpi slt, %lt3A_1224, %add3A : i32
    %convert_element_type3A_1226 = arith.extui %lt3A_1225 : i1 to i32
    %mul3A_1227 = vector.broadcast %convert_element_type3A_1226 : i32 to vector<16xi32>
    %mul3A_1228 = arith.muli %get3A_1223, %mul3A_1227 : vector<16xi32>
    %add3A_1229 = arith.addi %add3A_1218, %mul3A_1228 : vector<16xi32>
    %add3A_1230 = arith.addi %add3A_1219, %get3A_1223 : vector<16xi32>
    %get3A_1231 = arith.constant 12 : i32
    %get3A_1232 = arith.index_cast %get3A_1231 : i32 to index
    %get3A_1233 = arith.constant 48 : index
    %get3A_1234 = tpu.vector_load %arg8[%get3A_1232, %get3A_1233] {strides = array<i32>} : memref<32x64xi32, #tpu.memory_space<vmem>>, vector<16xi32>,
    %lt3A_1235 = arith.constant 12 : i32
    %lt3A_1236 = arith.cmpi slt, %lt3A_1235, %add3A : i32
    %convert_element_type3A_1237 = arith.extui %lt3A_1236 : i1 to i32
    %mul3A_1238 = vector.broadcast %convert_element_type3A_1237 : i32 to vector<16xi32>
    %mul3A_1239 = arith.muli %get3A_1234, %mul3A_1238 : vector<16xi32>
    %add3A_1240 = arith.addi %add3A_1229, %mul3A_1239 : vector<16xi32>
    %add3A_1241 = arith.addi %add3A_1230, %get3A_1234 : vector<16xi32>
    %get3A_1242 = arith.constant 13 : i32
    %get3A_1243 = arith.index_cast %get3A_1242 : i32 to index
    %get3A_1244 = arith.constant 48 : index
    %get3A_1245 = tpu.vector_load %arg8[%get3A_1243, %get3A_1244] {strides = array<i32>} : memref<32x64xi32, #tpu.memory_space<vmem>>, vector<16xi32>,
    %lt3A_1246 = arith.constant 13 : i32
    %lt3A_1247 = arith.cmpi slt, %lt3A_1246, %add3A : i32
    %convert_element_type3A_1248 = arith.extui %lt3A_1247 : i1 to i32
    %mul3A_1249 = vector.broadcast %convert_element_type3A_1248 : i32 to vector<16xi32>
    %mul3A_1250 = arith.muli %get3A_1245, %mul3A_1249 : vector<16xi32>
    %add3A_1251 = arith.addi %add3A_1240, %mul3A_1250 : vector<16xi32>
    %add3A_1252 = arith.addi %add3A_1241, %get3A_1245 : vector<16xi32>
    %get3A_1253 = arith.constant 14 : i32
    %get3A_1254 = arith.index_cast %get3A_1253 : i32 to index
    %get3A_1255 = arith.constant 48 : index
    %get3A_1256 = tpu.vector_load %arg8[%get3A_1254, %get3A_1255] {strides = array<i32>} : memref<32x64xi32, #tpu.memory_space<vmem>>, vector<16xi32>,
    %lt3A_1257 = arith.constant 14 : i32
    %lt3A_1258 = arith.cmpi slt, %lt3A_1257, %add3A : i32
    %convert_element_type3A_1259 = arith.extui %lt3A_1258 : i1 to i32
    %mul3A_1260 = vector.broadcast %convert_element_type3A_1259 : i32 to vector<16xi32>
    %mul3A_1261 = arith.muli %get3A_1256, %mul3A_1260 : vector<16xi32>
    %add3A_1262 = arith.addi %add3A_1251, %mul3A_1261 : vector<16xi32>
    %add3A_1263 = arith.addi %add3A_1252, %get3A_1256 : vector<16xi32>
    %get3A_1264 = arith.constant 15 : i32
    %get3A_1265 = arith.index_cast %get3A_1264 : i32 to index
    %get3A_1266 = arith.constant 48 : index
    %get3A_1267 = tpu.vector_load %arg8[%get3A_1265, %get3A_1266] {strides = array<i32>} : memref<32x64xi32, #tpu.memory_space<vmem>>, vector<16xi32>,
    %lt3A_1268 = arith.constant 15 : i32
    %lt3A_1269 = arith.cmpi slt, %lt3A_1268, %add3A : i32
    %convert_element_type3A_1270 = arith.extui %lt3A_1269 : i1 to i32
    %mul3A_1271 = vector.broadcast %convert_element_type3A_1270 : i32 to vector<16xi32>
    %mul3A_1272 = arith.muli %get3A_1267, %mul3A_1271 : vector<16xi32>
    %add3A_1273 = arith.addi %add3A_1262, %mul3A_1272 : vector<16xi32>
    %add3A_1274 = arith.addi %add3A_1263, %get3A_1267 : vector<16xi32>
    %get3A_1275 = arith.constant 16 : i32
    %get3A_1276 = arith.index_cast %get3A_1275 : i32 to index
    %get3A_1277 = arith.constant 48 : index
    %get3A_1278 = tpu.vector_load %arg8[%get3A_1276, %get3A_1277] {strides = array<i32>} : memref<32x64xi32, #tpu.memory_space<vmem>>, vector<16xi32>,
    %lt3A_1279 = arith.constant 16 : i32
    %lt3A_1280 = arith.cmpi slt, %lt3A_1279, %add3A : i32
    %convert_element_type3A_1281 = arith.extui %lt3A_1280 : i1 to i32
    %mul3A_1282 = vector.broadcast %convert_element_type3A_1281 : i32 to vector<16xi32>
    %mul3A_1283 = arith.muli %get3A_1278, %mul3A_1282 : vector<16xi32>
    %add3A_1284 = arith.addi %add3A_1273, %mul3A_1283 : vector<16xi32>
    %add3A_1285 = arith.addi %add3A_1274, %get3A_1278 : vector<16xi32>
    %get3A_1286 = arith.constant 17 : i32
    %get3A_1287 = arith.index_cast %get3A_1286 : i32 to index
    %get3A_1288 = arith.constant 48 : index
    %get3A_1289 = tpu.vector_load %arg8[%get3A_1287, %get3A_1288] {strides = array<i32>} : memref<32x64xi32, #tpu.memory_space<vmem>>, vector<16xi32>,
    %lt3A_1290 = arith.constant 17 : i32
    %lt3A_1291 = arith.cmpi slt, %lt3A_1290, %add3A : i32
    %convert_element_type3A_1292 = arith.extui %lt3A_1291 : i1 to i32
    %mul3A_1293 = vector.broadcast %convert_element_type3A_1292 : i32 to vector<16xi32>
    %mul3A_1294 = arith.muli %get3A_1289, %mul3A_1293 : vector<16xi32>
    %add3A_1295 = arith.addi %add3A_1284, %mul3A_1294 : vector<16xi32>
    %add3A_1296 = arith.addi %add3A_1285, %get3A_1289 : vector<16xi32>
    %get3A_1297 = arith.constant 18 : i32
    %get3A_1298 = arith.index_cast %get3A_1297 : i32 to index
    %get3A_1299 = arith.constant 48 : index
    %get3A_1300 = tpu.vector_load %arg8[%get3A_1298, %get3A_1299] {strides = array<i32>} : memref<32x64xi32, #tpu.memory_space<vmem>>, vector<16xi32>,
    %lt3A_1301 = arith.constant 18 : i32
    %lt3A_1302 = arith.cmpi slt, %lt3A_1301, %add3A : i32
    %convert_element_type3A_1303 = arith.extui %lt3A_1302 : i1 to i32
    %mul3A_1304 = vector.broadcast %convert_element_type3A_1303 : i32 to vector<16xi32>
    %mul3A_1305 = arith.muli %get3A_1300, %mul3A_1304 : vector<16xi32>
    %add3A_1306 = arith.addi %add3A_1295, %mul3A_1305 : vector<16xi32>
    %add3A_1307 = arith.addi %add3A_1296, %get3A_1300 : vector<16xi32>
    %get3A_1308 = arith.constant 19 : i32
    %get3A_1309 = arith.index_cast %get3A_1308 : i32 to index
    %get3A_1310 = arith.constant 48 : index
    %get3A_1311 = tpu.vector_load %arg8[%get3A_1309, %get3A_1310] {strides = array<i32>} : memref<32x64xi32, #tpu.memory_space<vmem>>, vector<16xi32>,
    %lt3A_1312 = arith.constant 19 : i32
    %lt3A_1313 = arith.cmpi slt, %lt3A_1312, %add3A : i32
    %convert_element_type3A_1314 = arith.extui %lt3A_1313 : i1 to i32
    %mul3A_1315 = vector.broadcast %convert_element_type3A_1314 : i32 to vector<16xi32>
    %mul3A_1316 = arith.muli %get3A_1311, %mul3A_1315 : vector<16xi32>
    %add3A_1317 = arith.addi %add3A_1306, %mul3A_1316 : vector<16xi32>
    %add3A_1318 = arith.addi %add3A_1307, %get3A_1311 : vector<16xi32>
    %get3A_1319 = arith.constant 20 : i32
    %get3A_1320 = arith.index_cast %get3A_1319 : i32 to index
    %get3A_1321 = arith.constant 48 : index
    %get3A_1322 = tpu.vector_load %arg8[%get3A_1320, %get3A_1321] {strides = array<i32>} : memref<32x64xi32, #tpu.memory_space<vmem>>, vector<16xi32>,
    %lt3A_1323 = arith.constant 20 : i32
    %lt3A_1324 = arith.cmpi slt, %lt3A_1323, %add3A : i32
    %convert_element_type3A_1325 = arith.extui %lt3A_1324 : i1 to i32
    %mul3A_1326 = vector.broadcast %convert_element_type3A_1325 : i32 to vector<16xi32>
    %mul3A_1327 = arith.muli %get3A_1322, %mul3A_1326 : vector<16xi32>
    %add3A_1328 = arith.addi %add3A_1317, %mul3A_1327 : vector<16xi32>
    %add3A_1329 = arith.addi %add3A_1318, %get3A_1322 : vector<16xi32>
    %get3A_1330 = arith.constant 21 : i32
    %get3A_1331 = arith.index_cast %get3A_1330 : i32 to index
    %get3A_1332 = arith.constant 48 : index
    %get3A_1333 = tpu.vector_load %arg8[%get3A_1331, %get3A_1332] {strides = array<i32>} : memref<32x64xi32, #tpu.memory_space<vmem>>, vector<16xi32>,
    %lt3A_1334 = arith.constant 21 : i32
    %lt3A_1335 = arith.cmpi slt, %lt3A_1334, %add3A : i32
    %convert_element_type3A_1336 = arith.extui %lt3A_1335 : i1 to i32
    %mul3A_1337 = vector.broadcast %convert_element_type3A_1336 : i32 to vector<16xi32>
    %mul3A_1338 = arith.muli %get3A_1333, %mul3A_1337 : vector<16xi32>
    %add3A_1339 = arith.addi %add3A_1328, %mul3A_1338 : vector<16xi32>
    %add3A_1340 = arith.addi %add3A_1329, %get3A_1333 : vector<16xi32>
    %get3A_1341 = arith.constant 22 : i32
    %get3A_1342 = arith.index_cast %get3A_1341 : i32 to index
    %get3A_1343 = arith.constant 48 : index
    %get3A_1344 = tpu.vector_load %arg8[%get3A_1342, %get3A_1343] {strides = array<i32>} : memref<32x64xi32, #tpu.memory_space<vmem>>, vector<16xi32>,
    %lt3A_1345 = arith.constant 22 : i32
    %lt3A_1346 = arith.cmpi slt, %lt3A_1345, %add3A : i32
    %convert_element_type3A_1347 = arith.extui %lt3A_1346 : i1 to i32
    %mul3A_1348 = vector.broadcast %convert_element_type3A_1347 : i32 to vector<16xi32>
    %mul3A_1349 = arith.muli %get3A_1344, %mul3A_1348 : vector<16xi32>
    %add3A_1350 = arith.addi %add3A_1339, %mul3A_1349 : vector<16xi32>
    %add3A_1351 = arith.addi %add3A_1340, %get3A_1344 : vector<16xi32>
    %get3A_1352 = arith.constant 23 : i32
    %get3A_1353 = arith.index_cast %get3A_1352 : i32 to index
    %get3A_1354 = arith.constant 48 : index
    %get3A_1355 = tpu.vector_load %arg8[%get3A_1353, %get3A_1354] {strides = array<i32>} : memref<32x64xi32, #tpu.memory_space<vmem>>, vector<16xi32>,
    %lt3A_1356 = arith.constant 23 : i32
    %lt3A_1357 = arith.cmpi slt, %lt3A_1356, %add3A : i32
    %convert_element_type3A_1358 = arith.extui %lt3A_1357 : i1 to i32
    %mul3A_1359 = vector.broadcast %convert_element_type3A_1358 : i32 to vector<16xi32>
    %mul3A_1360 = arith.muli %get3A_1355, %mul3A_1359 : vector<16xi32>
    %add3A_1361 = arith.addi %add3A_1350, %mul3A_1360 : vector<16xi32>
    %add3A_1362 = arith.addi %add3A_1351, %get3A_1355 : vector<16xi32>
    %get3A_1363 = arith.constant 24 : i32
    %get3A_1364 = arith.index_cast %get3A_1363 : i32 to index
    %get3A_1365 = arith.constant 48 : index
    %get3A_1366 = tpu.vector_load %arg8[%get3A_1364, %get3A_1365] {strides = array<i32>} : memref<32x64xi32, #tpu.memory_space<vmem>>, vector<16xi32>,
    %lt3A_1367 = arith.constant 24 : i32
    %lt3A_1368 = arith.cmpi slt, %lt3A_1367, %add3A : i32
    %convert_element_type3A_1369 = arith.extui %lt3A_1368 : i1 to i32
    %mul3A_1370 = vector.broadcast %convert_element_type3A_1369 : i32 to vector<16xi32>
    %mul3A_1371 = arith.muli %get3A_1366, %mul3A_1370 : vector<16xi32>
    %add3A_1372 = arith.addi %add3A_1361, %mul3A_1371 : vector<16xi32>
    %add3A_1373 = arith.addi %add3A_1362, %get3A_1366 : vector<16xi32>
    %get3A_1374 = arith.constant 25 : i32
    %get3A_1375 = arith.index_cast %get3A_1374 : i32 to index
    %get3A_1376 = arith.constant 48 : index
    %get3A_1377 = tpu.vector_load %arg8[%get3A_1375, %get3A_1376] {strides = array<i32>} : memref<32x64xi32, #tpu.memory_space<vmem>>, vector<16xi32>,
    %lt3A_1378 = arith.constant 25 : i32
    %lt3A_1379 = arith.cmpi slt, %lt3A_1378, %add3A : i32
    %convert_element_type3A_1380 = arith.extui %lt3A_1379 : i1 to i32
    %mul3A_1381 = vector.broadcast %convert_element_type3A_1380 : i32 to vector<16xi32>
    %mul3A_1382 = arith.muli %get3A_1377, %mul3A_1381 : vector<16xi32>
    %add3A_1383 = arith.addi %add3A_1372, %mul3A_1382 : vector<16xi32>
    %add3A_1384 = arith.addi %add3A_1373, %get3A_1377 : vector<16xi32>
    %get3A_1385 = arith.constant 26 : i32
    %get3A_1386 = arith.index_cast %get3A_1385 : i32 to index
    %get3A_1387 = arith.constant 48 : index
    %get3A_1388 = tpu.vector_load %arg8[%get3A_1386, %get3A_1387] {strides = array<i32>} : memref<32x64xi32, #tpu.memory_space<vmem>>, vector<16xi32>,
    %lt3A_1389 = arith.constant 26 : i32
    %lt3A_1390 = arith.cmpi slt, %lt3A_1389, %add3A : i32
    %convert_element_type3A_1391 = arith.extui %lt3A_1390 : i1 to i32
    %mul3A_1392 = vector.broadcast %convert_element_type3A_1391 : i32 to vector<16xi32>
    %mul3A_1393 = arith.muli %get3A_1388, %mul3A_1392 : vector<16xi32>
    %add3A_1394 = arith.addi %add3A_1383, %mul3A_1393 : vector<16xi32>
    %add3A_1395 = arith.addi %add3A_1384, %get3A_1388 : vector<16xi32>
    %get3A_1396 = arith.constant 27 : i32
    %get3A_1397 = arith.index_cast %get3A_1396 : i32 to index
    %get3A_1398 = arith.constant 48 : index
    %get3A_1399 = tpu.vector_load %arg8[%get3A_1397, %get3A_1398] {strides = array<i32>} : memref<32x64xi32, #tpu.memory_space<vmem>>, vector<16xi32>,
    %lt3A_1400 = arith.constant 27 : i32
    %lt3A_1401 = arith.cmpi slt, %lt3A_1400, %add3A : i32
    %convert_element_type3A_1402 = arith.extui %lt3A_1401 : i1 to i32
    %mul3A_1403 = vector.broadcast %convert_element_type3A_1402 : i32 to vector<16xi32>
    %mul3A_1404 = arith.muli %get3A_1399, %mul3A_1403 : vector<16xi32>
    %add3A_1405 = arith.addi %add3A_1394, %mul3A_1404 : vector<16xi32>
    %add3A_1406 = arith.addi %add3A_1395, %get3A_1399 : vector<16xi32>
    %get3A_1407 = arith.constant 28 : i32
    %get3A_1408 = arith.index_cast %get3A_1407 : i32 to index
    %get3A_1409 = arith.constant 48 : index
    %get3A_1410 = tpu.vector_load %arg8[%get3A_1408, %get3A_1409] {strides = array<i32>} : memref<32x64xi32, #tpu.memory_space<vmem>>, vector<16xi32>,
    %lt3A_1411 = arith.constant 28 : i32
    %lt3A_1412 = arith.cmpi slt, %lt3A_1411, %add3A : i32
    %convert_element_type3A_1413 = arith.extui %lt3A_1412 : i1 to i32
    %mul3A_1414 = vector.broadcast %convert_element_type3A_1413 : i32 to vector<16xi32>
    %mul3A_1415 = arith.muli %get3A_1410, %mul3A_1414 : vector<16xi32>
    %add3A_1416 = arith.addi %add3A_1405, %mul3A_1415 : vector<16xi32>
    %add3A_1417 = arith.addi %add3A_1406, %get3A_1410 : vector<16xi32>
    %get3A_1418 = arith.constant 29 : i32
    %get3A_1419 = arith.index_cast %get3A_1418 : i32 to index
    %get3A_1420 = arith.constant 48 : index
    %get3A_1421 = tpu.vector_load %arg8[%get3A_1419, %get3A_1420] {strides = array<i32>} : memref<32x64xi32, #tpu.memory_space<vmem>>, vector<16xi32>,
    %lt3A_1422 = arith.constant 29 : i32
    %lt3A_1423 = arith.cmpi slt, %lt3A_1422, %add3A : i32
    %convert_element_type3A_1424 = arith.extui %lt3A_1423 : i1 to i32
    %mul3A_1425 = vector.broadcast %convert_element_type3A_1424 : i32 to vector<16xi32>
    %mul3A_1426 = arith.muli %get3A_1421, %mul3A_1425 : vector<16xi32>
    %add3A_1427 = arith.addi %add3A_1416, %mul3A_1426 : vector<16xi32>
    %add3A_1428 = arith.addi %add3A_1417, %get3A_1421 : vector<16xi32>
    %get3A_1429 = arith.constant 30 : i32
    %get3A_1430 = arith.index_cast %get3A_1429 : i32 to index
    %get3A_1431 = arith.constant 48 : index
    %get3A_1432 = tpu.vector_load %arg8[%get3A_1430, %get3A_1431] {strides = array<i32>} : memref<32x64xi32, #tpu.memory_space<vmem>>, vector<16xi32>,
    %lt3A_1433 = arith.constant 30 : i32
    %lt3A_1434 = arith.cmpi slt, %lt3A_1433, %add3A : i32
    %convert_element_type3A_1435 = arith.extui %lt3A_1434 : i1 to i32
    %mul3A_1436 = vector.broadcast %convert_element_type3A_1435 : i32 to vector<16xi32>
    %mul3A_1437 = arith.muli %get3A_1432, %mul3A_1436 : vector<16xi32>
    %add3A_1438 = arith.addi %add3A_1427, %mul3A_1437 : vector<16xi32>
    %add3A_1439 = arith.addi %add3A_1428, %get3A_1432 : vector<16xi32>
    %get3A_1440 = arith.constant 31 : i32
    %get3A_1441 = arith.index_cast %get3A_1440 : i32 to index
    %get3A_1442 = arith.constant 48 : index
    %get3A_1443 = tpu.vector_load %arg8[%get3A_1441, %get3A_1442] {strides = array<i32>} : memref<32x64xi32, #tpu.memory_space<vmem>>, vector<16xi32>,
    %lt3A_1444 = arith.constant 31 : i32
    %lt3A_1445 = arith.cmpi slt, %lt3A_1444, %add3A : i32
    %convert_element_type3A_1446 = arith.extui %lt3A_1445 : i1 to i32
    %mul3A_1447 = vector.broadcast %convert_element_type3A_1446 : i32 to vector<16xi32>
    %mul3A_1448 = arith.muli %get3A_1443, %mul3A_1447 : vector<16xi32>
    %add3A_1449 = arith.addi %add3A_1438, %mul3A_1448 : vector<16xi32>
    %add3A_1450 = arith.addi %add3A_1439, %get3A_1443 : vector<16xi32>
    %broadcast_in_dim3A_1451 = arith.constant true
    %broadcast_in_dim3A_1452 = vector.broadcast %broadcast_in_dim3A_1451 : i1 to vector<16xi1>
    %masked_cumsum3A_1453 = tpu.scan <sum>, %add3A_1450 masked %broadcast_in_dim3A_1452 : vector<16xi32>, vector<16xi1> -> vector<16xi32>
    %sub3A_1454 = arith.subi %masked_cumsum3A_1453, %add3A_1450 : vector<16xi32>
    %add3A_1455 = vector.broadcast %add3A_1095 : i32 to vector<16xi32>
    %add3A_1456 = arith.addi %sub3A_1454, %add3A_1455 : vector<16xi32>
    %reduce_sum3A_1457 = arith.constant true
    %reduce_sum3A_1458 = vector.broadcast %reduce_sum3A_1457 : i1 to vector<16xi1>
    %reduce_sum3A_1459 = tpu.scan <sum>, %add3A_1450 masked %reduce_sum3A_1458 : vector<16xi32>, vector<16xi1> -> vector<16xi32>
    %reduce_sum3A_1460 = vector.extract %reduce_sum3A_1459[15] : i32 from vector<16xi32>
    %add3A_1461 = arith.addi %add3A_1095, %reduce_sum3A_1460 : i32
    %add3A_1462 = arith.addi %add3A_1456, %add3A_1449 : vector<16xi32>
    %swap3A_1463 = arith.constant 48 : index
    %swap3A_1464 = tpu.vector_load %arg9[%swap3A_1463] {strides = array<i32>} : memref<64xi32, #tpu.memory_space<vmem>>, vector<16xi32>,
    tpu.vector_store %arg9[%swap3A_1463], %add3A_1462 {strides = array<i32>} : memref<64xi32, #tpu.memory_space<vmem>>, vector<16xi32>,
    %iota3A = tpu.iota {dimensions = array<i32: 0>} : vector<16xi32>
    %get3A_1465 = arith.constant 0 : index
    %get3A_1466 = tpu.vector_load %arg7[%get3A_1465] {strides = array<i32>} : memref<64xi32, #tpu.memory_space<vmem>>, vector<16xi32>,
    %swap3A_1467 = arith.constant 0 : index
    %swap3A_1468 = tpu.vector_load %arg12[%swap3A_1467] {strides = array<i32>} : memref<16xi32, #tpu.memory_space<vmem>>, vector<16xi32>,
    tpu.vector_store %arg12[%swap3A_1467], %get3A_1466 {strides = array<i32>} : memref<16xi32, #tpu.memory_space<vmem>>, vector<16xi32>,
    %sub3A_1469 = arith.constant 1 : i32
    %sub3A_1470 = vector.broadcast %sub3A_1469 : i32 to vector<16xi32>
    %sub3A_1471 = arith.subi %iota3A, %sub3A_1470 : vector<16xi32>
    %and3A = arith.constant 15 : i32
    %and3A_1472 = vector.broadcast %and3A : i32 to vector<16xi32>
    %and3A_1473 = arith.andi %sub3A_1471, %and3A_1472 : vector<16xi32>
    %gather3A = tpu.vector_load_idx %arg12[%and3A_1473] : memref<16xi32, #tpu.memory_space<vmem>>[vector<16xi32>], vector<16xi32>,
    %ge3A = arith.constant 1 : i32
    %ge3A_1474 = vector.broadcast %ge3A : i32 to vector<16xi32>
    %ge3A_1475 = arith.cmpi sge, %iota3A, %ge3A_1474 : vector<16xi32>
    %eq3A = arith.cmpi eq, %gather3A, %get3A_1466 : vector<16xi32>
    %and3A_1476 = arith.andi %ge3A_1475, %eq3A : vector<16xi1>
    %convert_element_type3A_1477 = arith.extui %and3A_1476 : vector<16xi1> to vector<16xi32>
    %add3A_1478 = arith.addi %broadcast_in_dim3A_3, %convert_element_type3A_1477 : vector<16xi32>
    %sub3A_1479 = arith.constant 2 : i32
    %sub3A_1480 = vector.broadcast %sub3A_1479 : i32 to vector<16xi32>
    %sub3A_1481 = arith.subi %iota3A, %sub3A_1480 : vector<16xi32>
    %and3A_1482 = arith.constant 15 : i32
    %and3A_1483 = vector.broadcast %and3A_1482 : i32 to vector<16xi32>
    %and3A_1484 = arith.andi %sub3A_1481, %and3A_1483 : vector<16xi32>
    %gather3A_1485 = tpu.vector_load_idx %arg12[%and3A_1484] : memref<16xi32, #tpu.memory_space<vmem>>[vector<16xi32>], vector<16xi32>,
    %ge3A_1486 = arith.constant 2 : i32
    %ge3A_1487 = vector.broadcast %ge3A_1486 : i32 to vector<16xi32>
    %ge3A_1488 = arith.cmpi sge, %iota3A, %ge3A_1487 : vector<16xi32>
    %eq3A_1489 = arith.cmpi eq, %gather3A_1485, %get3A_1466 : vector<16xi32>
    %and3A_1490 = arith.andi %ge3A_1488, %eq3A_1489 : vector<16xi1>
    %convert_element_type3A_1491 = arith.extui %and3A_1490 : vector<16xi1> to vector<16xi32>
    %add3A_1492 = arith.addi %add3A_1478, %convert_element_type3A_1491 : vector<16xi32>
    %sub3A_1493 = arith.constant 3 : i32
    %sub3A_1494 = vector.broadcast %sub3A_1493 : i32 to vector<16xi32>
    %sub3A_1495 = arith.subi %iota3A, %sub3A_1494 : vector<16xi32>
    %and3A_1496 = arith.constant 15 : i32
    %and3A_1497 = vector.broadcast %and3A_1496 : i32 to vector<16xi32>
    %and3A_1498 = arith.andi %sub3A_1495, %and3A_1497 : vector<16xi32>
    %gather3A_1499 = tpu.vector_load_idx %arg12[%and3A_1498] : memref<16xi32, #tpu.memory_space<vmem>>[vector<16xi32>], vector<16xi32>,
    %ge3A_1500 = arith.constant 3 : i32
    %ge3A_1501 = vector.broadcast %ge3A_1500 : i32 to vector<16xi32>
    %ge3A_1502 = arith.cmpi sge, %iota3A, %ge3A_1501 : vector<16xi32>
    %eq3A_1503 = arith.cmpi eq, %gather3A_1499, %get3A_1466 : vector<16xi32>
    %and3A_1504 = arith.andi %ge3A_1502, %eq3A_1503 : vector<16xi1>
    %convert_element_type3A_1505 = arith.extui %and3A_1504 : vector<16xi1> to vector<16xi32>
    %add3A_1506 = arith.addi %add3A_1492, %convert_element_type3A_1505 : vector<16xi32>
    %sub3A_1507 = arith.constant 4 : i32
    %sub3A_1508 = vector.broadcast %sub3A_1507 : i32 to vector<16xi32>
    %sub3A_1509 = arith.subi %iota3A, %sub3A_1508 : vector<16xi32>
    %and3A_1510 = arith.constant 15 : i32
    %and3A_1511 = vector.broadcast %and3A_1510 : i32 to vector<16xi32>
    %and3A_1512 = arith.andi %sub3A_1509, %and3A_1511 : vector<16xi32>
    %gather3A_1513 = tpu.vector_load_idx %arg12[%and3A_1512] : memref<16xi32, #tpu.memory_space<vmem>>[vector<16xi32>], vector<16xi32>,
    %ge3A_1514 = arith.constant 4 : i32
    %ge3A_1515 = vector.broadcast %ge3A_1514 : i32 to vector<16xi32>
    %ge3A_1516 = arith.cmpi sge, %iota3A, %ge3A_1515 : vector<16xi32>
    %eq3A_1517 = arith.cmpi eq, %gather3A_1513, %get3A_1466 : vector<16xi32>
    %and3A_1518 = arith.andi %ge3A_1516, %eq3A_1517 : vector<16xi1>
    %convert_element_type3A_1519 = arith.extui %and3A_1518 : vector<16xi1> to vector<16xi32>
    %add3A_1520 = arith.addi %add3A_1506, %convert_element_type3A_1519 : vector<16xi32>
    %sub3A_1521 = arith.constant 5 : i32
    %sub3A_1522 = vector.broadcast %sub3A_1521 : i32 to vector<16xi32>
    %sub3A_1523 = arith.subi %iota3A, %sub3A_1522 : vector<16xi32>
    %and3A_1524 = arith.constant 15 : i32
    %and3A_1525 = vector.broadcast %and3A_1524 : i32 to vector<16xi32>
    %and3A_1526 = arith.andi %sub3A_1523, %and3A_1525 : vector<16xi32>
    %gather3A_1527 = tpu.vector_load_idx %arg12[%and3A_1526] : memref<16xi32, #tpu.memory_space<vmem>>[vector<16xi32>], vector<16xi32>,
    %ge3A_1528 = arith.constant 5 : i32
    %ge3A_1529 = vector.broadcast %ge3A_1528 : i32 to vector<16xi32>
    %ge3A_1530 = arith.cmpi sge, %iota3A, %ge3A_1529 : vector<16xi32>
    %eq3A_1531 = arith.cmpi eq, %gather3A_1527, %get3A_1466 : vector<16xi32>
    %and3A_1532 = arith.andi %ge3A_1530, %eq3A_1531 : vector<16xi1>
    %convert_element_type3A_1533 = arith.extui %and3A_1532 : vector<16xi1> to vector<16xi32>
    %add3A_1534 = arith.addi %add3A_1520, %convert_element_type3A_1533 : vector<16xi32>
    %sub3A_1535 = arith.constant 6 : i32
    %sub3A_1536 = vector.broadcast %sub3A_1535 : i32 to vector<16xi32>
    %sub3A_1537 = arith.subi %iota3A, %sub3A_1536 : vector<16xi32>
    %and3A_1538 = arith.constant 15 : i32
    %and3A_1539 = vector.broadcast %and3A_1538 : i32 to vector<16xi32>
    %and3A_1540 = arith.andi %sub3A_1537, %and3A_1539 : vector<16xi32>
    %gather3A_1541 = tpu.vector_load_idx %arg12[%and3A_1540] : memref<16xi32, #tpu.memory_space<vmem>>[vector<16xi32>], vector<16xi32>,
    %ge3A_1542 = arith.constant 6 : i32
    %ge3A_1543 = vector.broadcast %ge3A_1542 : i32 to vector<16xi32>
    %ge3A_1544 = arith.cmpi sge, %iota3A, %ge3A_1543 : vector<16xi32>
    %eq3A_1545 = arith.cmpi eq, %gather3A_1541, %get3A_1466 : vector<16xi32>
    %and3A_1546 = arith.andi %ge3A_1544, %eq3A_1545 : vector<16xi1>
    %convert_element_type3A_1547 = arith.extui %and3A_1546 : vector<16xi1> to vector<16xi32>
    %add3A_1548 = arith.addi %add3A_1534, %convert_element_type3A_1547 : vector<16xi32>
    %sub3A_1549 = arith.constant 7 : i32
    %sub3A_1550 = vector.broadcast %sub3A_1549 : i32 to vector<16xi32>
    %sub3A_1551 = arith.subi %iota3A, %sub3A_1550 : vector<16xi32>
    %and3A_1552 = arith.constant 15 : i32
    %and3A_1553 = vector.broadcast %and3A_1552 : i32 to vector<16xi32>
    %and3A_1554 = arith.andi %sub3A_1551, %and3A_1553 : vector<16xi32>
    %gather3A_1555 = tpu.vector_load_idx %arg12[%and3A_1554] : memref<16xi32, #tpu.memory_space<vmem>>[vector<16xi32>], vector<16xi32>,
    %ge3A_1556 = arith.constant 7 : i32
    %ge3A_1557 = vector.broadcast %ge3A_1556 : i32 to vector<16xi32>
    %ge3A_1558 = arith.cmpi sge, %iota3A, %ge3A_1557 : vector<16xi32>
    %eq3A_1559 = arith.cmpi eq, %gather3A_1555, %get3A_1466 : vector<16xi32>
    %and3A_1560 = arith.andi %ge3A_1558, %eq3A_1559 : vector<16xi1>
    %convert_element_type3A_1561 = arith.extui %and3A_1560 : vector<16xi1> to vector<16xi32>
    %add3A_1562 = arith.addi %add3A_1548, %convert_element_type3A_1561 : vector<16xi32>
    %sub3A_1563 = arith.constant 8 : i32
    %sub3A_1564 = vector.broadcast %sub3A_1563 : i32 to vector<16xi32>
    %sub3A_1565 = arith.subi %iota3A, %sub3A_1564 : vector<16xi32>
    %and3A_1566 = arith.constant 15 : i32
    %and3A_1567 = vector.broadcast %and3A_1566 : i32 to vector<16xi32>
    %and3A_1568 = arith.andi %sub3A_1565, %and3A_1567 : vector<16xi32>
    %gather3A_1569 = tpu.vector_load_idx %arg12[%and3A_1568] : memref<16xi32, #tpu.memory_space<vmem>>[vector<16xi32>], vector<16xi32>,
    %ge3A_1570 = arith.constant 8 : i32
    %ge3A_1571 = vector.broadcast %ge3A_1570 : i32 to vector<16xi32>
    %ge3A_1572 = arith.cmpi sge, %iota3A, %ge3A_1571 : vector<16xi32>
    %eq3A_1573 = arith.cmpi eq, %gather3A_1569, %get3A_1466 : vector<16xi32>
    %and3A_1574 = arith.andi %ge3A_1572, %eq3A_1573 : vector<16xi1>
    %convert_element_type3A_1575 = arith.extui %and3A_1574 : vector<16xi1> to vector<16xi32>
    %add3A_1576 = arith.addi %add3A_1562, %convert_element_type3A_1575 : vector<16xi32>
    %sub3A_1577 = arith.constant 9 : i32
    %sub3A_1578 = vector.broadcast %sub3A_1577 : i32 to vector<16xi32>
    %sub3A_1579 = arith.subi %iota3A, %sub3A_1578 : vector<16xi32>
    %and3A_1580 = arith.constant 15 : i32
    %and3A_1581 = vector.broadcast %and3A_1580 : i32 to vector<16xi32>
    %and3A_1582 = arith.andi %sub3A_1579, %and3A_1581 : vector<16xi32>
    %gather3A_1583 = tpu.vector_load_idx %arg12[%and3A_1582] : memref<16xi32, #tpu.memory_space<vmem>>[vector<16xi32>], vector<16xi32>,
    %ge3A_1584 = arith.constant 9 : i32
    %ge3A_1585 = vector.broadcast %ge3A_1584 : i32 to vector<16xi32>
    %ge3A_1586 = arith.cmpi sge, %iota3A, %ge3A_1585 : vector<16xi32>
    %eq3A_1587 = arith.cmpi eq, %gather3A_1583, %get3A_1466 : vector<16xi32>
    %and3A_1588 = arith.andi %ge3A_1586, %eq3A_1587 : vector<16xi1>
    %convert_element_type3A_1589 = arith.extui %and3A_1588 : vector<16xi1> to vector<16xi32>
    %add3A_1590 = arith.addi %add3A_1576, %convert_element_type3A_1589 : vector<16xi32>
    %sub3A_1591 = arith.constant 10 : i32
    %sub3A_1592 = vector.broadcast %sub3A_1591 : i32 to vector<16xi32>
    %sub3A_1593 = arith.subi %iota3A, %sub3A_1592 : vector<16xi32>
    %and3A_1594 = arith.constant 15 : i32
    %and3A_1595 = vector.broadcast %and3A_1594 : i32 to vector<16xi32>
    %and3A_1596 = arith.andi %sub3A_1593, %and3A_1595 : vector<16xi32>
    %gather3A_1597 = tpu.vector_load_idx %arg12[%and3A_1596] : memref<16xi32, #tpu.memory_space<vmem>>[vector<16xi32>], vector<16xi32>,
    %ge3A_1598 = arith.constant 10 : i32
    %ge3A_1599 = vector.broadcast %ge3A_1598 : i32 to vector<16xi32>
    %ge3A_1600 = arith.cmpi sge, %iota3A, %ge3A_1599 : vector<16xi32>
    %eq3A_1601 = arith.cmpi eq, %gather3A_1597, %get3A_1466 : vector<16xi32>
    %and3A_1602 = arith.andi %ge3A_1600, %eq3A_1601 : vector<16xi1>
    %convert_element_type3A_1603 = arith.extui %and3A_1602 : vector<16xi1> to vector<16xi32>
    %add3A_1604 = arith.addi %add3A_1590, %convert_element_type3A_1603 : vector<16xi32>
    %sub3A_1605 = arith.constant 11 : i32
    %sub3A_1606 = vector.broadcast %sub3A_1605 : i32 to vector<16xi32>
    %sub3A_1607 = arith.subi %iota3A, %sub3A_1606 : vector<16xi32>
    %and3A_1608 = arith.constant 15 : i32
    %and3A_1609 = vector.broadcast %and3A_1608 : i32 to vector<16xi32>
    %and3A_1610 = arith.andi %sub3A_1607, %and3A_1609 : vector<16xi32>
    %gather3A_1611 = tpu.vector_load_idx %arg12[%and3A_1610] : memref<16xi32, #tpu.memory_space<vmem>>[vector<16xi32>], vector<16xi32>,
    %ge3A_1612 = arith.constant 11 : i32
    %ge3A_1613 = vector.broadcast %ge3A_1612 : i32 to vector<16xi32>
    %ge3A_1614 = arith.cmpi sge, %iota3A, %ge3A_1613 : vector<16xi32>
    %eq3A_1615 = arith.cmpi eq, %gather3A_1611, %get3A_1466 : vector<16xi32>
    %and3A_1616 = arith.andi %ge3A_1614, %eq3A_1615 : vector<16xi1>
    %convert_element_type3A_1617 = arith.extui %and3A_1616 : vector<16xi1> to vector<16xi32>
    %add3A_1618 = arith.addi %add3A_1604, %convert_element_type3A_1617 : vector<16xi32>
    %sub3A_1619 = arith.constant 12 : i32
    %sub3A_1620 = vector.broadcast %sub3A_1619 : i32 to vector<16xi32>
    %sub3A_1621 = arith.subi %iota3A, %sub3A_1620 : vector<16xi32>
    %and3A_1622 = arith.constant 15 : i32
    %and3A_1623 = vector.broadcast %and3A_1622 : i32 to vector<16xi32>
    %and3A_1624 = arith.andi %sub3A_1621, %and3A_1623 : vector<16xi32>
    %gather3A_1625 = tpu.vector_load_idx %arg12[%and3A_1624] : memref<16xi32, #tpu.memory_space<vmem>>[vector<16xi32>], vector<16xi32>,
    %ge3A_1626 = arith.constant 12 : i32
    %ge3A_1627 = vector.broadcast %ge3A_1626 : i32 to vector<16xi32>
    %ge3A_1628 = arith.cmpi sge, %iota3A, %ge3A_1627 : vector<16xi32>
    %eq3A_1629 = arith.cmpi eq, %gather3A_1625, %get3A_1466 : vector<16xi32>
    %and3A_1630 = arith.andi %ge3A_1628, %eq3A_1629 : vector<16xi1>
    %convert_element_type3A_1631 = arith.extui %and3A_1630 : vector<16xi1> to vector<16xi32>
    %add3A_1632 = arith.addi %add3A_1618, %convert_element_type3A_1631 : vector<16xi32>
    %sub3A_1633 = arith.constant 13 : i32
    %sub3A_1634 = vector.broadcast %sub3A_1633 : i32 to vector<16xi32>
    %sub3A_1635 = arith.subi %iota3A, %sub3A_1634 : vector<16xi32>
    %and3A_1636 = arith.constant 15 : i32
    %and3A_1637 = vector.broadcast %and3A_1636 : i32 to vector<16xi32>
    %and3A_1638 = arith.andi %sub3A_1635, %and3A_1637 : vector<16xi32>
    %gather3A_1639 = tpu.vector_load_idx %arg12[%and3A_1638] : memref<16xi32, #tpu.memory_space<vmem>>[vector<16xi32>], vector<16xi32>,
    %ge3A_1640 = arith.constant 13 : i32
    %ge3A_1641 = vector.broadcast %ge3A_1640 : i32 to vector<16xi32>
    %ge3A_1642 = arith.cmpi sge, %iota3A, %ge3A_1641 : vector<16xi32>
    %eq3A_1643 = arith.cmpi eq, %gather3A_1639, %get3A_1466 : vector<16xi32>
    %and3A_1644 = arith.andi %ge3A_1642, %eq3A_1643 : vector<16xi1>
    %convert_element_type3A_1645 = arith.extui %and3A_1644 : vector<16xi1> to vector<16xi32>
    %add3A_1646 = arith.addi %add3A_1632, %convert_element_type3A_1645 : vector<16xi32>
    %sub3A_1647 = arith.constant 14 : i32
    %sub3A_1648 = vector.broadcast %sub3A_1647 : i32 to vector<16xi32>
    %sub3A_1649 = arith.subi %iota3A, %sub3A_1648 : vector<16xi32>
    %and3A_1650 = arith.constant 15 : i32
    %and3A_1651 = vector.broadcast %and3A_1650 : i32 to vector<16xi32>
    %and3A_1652 = arith.andi %sub3A_1649, %and3A_1651 : vector<16xi32>
    %gather3A_1653 = tpu.vector_load_idx %arg12[%and3A_1652] : memref<16xi32, #tpu.memory_space<vmem>>[vector<16xi32>], vector<16xi32>,
    %ge3A_1654 = arith.constant 14 : i32
    %ge3A_1655 = vector.broadcast %ge3A_1654 : i32 to vector<16xi32>
    %ge3A_1656 = arith.cmpi sge, %iota3A, %ge3A_1655 : vector<16xi32>
    %eq3A_1657 = arith.cmpi eq, %gather3A_1653, %get3A_1466 : vector<16xi32>
    %and3A_1658 = arith.andi %ge3A_1656, %eq3A_1657 : vector<16xi1>
    %convert_element_type3A_1659 = arith.extui %and3A_1658 : vector<16xi1> to vector<16xi32>
    %add3A_1660 = arith.addi %add3A_1646, %convert_element_type3A_1659 : vector<16xi32>
    %sub3A_1661 = arith.constant 15 : i32
    %sub3A_1662 = vector.broadcast %sub3A_1661 : i32 to vector<16xi32>
    %sub3A_1663 = arith.subi %iota3A, %sub3A_1662 : vector<16xi32>
    %and3A_1664 = arith.constant 15 : i32
    %and3A_1665 = vector.broadcast %and3A_1664 : i32 to vector<16xi32>
    %and3A_1666 = arith.andi %sub3A_1663, %and3A_1665 : vector<16xi32>
    %gather3A_1667 = tpu.vector_load_idx %arg12[%and3A_1666] : memref<16xi32, #tpu.memory_space<vmem>>[vector<16xi32>], vector<16xi32>,
    %ge3A_1668 = arith.constant 15 : i32
    %ge3A_1669 = vector.broadcast %ge3A_1668 : i32 to vector<16xi32>
    %ge3A_1670 = arith.cmpi sge, %iota3A, %ge3A_1669 : vector<16xi32>
    %eq3A_1671 = arith.cmpi eq, %gather3A_1667, %get3A_1466 : vector<16xi32>
    %and3A_1672 = arith.andi %ge3A_1670, %eq3A_1671 : vector<16xi1>
    %convert_element_type3A_1673 = arith.extui %and3A_1672 : vector<16xi1> to vector<16xi32>
    %add3A_1674 = arith.addi %add3A_1660, %convert_element_type3A_1673 : vector<16xi32>
    %gather3A_1675 = tpu.vector_load_idx %arg9[%get3A_1466] : memref<64xi32, #tpu.memory_space<vmem>>[vector<16xi32>], vector<16xi32>,
    %add3A_1676 = arith.addi %gather3A_1675, %add3A_1674 : vector<16xi32>
    %swap3A_1677 = arith.constant 0 : index
    %swap3A_1678 = tpu.vector_load %arg10[%swap3A_1677] {strides = array<i32>} : memref<64xi32, #tpu.memory_space<vmem>>, vector<16xi32>,
    tpu.vector_store %arg10[%swap3A_1677], %add3A_1676 {strides = array<i32>} : memref<64xi32, #tpu.memory_space<vmem>>, vector<16xi32>,
    tpu.vector_store_idx %arg9[%get3A_1466], %broadcast_in_dim3A_5 {add = true} : memref<64xi32, #tpu.memory_space<vmem>>[vector<16xi32>], vector<16xi32>,
    %get3A_1679 = arith.constant 16 : index
    %get3A_1680 = tpu.vector_load %arg7[%get3A_1679] {strides = array<i32>} : memref<64xi32, #tpu.memory_space<vmem>>, vector<16xi32>,
    %swap3A_1681 = arith.constant 0 : index
    %swap3A_1682 = tpu.vector_load %arg12[%swap3A_1681] {strides = array<i32>} : memref<16xi32, #tpu.memory_space<vmem>>, vector<16xi32>,
    tpu.vector_store %arg12[%swap3A_1681], %get3A_1680 {strides = array<i32>} : memref<16xi32, #tpu.memory_space<vmem>>, vector<16xi32>,
    %sub3A_1683 = arith.constant 1 : i32
    %sub3A_1684 = vector.broadcast %sub3A_1683 : i32 to vector<16xi32>
    %sub3A_1685 = arith.subi %iota3A, %sub3A_1684 : vector<16xi32>
    %and3A_1686 = arith.constant 15 : i32
    %and3A_1687 = vector.broadcast %and3A_1686 : i32 to vector<16xi32>
    %and3A_1688 = arith.andi %sub3A_1685, %and3A_1687 : vector<16xi32>
    %gather3A_1689 = tpu.vector_load_idx %arg12[%and3A_1688] : memref<16xi32, #tpu.memory_space<vmem>>[vector<16xi32>], vector<16xi32>,
    %ge3A_1690 = arith.constant 1 : i32
    %ge3A_1691 = vector.broadcast %ge3A_1690 : i32 to vector<16xi32>
    %ge3A_1692 = arith.cmpi sge, %iota3A, %ge3A_1691 : vector<16xi32>
    %eq3A_1693 = arith.cmpi eq, %gather3A_1689, %get3A_1680 : vector<16xi32>
    %and3A_1694 = arith.andi %ge3A_1692, %eq3A_1693 : vector<16xi1>
    %convert_element_type3A_1695 = arith.extui %and3A_1694 : vector<16xi1> to vector<16xi32>
    %add3A_1696 = arith.addi %broadcast_in_dim3A_3, %convert_element_type3A_1695 : vector<16xi32>
    %sub3A_1697 = arith.constant 2 : i32
    %sub3A_1698 = vector.broadcast %sub3A_1697 : i32 to vector<16xi32>
    %sub3A_1699 = arith.subi %iota3A, %sub3A_1698 : vector<16xi32>
    %and3A_1700 = arith.constant 15 : i32
    %and3A_1701 = vector.broadcast %and3A_1700 : i32 to vector<16xi32>
    %and3A_1702 = arith.andi %sub3A_1699, %and3A_1701 : vector<16xi32>
    %gather3A_1703 = tpu.vector_load_idx %arg12[%and3A_1702] : memref<16xi32, #tpu.memory_space<vmem>>[vector<16xi32>], vector<16xi32>,
    %ge3A_1704 = arith.constant 2 : i32
    %ge3A_1705 = vector.broadcast %ge3A_1704 : i32 to vector<16xi32>
    %ge3A_1706 = arith.cmpi sge, %iota3A, %ge3A_1705 : vector<16xi32>
    %eq3A_1707 = arith.cmpi eq, %gather3A_1703, %get3A_1680 : vector<16xi32>
    %and3A_1708 = arith.andi %ge3A_1706, %eq3A_1707 : vector<16xi1>
    %convert_element_type3A_1709 = arith.extui %and3A_1708 : vector<16xi1> to vector<16xi32>
    %add3A_1710 = arith.addi %add3A_1696, %convert_element_type3A_1709 : vector<16xi32>
    %sub3A_1711 = arith.constant 3 : i32
    %sub3A_1712 = vector.broadcast %sub3A_1711 : i32 to vector<16xi32>
    %sub3A_1713 = arith.subi %iota3A, %sub3A_1712 : vector<16xi32>
    %and3A_1714 = arith.constant 15 : i32
    %and3A_1715 = vector.broadcast %and3A_1714 : i32 to vector<16xi32>
    %and3A_1716 = arith.andi %sub3A_1713, %and3A_1715 : vector<16xi32>
    %gather3A_1717 = tpu.vector_load_idx %arg12[%and3A_1716] : memref<16xi32, #tpu.memory_space<vmem>>[vector<16xi32>], vector<16xi32>,
    %ge3A_1718 = arith.constant 3 : i32
    %ge3A_1719 = vector.broadcast %ge3A_1718 : i32 to vector<16xi32>
    %ge3A_1720 = arith.cmpi sge, %iota3A, %ge3A_1719 : vector<16xi32>
    %eq3A_1721 = arith.cmpi eq, %gather3A_1717, %get3A_1680 : vector<16xi32>
    %and3A_1722 = arith.andi %ge3A_1720, %eq3A_1721 : vector<16xi1>
    %convert_element_type3A_1723 = arith.extui %and3A_1722 : vector<16xi1> to vector<16xi32>
    %add3A_1724 = arith.addi %add3A_1710, %convert_element_type3A_1723 : vector<16xi32>
    %sub3A_1725 = arith.constant 4 : i32
    %sub3A_1726 = vector.broadcast %sub3A_1725 : i32 to vector<16xi32>
    %sub3A_1727 = arith.subi %iota3A, %sub3A_1726 : vector<16xi32>
    %and3A_1728 = arith.constant 15 : i32
    %and3A_1729 = vector.broadcast %and3A_1728 : i32 to vector<16xi32>
    %and3A_1730 = arith.andi %sub3A_1727, %and3A_1729 : vector<16xi32>
    %gather3A_1731 = tpu.vector_load_idx %arg12[%and3A_1730] : memref<16xi32, #tpu.memory_space<vmem>>[vector<16xi32>], vector<16xi32>,
    %ge3A_1732 = arith.constant 4 : i32
    %ge3A_1733 = vector.broadcast %ge3A_1732 : i32 to vector<16xi32>
    %ge3A_1734 = arith.cmpi sge, %iota3A, %ge3A_1733 : vector<16xi32>
    %eq3A_1735 = arith.cmpi eq, %gather3A_1731, %get3A_1680 : vector<16xi32>
    %and3A_1736 = arith.andi %ge3A_1734, %eq3A_1735 : vector<16xi1>
    %convert_element_type3A_1737 = arith.extui %and3A_1736 : vector<16xi1> to vector<16xi32>
    %add3A_1738 = arith.addi %add3A_1724, %convert_element_type3A_1737 : vector<16xi32>
    %sub3A_1739 = arith.constant 5 : i32
    %sub3A_1740 = vector.broadcast %sub3A_1739 : i32 to vector<16xi32>
    %sub3A_1741 = arith.subi %iota3A, %sub3A_1740 : vector<16xi32>
    %and3A_1742 = arith.constant 15 : i32
    %and3A_1743 = vector.broadcast %and3A_1742 : i32 to vector<16xi32>
    %and3A_1744 = arith.andi %sub3A_1741, %and3A_1743 : vector<16xi32>
    %gather3A_1745 = tpu.vector_load_idx %arg12[%and3A_1744] : memref<16xi32, #tpu.memory_space<vmem>>[vector<16xi32>], vector<16xi32>,
    %ge3A_1746 = arith.constant 5 : i32
    %ge3A_1747 = vector.broadcast %ge3A_1746 : i32 to vector<16xi32>
    %ge3A_1748 = arith.cmpi sge, %iota3A, %ge3A_1747 : vector<16xi32>
    %eq3A_1749 = arith.cmpi eq, %gather3A_1745, %get3A_1680 : vector<16xi32>
    %and3A_1750 = arith.andi %ge3A_1748, %eq3A_1749 : vector<16xi1>
    %convert_element_type3A_1751 = arith.extui %and3A_1750 : vector<16xi1> to vector<16xi32>
    %add3A_1752 = arith.addi %add3A_1738, %convert_element_type3A_1751 : vector<16xi32>
    %sub3A_1753 = arith.constant 6 : i32
    %sub3A_1754 = vector.broadcast %sub3A_1753 : i32 to vector<16xi32>
    %sub3A_1755 = arith.subi %iota3A, %sub3A_1754 : vector<16xi32>
    %and3A_1756 = arith.constant 15 : i32
    %and3A_1757 = vector.broadcast %and3A_1756 : i32 to vector<16xi32>
    %and3A_1758 = arith.andi %sub3A_1755, %and3A_1757 : vector<16xi32>
    %gather3A_1759 = tpu.vector_load_idx %arg12[%and3A_1758] : memref<16xi32, #tpu.memory_space<vmem>>[vector<16xi32>], vector<16xi32>,
    %ge3A_1760 = arith.constant 6 : i32
    %ge3A_1761 = vector.broadcast %ge3A_1760 : i32 to vector<16xi32>
    %ge3A_1762 = arith.cmpi sge, %iota3A, %ge3A_1761 : vector<16xi32>
    %eq3A_1763 = arith.cmpi eq, %gather3A_1759, %get3A_1680 : vector<16xi32>
    %and3A_1764 = arith.andi %ge3A_1762, %eq3A_1763 : vector<16xi1>
    %convert_element_type3A_1765 = arith.extui %and3A_1764 : vector<16xi1> to vector<16xi32>
    %add3A_1766 = arith.addi %add3A_1752, %convert_element_type3A_1765 : vector<16xi32>
    %sub3A_1767 = arith.constant 7 : i32
    %sub3A_1768 = vector.broadcast %sub3A_1767 : i32 to vector<16xi32>
    %sub3A_1769 = arith.subi %iota3A, %sub3A_1768 : vector<16xi32>
    %and3A_1770 = arith.constant 15 : i32
    %and3A_1771 = vector.broadcast %and3A_1770 : i32 to vector<16xi32>
    %and3A_1772 = arith.andi %sub3A_1769, %and3A_1771 : vector<16xi32>
    %gather3A_1773 = tpu.vector_load_idx %arg12[%and3A_1772] : memref<16xi32, #tpu.memory_space<vmem>>[vector<16xi32>], vector<16xi32>,
    %ge3A_1774 = arith.constant 7 : i32
    %ge3A_1775 = vector.broadcast %ge3A_1774 : i32 to vector<16xi32>
    %ge3A_1776 = arith.cmpi sge, %iota3A, %ge3A_1775 : vector<16xi32>
    %eq3A_1777 = arith.cmpi eq, %gather3A_1773, %get3A_1680 : vector<16xi32>
    %and3A_1778 = arith.andi %ge3A_1776, %eq3A_1777 : vector<16xi1>
    %convert_element_type3A_1779 = arith.extui %and3A_1778 : vector<16xi1> to vector<16xi32>
    %add3A_1780 = arith.addi %add3A_1766, %convert_element_type3A_1779 : vector<16xi32>
    %sub3A_1781 = arith.constant 8 : i32
    %sub3A_1782 = vector.broadcast %sub3A_1781 : i32 to vector<16xi32>
    %sub3A_1783 = arith.subi %iota3A, %sub3A_1782 : vector<16xi32>
    %and3A_1784 = arith.constant 15 : i32
    %and3A_1785 = vector.broadcast %and3A_1784 : i32 to vector<16xi32>
    %and3A_1786 = arith.andi %sub3A_1783, %and3A_1785 : vector<16xi32>
    %gather3A_1787 = tpu.vector_load_idx %arg12[%and3A_1786] : memref<16xi32, #tpu.memory_space<vmem>>[vector<16xi32>], vector<16xi32>,
    %ge3A_1788 = arith.constant 8 : i32
    %ge3A_1789 = vector.broadcast %ge3A_1788 : i32 to vector<16xi32>
    %ge3A_1790 = arith.cmpi sge, %iota3A, %ge3A_1789 : vector<16xi32>
    %eq3A_1791 = arith.cmpi eq, %gather3A_1787, %get3A_1680 : vector<16xi32>
    %and3A_1792 = arith.andi %ge3A_1790, %eq3A_1791 : vector<16xi1>
    %convert_element_type3A_1793 = arith.extui %and3A_1792 : vector<16xi1> to vector<16xi32>
    %add3A_1794 = arith.addi %add3A_1780, %convert_element_type3A_1793 : vector<16xi32>
    %sub3A_1795 = arith.constant 9 : i32
    %sub3A_1796 = vector.broadcast %sub3A_1795 : i32 to vector<16xi32>
    %sub3A_1797 = arith.subi %iota3A, %sub3A_1796 : vector<16xi32>
    %and3A_1798 = arith.constant 15 : i32
    %and3A_1799 = vector.broadcast %and3A_1798 : i32 to vector<16xi32>
    %and3A_1800 = arith.andi %sub3A_1797, %and3A_1799 : vector<16xi32>
    %gather3A_1801 = tpu.vector_load_idx %arg12[%and3A_1800] : memref<16xi32, #tpu.memory_space<vmem>>[vector<16xi32>], vector<16xi32>,
    %ge3A_1802 = arith.constant 9 : i32
    %ge3A_1803 = vector.broadcast %ge3A_1802 : i32 to vector<16xi32>
    %ge3A_1804 = arith.cmpi sge, %iota3A, %ge3A_1803 : vector<16xi32>
    %eq3A_1805 = arith.cmpi eq, %gather3A_1801, %get3A_1680 : vector<16xi32>
    %and3A_1806 = arith.andi %ge3A_1804, %eq3A_1805 : vector<16xi1>
    %convert_element_type3A_1807 = arith.extui %and3A_1806 : vector<16xi1> to vector<16xi32>
    %add3A_1808 = arith.addi %add3A_1794, %convert_element_type3A_1807 : vector<16xi32>
    %sub3A_1809 = arith.constant 10 : i32
    %sub3A_1810 = vector.broadcast %sub3A_1809 : i32 to vector<16xi32>
    %sub3A_1811 = arith.subi %iota3A, %sub3A_1810 : vector<16xi32>
    %and3A_1812 = arith.constant 15 : i32
    %and3A_1813 = vector.broadcast %and3A_1812 : i32 to vector<16xi32>
    %and3A_1814 = arith.andi %sub3A_1811, %and3A_1813 : vector<16xi32>
    %gather3A_1815 = tpu.vector_load_idx %arg12[%and3A_1814] : memref<16xi32, #tpu.memory_space<vmem>>[vector<16xi32>], vector<16xi32>,
    %ge3A_1816 = arith.constant 10 : i32
    %ge3A_1817 = vector.broadcast %ge3A_1816 : i32 to vector<16xi32>
    %ge3A_1818 = arith.cmpi sge, %iota3A, %ge3A_1817 : vector<16xi32>
    %eq3A_1819 = arith.cmpi eq, %gather3A_1815, %get3A_1680 : vector<16xi32>
    %and3A_1820 = arith.andi %ge3A_1818, %eq3A_1819 : vector<16xi1>
    %convert_element_type3A_1821 = arith.extui %and3A_1820 : vector<16xi1> to vector<16xi32>
    %add3A_1822 = arith.addi %add3A_1808, %convert_element_type3A_1821 : vector<16xi32>
    %sub3A_1823 = arith.constant 11 : i32
    %sub3A_1824 = vector.broadcast %sub3A_1823 : i32 to vector<16xi32>
    %sub3A_1825 = arith.subi %iota3A, %sub3A_1824 : vector<16xi32>
    %and3A_1826 = arith.constant 15 : i32
    %and3A_1827 = vector.broadcast %and3A_1826 : i32 to vector<16xi32>
    %and3A_1828 = arith.andi %sub3A_1825, %and3A_1827 : vector<16xi32>
    %gather3A_1829 = tpu.vector_load_idx %arg12[%and3A_1828] : memref<16xi32, #tpu.memory_space<vmem>>[vector<16xi32>], vector<16xi32>,
    %ge3A_1830 = arith.constant 11 : i32
    %ge3A_1831 = vector.broadcast %ge3A_1830 : i32 to vector<16xi32>
    %ge3A_1832 = arith.cmpi sge, %iota3A, %ge3A_1831 : vector<16xi32>
    %eq3A_1833 = arith.cmpi eq, %gather3A_1829, %get3A_1680 : vector<16xi32>
    %and3A_1834 = arith.andi %ge3A_1832, %eq3A_1833 : vector<16xi1>
    %convert_element_type3A_1835 = arith.extui %and3A_1834 : vector<16xi1> to vector<16xi32>
    %add3A_1836 = arith.addi %add3A_1822, %convert_element_type3A_1835 : vector<16xi32>
    %sub3A_1837 = arith.constant 12 : i32
    %sub3A_1838 = vector.broadcast %sub3A_1837 : i32 to vector<16xi32>
    %sub3A_1839 = arith.subi %iota3A, %sub3A_1838 : vector<16xi32>
    %and3A_1840 = arith.constant 15 : i32
    %and3A_1841 = vector.broadcast %and3A_1840 : i32 to vector<16xi32>
    %and3A_1842 = arith.andi %sub3A_1839, %and3A_1841 : vector<16xi32>
    %gather3A_1843 = tpu.vector_load_idx %arg12[%and3A_1842] : memref<16xi32, #tpu.memory_space<vmem>>[vector<16xi32>], vector<16xi32>,
    %ge3A_1844 = arith.constant 12 : i32
    %ge3A_1845 = vector.broadcast %ge3A_1844 : i32 to vector<16xi32>
    %ge3A_1846 = arith.cmpi sge, %iota3A, %ge3A_1845 : vector<16xi32>
    %eq3A_1847 = arith.cmpi eq, %gather3A_1843, %get3A_1680 : vector<16xi32>
    %and3A_1848 = arith.andi %ge3A_1846, %eq3A_1847 : vector<16xi1>
    %convert_element_type3A_1849 = arith.extui %and3A_1848 : vector<16xi1> to vector<16xi32>
    %add3A_1850 = arith.addi %add3A_1836, %convert_element_type3A_1849 : vector<16xi32>
    %sub3A_1851 = arith.constant 13 : i32
    %sub3A_1852 = vector.broadcast %sub3A_1851 : i32 to vector<16xi32>
    %sub3A_1853 = arith.subi %iota3A, %sub3A_1852 : vector<16xi32>
    %and3A_1854 = arith.constant 15 : i32
    %and3A_1855 = vector.broadcast %and3A_1854 : i32 to vector<16xi32>
    %and3A_1856 = arith.andi %sub3A_1853, %and3A_1855 : vector<16xi32>
    %gather3A_1857 = tpu.vector_load_idx %arg12[%and3A_1856] : memref<16xi32, #tpu.memory_space<vmem>>[vector<16xi32>], vector<16xi32>,
    %ge3A_1858 = arith.constant 13 : i32
    %ge3A_1859 = vector.broadcast %ge3A_1858 : i32 to vector<16xi32>
    %ge3A_1860 = arith.cmpi sge, %iota3A, %ge3A_1859 : vector<16xi32>
    %eq3A_1861 = arith.cmpi eq, %gather3A_1857, %get3A_1680 : vector<16xi32>
    %and3A_1862 = arith.andi %ge3A_1860, %eq3A_1861 : vector<16xi1>
    %convert_element_type3A_1863 = arith.extui %and3A_1862 : vector<16xi1> to vector<16xi32>
    %add3A_1864 = arith.addi %add3A_1850, %convert_element_type3A_1863 : vector<16xi32>
    %sub3A_1865 = arith.constant 14 : i32
    %sub3A_1866 = vector.broadcast %sub3A_1865 : i32 to vector<16xi32>
    %sub3A_1867 = arith.subi %iota3A, %sub3A_1866 : vector<16xi32>
    %and3A_1868 = arith.constant 15 : i32
    %and3A_1869 = vector.broadcast %and3A_1868 : i32 to vector<16xi32>
    %and3A_1870 = arith.andi %sub3A_1867, %and3A_1869 : vector<16xi32>
    %gather3A_1871 = tpu.vector_load_idx %arg12[%and3A_1870] : memref<16xi32, #tpu.memory_space<vmem>>[vector<16xi32>], vector<16xi32>,
    %ge3A_1872 = arith.constant 14 : i32
    %ge3A_1873 = vector.broadcast %ge3A_1872 : i32 to vector<16xi32>
    %ge3A_1874 = arith.cmpi sge, %iota3A, %ge3A_1873 : vector<16xi32>
    %eq3A_1875 = arith.cmpi eq, %gather3A_1871, %get3A_1680 : vector<16xi32>
    %and3A_1876 = arith.andi %ge3A_1874, %eq3A_1875 : vector<16xi1>
    %convert_element_type3A_1877 = arith.extui %and3A_1876 : vector<16xi1> to vector<16xi32>
    %add3A_1878 = arith.addi %add3A_1864, %convert_element_type3A_1877 : vector<16xi32>
    %sub3A_1879 = arith.constant 15 : i32
    %sub3A_1880 = vector.broadcast %sub3A_1879 : i32 to vector<16xi32>
    %sub3A_1881 = arith.subi %iota3A, %sub3A_1880 : vector<16xi32>
    %and3A_1882 = arith.constant 15 : i32
    %and3A_1883 = vector.broadcast %and3A_1882 : i32 to vector<16xi32>
    %and3A_1884 = arith.andi %sub3A_1881, %and3A_1883 : vector<16xi32>
    %gather3A_1885 = tpu.vector_load_idx %arg12[%and3A_1884] : memref<16xi32, #tpu.memory_space<vmem>>[vector<16xi32>], vector<16xi32>,
    %ge3A_1886 = arith.constant 15 : i32
    %ge3A_1887 = vector.broadcast %ge3A_1886 : i32 to vector<16xi32>
    %ge3A_1888 = arith.cmpi sge, %iota3A, %ge3A_1887 : vector<16xi32>
    %eq3A_1889 = arith.cmpi eq, %gather3A_1885, %get3A_1680 : vector<16xi32>
    %and3A_1890 = arith.andi %ge3A_1888, %eq3A_1889 : vector<16xi1>
    %convert_element_type3A_1891 = arith.extui %and3A_1890 : vector<16xi1> to vector<16xi32>
    %add3A_1892 = arith.addi %add3A_1878, %convert_element_type3A_1891 : vector<16xi32>
    %gather3A_1893 = tpu.vector_load_idx %arg9[%get3A_1680] : memref<64xi32, #tpu.memory_space<vmem>>[vector<16xi32>], vector<16xi32>,
    %add3A_1894 = arith.addi %gather3A_1893, %add3A_1892 : vector<16xi32>
    %swap3A_1895 = arith.constant 16 : index
    %swap3A_1896 = tpu.vector_load %arg10[%swap3A_1895] {strides = array<i32>} : memref<64xi32, #tpu.memory_space<vmem>>, vector<16xi32>,
    tpu.vector_store %arg10[%swap3A_1895], %add3A_1894 {strides = array<i32>} : memref<64xi32, #tpu.memory_space<vmem>>, vector<16xi32>,
    tpu.vector_store_idx %arg9[%get3A_1680], %broadcast_in_dim3A_5 {add = true} : memref<64xi32, #tpu.memory_space<vmem>>[vector<16xi32>], vector<16xi32>,
    %get3A_1897 = arith.constant 32 : index
    %get3A_1898 = tpu.vector_load %arg7[%get3A_1897] {strides = array<i32>} : memref<64xi32, #tpu.memory_space<vmem>>, vector<16xi32>,
    %swap3A_1899 = arith.constant 0 : index
    %swap3A_1900 = tpu.vector_load %arg12[%swap3A_1899] {strides = array<i32>} : memref<16xi32, #tpu.memory_space<vmem>>, vector<16xi32>,
    tpu.vector_store %arg12[%swap3A_1899], %get3A_1898 {strides = array<i32>} : memref<16xi32, #tpu.memory_space<vmem>>, vector<16xi32>,
    %sub3A_1901 = arith.constant 1 : i32
    %sub3A_1902 = vector.broadcast %sub3A_1901 : i32 to vector<16xi32>
    %sub3A_1903 = arith.subi %iota3A, %sub3A_1902 : vector<16xi32>
    %and3A_1904 = arith.constant 15 : i32
    %and3A_1905 = vector.broadcast %and3A_1904 : i32 to vector<16xi32>
    %and3A_1906 = arith.andi %sub3A_1903, %and3A_1905 : vector<16xi32>
    %gather3A_1907 = tpu.vector_load_idx %arg12[%and3A_1906] : memref<16xi32, #tpu.memory_space<vmem>>[vector<16xi32>], vector<16xi32>,
    %ge3A_1908 = arith.constant 1 : i32
    %ge3A_1909 = vector.broadcast %ge3A_1908 : i32 to vector<16xi32>
    %ge3A_1910 = arith.cmpi sge, %iota3A, %ge3A_1909 : vector<16xi32>
    %eq3A_1911 = arith.cmpi eq, %gather3A_1907, %get3A_1898 : vector<16xi32>
    %and3A_1912 = arith.andi %ge3A_1910, %eq3A_1911 : vector<16xi1>
    %convert_element_type3A_1913 = arith.extui %and3A_1912 : vector<16xi1> to vector<16xi32>
    %add3A_1914 = arith.addi %broadcast_in_dim3A_3, %convert_element_type3A_1913 : vector<16xi32>
    %sub3A_1915 = arith.constant 2 : i32
    %sub3A_1916 = vector.broadcast %sub3A_1915 : i32 to vector<16xi32>
    %sub3A_1917 = arith.subi %iota3A, %sub3A_1916 : vector<16xi32>
    %and3A_1918 = arith.constant 15 : i32
    %and3A_1919 = vector.broadcast %and3A_1918 : i32 to vector<16xi32>
    %and3A_1920 = arith.andi %sub3A_1917, %and3A_1919 : vector<16xi32>
    %gather3A_1921 = tpu.vector_load_idx %arg12[%and3A_1920] : memref<16xi32, #tpu.memory_space<vmem>>[vector<16xi32>], vector<16xi32>,
    %ge3A_1922 = arith.constant 2 : i32
    %ge3A_1923 = vector.broadcast %ge3A_1922 : i32 to vector<16xi32>
    %ge3A_1924 = arith.cmpi sge, %iota3A, %ge3A_1923 : vector<16xi32>
    %eq3A_1925 = arith.cmpi eq, %gather3A_1921, %get3A_1898 : vector<16xi32>
    %and3A_1926 = arith.andi %ge3A_1924, %eq3A_1925 : vector<16xi1>
    %convert_element_type3A_1927 = arith.extui %and3A_1926 : vector<16xi1> to vector<16xi32>
    %add3A_1928 = arith.addi %add3A_1914, %convert_element_type3A_1927 : vector<16xi32>
    %sub3A_1929 = arith.constant 3 : i32
    %sub3A_1930 = vector.broadcast %sub3A_1929 : i32 to vector<16xi32>
    %sub3A_1931 = arith.subi %iota3A, %sub3A_1930 : vector<16xi32>
    %and3A_1932 = arith.constant 15 : i32
    %and3A_1933 = vector.broadcast %and3A_1932 : i32 to vector<16xi32>
    %and3A_1934 = arith.andi %sub3A_1931, %and3A_1933 : vector<16xi32>
    %gather3A_1935 = tpu.vector_load_idx %arg12[%and3A_1934] : memref<16xi32, #tpu.memory_space<vmem>>[vector<16xi32>], vector<16xi32>,
    %ge3A_1936 = arith.constant 3 : i32
    %ge3A_1937 = vector.broadcast %ge3A_1936 : i32 to vector<16xi32>
    %ge3A_1938 = arith.cmpi sge, %iota3A, %ge3A_1937 : vector<16xi32>
    %eq3A_1939 = arith.cmpi eq, %gather3A_1935, %get3A_1898 : vector<16xi32>
    %and3A_1940 = arith.andi %ge3A_1938, %eq3A_1939 : vector<16xi1>
    %convert_element_type3A_1941 = arith.extui %and3A_1940 : vector<16xi1> to vector<16xi32>
    %add3A_1942 = arith.addi %add3A_1928, %convert_element_type3A_1941 : vector<16xi32>
    %sub3A_1943 = arith.constant 4 : i32
    %sub3A_1944 = vector.broadcast %sub3A_1943 : i32 to vector<16xi32>
    %sub3A_1945 = arith.subi %iota3A, %sub3A_1944 : vector<16xi32>
    %and3A_1946 = arith.constant 15 : i32
    %and3A_1947 = vector.broadcast %and3A_1946 : i32 to vector<16xi32>
    %and3A_1948 = arith.andi %sub3A_1945, %and3A_1947 : vector<16xi32>
    %gather3A_1949 = tpu.vector_load_idx %arg12[%and3A_1948] : memref<16xi32, #tpu.memory_space<vmem>>[vector<16xi32>], vector<16xi32>,
    %ge3A_1950 = arith.constant 4 : i32
    %ge3A_1951 = vector.broadcast %ge3A_1950 : i32 to vector<16xi32>
    %ge3A_1952 = arith.cmpi sge, %iota3A, %ge3A_1951 : vector<16xi32>
    %eq3A_1953 = arith.cmpi eq, %gather3A_1949, %get3A_1898 : vector<16xi32>
    %and3A_1954 = arith.andi %ge3A_1952, %eq3A_1953 : vector<16xi1>
    %convert_element_type3A_1955 = arith.extui %and3A_1954 : vector<16xi1> to vector<16xi32>
    %add3A_1956 = arith.addi %add3A_1942, %convert_element_type3A_1955 : vector<16xi32>
    %sub3A_1957 = arith.constant 5 : i32
    %sub3A_1958 = vector.broadcast %sub3A_1957 : i32 to vector<16xi32>
    %sub3A_1959 = arith.subi %iota3A, %sub3A_1958 : vector<16xi32>
    %and3A_1960 = arith.constant 15 : i32
    %and3A_1961 = vector.broadcast %and3A_1960 : i32 to vector<16xi32>
    %and3A_1962 = arith.andi %sub3A_1959, %and3A_1961 : vector<16xi32>
    %gather3A_1963 = tpu.vector_load_idx %arg12[%and3A_1962] : memref<16xi32, #tpu.memory_space<vmem>>[vector<16xi32>], vector<16xi32>,
    %ge3A_1964 = arith.constant 5 : i32
    %ge3A_1965 = vector.broadcast %ge3A_1964 : i32 to vector<16xi32>
    %ge3A_1966 = arith.cmpi sge, %iota3A, %ge3A_1965 : vector<16xi32>
    %eq3A_1967 = arith.cmpi eq, %gather3A_1963, %get3A_1898 : vector<16xi32>
    %and3A_1968 = arith.andi %ge3A_1966, %eq3A_1967 : vector<16xi1>
    %convert_element_type3A_1969 = arith.extui %and3A_1968 : vector<16xi1> to vector<16xi32>
    %add3A_1970 = arith.addi %add3A_1956, %convert_element_type3A_1969 : vector<16xi32>
    %sub3A_1971 = arith.constant 6 : i32
    %sub3A_1972 = vector.broadcast %sub3A_1971 : i32 to vector<16xi32>
    %sub3A_1973 = arith.subi %iota3A, %sub3A_1972 : vector<16xi32>
    %and3A_1974 = arith.constant 15 : i32
    %and3A_1975 = vector.broadcast %and3A_1974 : i32 to vector<16xi32>
    %and3A_1976 = arith.andi %sub3A_1973, %and3A_1975 : vector<16xi32>
    %gather3A_1977 = tpu.vector_load_idx %arg12[%and3A_1976] : memref<16xi32, #tpu.memory_space<vmem>>[vector<16xi32>], vector<16xi32>,
    %ge3A_1978 = arith.constant 6 : i32
    %ge3A_1979 = vector.broadcast %ge3A_1978 : i32 to vector<16xi32>
    %ge3A_1980 = arith.cmpi sge, %iota3A, %ge3A_1979 : vector<16xi32>
    %eq3A_1981 = arith.cmpi eq, %gather3A_1977, %get3A_1898 : vector<16xi32>
    %and3A_1982 = arith.andi %ge3A_1980, %eq3A_1981 : vector<16xi1>
    %convert_element_type3A_1983 = arith.extui %and3A_1982 : vector<16xi1> to vector<16xi32>
    %add3A_1984 = arith.addi %add3A_1970, %convert_element_type3A_1983 : vector<16xi32>
    %sub3A_1985 = arith.constant 7 : i32
    %sub3A_1986 = vector.broadcast %sub3A_1985 : i32 to vector<16xi32>
    %sub3A_1987 = arith.subi %iota3A, %sub3A_1986 : vector<16xi32>
    %and3A_1988 = arith.constant 15 : i32
    %and3A_1989 = vector.broadcast %and3A_1988 : i32 to vector<16xi32>
    %and3A_1990 = arith.andi %sub3A_1987, %and3A_1989 : vector<16xi32>
    %gather3A_1991 = tpu.vector_load_idx %arg12[%and3A_1990] : memref<16xi32, #tpu.memory_space<vmem>>[vector<16xi32>], vector<16xi32>,
    %ge3A_1992 = arith.constant 7 : i32
    %ge3A_1993 = vector.broadcast %ge3A_1992 : i32 to vector<16xi32>
    %ge3A_1994 = arith.cmpi sge, %iota3A, %ge3A_1993 : vector<16xi32>
    %eq3A_1995 = arith.cmpi eq, %gather3A_1991, %get3A_1898 : vector<16xi32>
    %and3A_1996 = arith.andi %ge3A_1994, %eq3A_1995 : vector<16xi1>
    %convert_element_type3A_1997 = arith.extui %and3A_1996 : vector<16xi1> to vector<16xi32>
    %add3A_1998 = arith.addi %add3A_1984, %convert_element_type3A_1997 : vector<16xi32>
    %sub3A_1999 = arith.constant 8 : i32
    %sub3A_2000 = vector.broadcast %sub3A_1999 : i32 to vector<16xi32>
    %sub3A_2001 = arith.subi %iota3A, %sub3A_2000 : vector<16xi32>
    %and3A_2002 = arith.constant 15 : i32
    %and3A_2003 = vector.broadcast %and3A_2002 : i32 to vector<16xi32>
    %and3A_2004 = arith.andi %sub3A_2001, %and3A_2003 : vector<16xi32>
    %gather3A_2005 = tpu.vector_load_idx %arg12[%and3A_2004] : memref<16xi32, #tpu.memory_space<vmem>>[vector<16xi32>], vector<16xi32>,
    %ge3A_2006 = arith.constant 8 : i32
    %ge3A_2007 = vector.broadcast %ge3A_2006 : i32 to vector<16xi32>
    %ge3A_2008 = arith.cmpi sge, %iota3A, %ge3A_2007 : vector<16xi32>
    %eq3A_2009 = arith.cmpi eq, %gather3A_2005, %get3A_1898 : vector<16xi32>
    %and3A_2010 = arith.andi %ge3A_2008, %eq3A_2009 : vector<16xi1>
    %convert_element_type3A_2011 = arith.extui %and3A_2010 : vector<16xi1> to vector<16xi32>
    %add3A_2012 = arith.addi %add3A_1998, %convert_element_type3A_2011 : vector<16xi32>
    %sub3A_2013 = arith.constant 9 : i32
    %sub3A_2014 = vector.broadcast %sub3A_2013 : i32 to vector<16xi32>
    %sub3A_2015 = arith.subi %iota3A, %sub3A_2014 : vector<16xi32>
    %and3A_2016 = arith.constant 15 : i32
    %and3A_2017 = vector.broadcast %and3A_2016 : i32 to vector<16xi32>
    %and3A_2018 = arith.andi %sub3A_2015, %and3A_2017 : vector<16xi32>
    %gather3A_2019 = tpu.vector_load_idx %arg12[%and3A_2018] : memref<16xi32, #tpu.memory_space<vmem>>[vector<16xi32>], vector<16xi32>,
    %ge3A_2020 = arith.constant 9 : i32
    %ge3A_2021 = vector.broadcast %ge3A_2020 : i32 to vector<16xi32>
    %ge3A_2022 = arith.cmpi sge, %iota3A, %ge3A_2021 : vector<16xi32>
    %eq3A_2023 = arith.cmpi eq, %gather3A_2019, %get3A_1898 : vector<16xi32>
    %and3A_2024 = arith.andi %ge3A_2022, %eq3A_2023 : vector<16xi1>
    %convert_element_type3A_2025 = arith.extui %and3A_2024 : vector<16xi1> to vector<16xi32>
    %add3A_2026 = arith.addi %add3A_2012, %convert_element_type3A_2025 : vector<16xi32>
    %sub3A_2027 = arith.constant 10 : i32
    %sub3A_2028 = vector.broadcast %sub3A_2027 : i32 to vector<16xi32>
    %sub3A_2029 = arith.subi %iota3A, %sub3A_2028 : vector<16xi32>
    %and3A_2030 = arith.constant 15 : i32
    %and3A_2031 = vector.broadcast %and3A_2030 : i32 to vector<16xi32>
    %and3A_2032 = arith.andi %sub3A_2029, %and3A_2031 : vector<16xi32>
    %gather3A_2033 = tpu.vector_load_idx %arg12[%and3A_2032] : memref<16xi32, #tpu.memory_space<vmem>>[vector<16xi32>], vector<16xi32>,
    %ge3A_2034 = arith.constant 10 : i32
    %ge3A_2035 = vector.broadcast %ge3A_2034 : i32 to vector<16xi32>
    %ge3A_2036 = arith.cmpi sge, %iota3A, %ge3A_2035 : vector<16xi32>
    %eq3A_2037 = arith.cmpi eq, %gather3A_2033, %get3A_1898 : vector<16xi32>
    %and3A_2038 = arith.andi %ge3A_2036, %eq3A_2037 : vector<16xi1>
    %convert_element_type3A_2039 = arith.extui %and3A_2038 : vector<16xi1> to vector<16xi32>
    %add3A_2040 = arith.addi %add3A_2026, %convert_element_type3A_2039 : vector<16xi32>
    %sub3A_2041 = arith.constant 11 : i32
    %sub3A_2042 = vector.broadcast %sub3A_2041 : i32 to vector<16xi32>
    %sub3A_2043 = arith.subi %iota3A, %sub3A_2042 : vector<16xi32>
    %and3A_2044 = arith.constant 15 : i32
    %and3A_2045 = vector.broadcast %and3A_2044 : i32 to vector<16xi32>
    %and3A_2046 = arith.andi %sub3A_2043, %and3A_2045 : vector<16xi32>
    %gather3A_2047 = tpu.vector_load_idx %arg12[%and3A_2046] : memref<16xi32, #tpu.memory_space<vmem>>[vector<16xi32>], vector<16xi32>,
    %ge3A_2048 = arith.constant 11 : i32
    %ge3A_2049 = vector.broadcast %ge3A_2048 : i32 to vector<16xi32>
    %ge3A_2050 = arith.cmpi sge, %iota3A, %ge3A_2049 : vector<16xi32>
    %eq3A_2051 = arith.cmpi eq, %gather3A_2047, %get3A_1898 : vector<16xi32>
    %and3A_2052 = arith.andi %ge3A_2050, %eq3A_2051 : vector<16xi1>
    %convert_element_type3A_2053 = arith.extui %and3A_2052 : vector<16xi1> to vector<16xi32>
    %add3A_2054 = arith.addi %add3A_2040, %convert_element_type3A_2053 : vector<16xi32>
    %sub3A_2055 = arith.constant 12 : i32
    %sub3A_2056 = vector.broadcast %sub3A_2055 : i32 to vector<16xi32>
    %sub3A_2057 = arith.subi %iota3A, %sub3A_2056 : vector<16xi32>
    %and3A_2058 = arith.constant 15 : i32
    %and3A_2059 = vector.broadcast %and3A_2058 : i32 to vector<16xi32>
    %and3A_2060 = arith.andi %sub3A_2057, %and3A_2059 : vector<16xi32>
    %gather3A_2061 = tpu.vector_load_idx %arg12[%and3A_2060] : memref<16xi32, #tpu.memory_space<vmem>>[vector<16xi32>], vector<16xi32>,
    %ge3A_2062 = arith.constant 12 : i32
    %ge3A_2063 = vector.broadcast %ge3A_2062 : i32 to vector<16xi32>
    %ge3A_2064 = arith.cmpi sge, %iota3A, %ge3A_2063 : vector<16xi32>
    %eq3A_2065 = arith.cmpi eq, %gather3A_2061, %get3A_1898 : vector<16xi32>
    %and3A_2066 = arith.andi %ge3A_2064, %eq3A_2065 : vector<16xi1>
    %convert_element_type3A_2067 = arith.extui %and3A_2066 : vector<16xi1> to vector<16xi32>
    %add3A_2068 = arith.addi %add3A_2054, %convert_element_type3A_2067 : vector<16xi32>
    %sub3A_2069 = arith.constant 13 : i32
    %sub3A_2070 = vector.broadcast %sub3A_2069 : i32 to vector<16xi32>
    %sub3A_2071 = arith.subi %iota3A, %sub3A_2070 : vector<16xi32>
    %and3A_2072 = arith.constant 15 : i32
    %and3A_2073 = vector.broadcast %and3A_2072 : i32 to vector<16xi32>
    %and3A_2074 = arith.andi %sub3A_2071, %and3A_2073 : vector<16xi32>
    %gather3A_2075 = tpu.vector_load_idx %arg12[%and3A_2074] : memref<16xi32, #tpu.memory_space<vmem>>[vector<16xi32>], vector<16xi32>,
    %ge3A_2076 = arith.constant 13 : i32
    %ge3A_2077 = vector.broadcast %ge3A_2076 : i32 to vector<16xi32>
    %ge3A_2078 = arith.cmpi sge, %iota3A, %ge3A_2077 : vector<16xi32>
    %eq3A_2079 = arith.cmpi eq, %gather3A_2075, %get3A_1898 : vector<16xi32>
    %and3A_2080 = arith.andi %ge3A_2078, %eq3A_2079 : vector<16xi1>
    %convert_element_type3A_2081 = arith.extui %and3A_2080 : vector<16xi1> to vector<16xi32>
    %add3A_2082 = arith.addi %add3A_2068, %convert_element_type3A_2081 : vector<16xi32>
    %sub3A_2083 = arith.constant 14 : i32
    %sub3A_2084 = vector.broadcast %sub3A_2083 : i32 to vector<16xi32>
    %sub3A_2085 = arith.subi %iota3A, %sub3A_2084 : vector<16xi32>
    %and3A_2086 = arith.constant 15 : i32
    %and3A_2087 = vector.broadcast %and3A_2086 : i32 to vector<16xi32>
    %and3A_2088 = arith.andi %sub3A_2085, %and3A_2087 : vector<16xi32>
    %gather3A_2089 = tpu.vector_load_idx %arg12[%and3A_2088] : memref<16xi32, #tpu.memory_space<vmem>>[vector<16xi32>], vector<16xi32>,
    %ge3A_2090 = arith.constant 14 : i32
    %ge3A_2091 = vector.broadcast %ge3A_2090 : i32 to vector<16xi32>
    %ge3A_2092 = arith.cmpi sge, %iota3A, %ge3A_2091 : vector<16xi32>
    %eq3A_2093 = arith.cmpi eq, %gather3A_2089, %get3A_1898 : vector<16xi32>
    %and3A_2094 = arith.andi %ge3A_2092, %eq3A_2093 : vector<16xi1>
    %convert_element_type3A_2095 = arith.extui %and3A_2094 : vector<16xi1> to vector<16xi32>
    %add3A_2096 = arith.addi %add3A_2082, %convert_element_type3A_2095 : vector<16xi32>
    %sub3A_2097 = arith.constant 15 : i32
    %sub3A_2098 = vector.broadcast %sub3A_2097 : i32 to vector<16xi32>
    %sub3A_2099 = arith.subi %iota3A, %sub3A_2098 : vector<16xi32>
    %and3A_2100 = arith.constant 15 : i32
    %and3A_2101 = vector.broadcast %and3A_2100 : i32 to vector<16xi32>
    %and3A_2102 = arith.andi %sub3A_2099, %and3A_2101 : vector<16xi32>
    %gather3A_2103 = tpu.vector_load_idx %arg12[%and3A_2102] : memref<16xi32, #tpu.memory_space<vmem>>[vector<16xi32>], vector<16xi32>,
    %ge3A_2104 = arith.constant 15 : i32
    %ge3A_2105 = vector.broadcast %ge3A_2104 : i32 to vector<16xi32>
    %ge3A_2106 = arith.cmpi sge, %iota3A, %ge3A_2105 : vector<16xi32>
    %eq3A_2107 = arith.cmpi eq, %gather3A_2103, %get3A_1898 : vector<16xi32>
    %and3A_2108 = arith.andi %ge3A_2106, %eq3A_2107 : vector<16xi1>
    %convert_element_type3A_2109 = arith.extui %and3A_2108 : vector<16xi1> to vector<16xi32>
    %add3A_2110 = arith.addi %add3A_2096, %convert_element_type3A_2109 : vector<16xi32>
    %gather3A_2111 = tpu.vector_load_idx %arg9[%get3A_1898] : memref<64xi32, #tpu.memory_space<vmem>>[vector<16xi32>], vector<16xi32>,
    %add3A_2112 = arith.addi %gather3A_2111, %add3A_2110 : vector<16xi32>
    %swap3A_2113 = arith.constant 32 : index
    %swap3A_2114 = tpu.vector_load %arg10[%swap3A_2113] {strides = array<i32>} : memref<64xi32, #tpu.memory_space<vmem>>, vector<16xi32>,
    tpu.vector_store %arg10[%swap3A_2113], %add3A_2112 {strides = array<i32>} : memref<64xi32, #tpu.memory_space<vmem>>, vector<16xi32>,
    tpu.vector_store_idx %arg9[%get3A_1898], %broadcast_in_dim3A_5 {add = true} : memref<64xi32, #tpu.memory_space<vmem>>[vector<16xi32>], vector<16xi32>,
    %get3A_2115 = arith.constant 48 : index
    %get3A_2116 = tpu.vector_load %arg7[%get3A_2115] {strides = array<i32>} : memref<64xi32, #tpu.memory_space<vmem>>, vector<16xi32>,
    %swap3A_2117 = arith.constant 0 : index
    %swap3A_2118 = tpu.vector_load %arg12[%swap3A_2117] {strides = array<i32>} : memref<16xi32, #tpu.memory_space<vmem>>, vector<16xi32>,
    tpu.vector_store %arg12[%swap3A_2117], %get3A_2116 {strides = array<i32>} : memref<16xi32, #tpu.memory_space<vmem>>, vector<16xi32>,
    %sub3A_2119 = arith.constant 1 : i32
    %sub3A_2120 = vector.broadcast %sub3A_2119 : i32 to vector<16xi32>
    %sub3A_2121 = arith.subi %iota3A, %sub3A_2120 : vector<16xi32>
    %and3A_2122 = arith.constant 15 : i32
    %and3A_2123 = vector.broadcast %and3A_2122 : i32 to vector<16xi32>
    %and3A_2124 = arith.andi %sub3A_2121, %and3A_2123 : vector<16xi32>
    %gather3A_2125 = tpu.vector_load_idx %arg12[%and3A_2124] : memref<16xi32, #tpu.memory_space<vmem>>[vector<16xi32>], vector<16xi32>,
    %ge3A_2126 = arith.constant 1 : i32
    %ge3A_2127 = vector.broadcast %ge3A_2126 : i32 to vector<16xi32>
    %ge3A_2128 = arith.cmpi sge, %iota3A, %ge3A_2127 : vector<16xi32>
    %eq3A_2129 = arith.cmpi eq, %gather3A_2125, %get3A_2116 : vector<16xi32>
    %and3A_2130 = arith.andi %ge3A_2128, %eq3A_2129 : vector<16xi1>
    %convert_element_type3A_2131 = arith.extui %and3A_2130 : vector<16xi1> to vector<16xi32>
    %add3A_2132 = arith.addi %broadcast_in_dim3A_3, %convert_element_type3A_2131 : vector<16xi32>
    %sub3A_2133 = arith.constant 2 : i32
    %sub3A_2134 = vector.broadcast %sub3A_2133 : i32 to vector<16xi32>
    %sub3A_2135 = arith.subi %iota3A, %sub3A_2134 : vector<16xi32>
    %and3A_2136 = arith.constant 15 : i32
    %and3A_2137 = vector.broadcast %and3A_2136 : i32 to vector<16xi32>
    %and3A_2138 = arith.andi %sub3A_2135, %and3A_2137 : vector<16xi32>
    %gather3A_2139 = tpu.vector_load_idx %arg12[%and3A_2138] : memref<16xi32, #tpu.memory_space<vmem>>[vector<16xi32>], vector<16xi32>,
    %ge3A_2140 = arith.constant 2 : i32
    %ge3A_2141 = vector.broadcast %ge3A_2140 : i32 to vector<16xi32>
    %ge3A_2142 = arith.cmpi sge, %iota3A, %ge3A_2141 : vector<16xi32>
    %eq3A_2143 = arith.cmpi eq, %gather3A_2139, %get3A_2116 : vector<16xi32>
    %and3A_2144 = arith.andi %ge3A_2142, %eq3A_2143 : vector<16xi1>
    %convert_element_type3A_2145 = arith.extui %and3A_2144 : vector<16xi1> to vector<16xi32>
    %add3A_2146 = arith.addi %add3A_2132, %convert_element_type3A_2145 : vector<16xi32>
    %sub3A_2147 = arith.constant 3 : i32
    %sub3A_2148 = vector.broadcast %sub3A_2147 : i32 to vector<16xi32>
    %sub3A_2149 = arith.subi %iota3A, %sub3A_2148 : vector<16xi32>
    %and3A_2150 = arith.constant 15 : i32
    %and3A_2151 = vector.broadcast %and3A_2150 : i32 to vector<16xi32>
    %and3A_2152 = arith.andi %sub3A_2149, %and3A_2151 : vector<16xi32>
    %gather3A_2153 = tpu.vector_load_idx %arg12[%and3A_2152] : memref<16xi32, #tpu.memory_space<vmem>>[vector<16xi32>], vector<16xi32>,
    %ge3A_2154 = arith.constant 3 : i32
    %ge3A_2155 = vector.broadcast %ge3A_2154 : i32 to vector<16xi32>
    %ge3A_2156 = arith.cmpi sge, %iota3A, %ge3A_2155 : vector<16xi32>
    %eq3A_2157 = arith.cmpi eq, %gather3A_2153, %get3A_2116 : vector<16xi32>
    %and3A_2158 = arith.andi %ge3A_2156, %eq3A_2157 : vector<16xi1>
    %convert_element_type3A_2159 = arith.extui %and3A_2158 : vector<16xi1> to vector<16xi32>
    %add3A_2160 = arith.addi %add3A_2146, %convert_element_type3A_2159 : vector<16xi32>
    %sub3A_2161 = arith.constant 4 : i32
    %sub3A_2162 = vector.broadcast %sub3A_2161 : i32 to vector<16xi32>
    %sub3A_2163 = arith.subi %iota3A, %sub3A_2162 : vector<16xi32>
    %and3A_2164 = arith.constant 15 : i32
    %and3A_2165 = vector.broadcast %and3A_2164 : i32 to vector<16xi32>
    %and3A_2166 = arith.andi %sub3A_2163, %and3A_2165 : vector<16xi32>
    %gather3A_2167 = tpu.vector_load_idx %arg12[%and3A_2166] : memref<16xi32, #tpu.memory_space<vmem>>[vector<16xi32>], vector<16xi32>,
    %ge3A_2168 = arith.constant 4 : i32
    %ge3A_2169 = vector.broadcast %ge3A_2168 : i32 to vector<16xi32>
    %ge3A_2170 = arith.cmpi sge, %iota3A, %ge3A_2169 : vector<16xi32>
    %eq3A_2171 = arith.cmpi eq, %gather3A_2167, %get3A_2116 : vector<16xi32>
    %and3A_2172 = arith.andi %ge3A_2170, %eq3A_2171 : vector<16xi1>
    %convert_element_type3A_2173 = arith.extui %and3A_2172 : vector<16xi1> to vector<16xi32>
    %add3A_2174 = arith.addi %add3A_2160, %convert_element_type3A_2173 : vector<16xi32>
    %sub3A_2175 = arith.constant 5 : i32
    %sub3A_2176 = vector.broadcast %sub3A_2175 : i32 to vector<16xi32>
    %sub3A_2177 = arith.subi %iota3A, %sub3A_2176 : vector<16xi32>
    %and3A_2178 = arith.constant 15 : i32
    %and3A_2179 = vector.broadcast %and3A_2178 : i32 to vector<16xi32>
    %and3A_2180 = arith.andi %sub3A_2177, %and3A_2179 : vector<16xi32>
    %gather3A_2181 = tpu.vector_load_idx %arg12[%and3A_2180] : memref<16xi32, #tpu.memory_space<vmem>>[vector<16xi32>], vector<16xi32>,
    %ge3A_2182 = arith.constant 5 : i32
    %ge3A_2183 = vector.broadcast %ge3A_2182 : i32 to vector<16xi32>
    %ge3A_2184 = arith.cmpi sge, %iota3A, %ge3A_2183 : vector<16xi32>
    %eq3A_2185 = arith.cmpi eq, %gather3A_2181, %get3A_2116 : vector<16xi32>
    %and3A_2186 = arith.andi %ge3A_2184, %eq3A_2185 : vector<16xi1>
    %convert_element_type3A_2187 = arith.extui %and3A_2186 : vector<16xi1> to vector<16xi32>
    %add3A_2188 = arith.addi %add3A_2174, %convert_element_type3A_2187 : vector<16xi32>
    %sub3A_2189 = arith.constant 6 : i32
    %sub3A_2190 = vector.broadcast %sub3A_2189 : i32 to vector<16xi32>
    %sub3A_2191 = arith.subi %iota3A, %sub3A_2190 : vector<16xi32>
    %and3A_2192 = arith.constant 15 : i32
    %and3A_2193 = vector.broadcast %and3A_2192 : i32 to vector<16xi32>
    %and3A_2194 = arith.andi %sub3A_2191, %and3A_2193 : vector<16xi32>
    %gather3A_2195 = tpu.vector_load_idx %arg12[%and3A_2194] : memref<16xi32, #tpu.memory_space<vmem>>[vector<16xi32>], vector<16xi32>,
    %ge3A_2196 = arith.constant 6 : i32
    %ge3A_2197 = vector.broadcast %ge3A_2196 : i32 to vector<16xi32>
    %ge3A_2198 = arith.cmpi sge, %iota3A, %ge3A_2197 : vector<16xi32>
    %eq3A_2199 = arith.cmpi eq, %gather3A_2195, %get3A_2116 : vector<16xi32>
    %and3A_2200 = arith.andi %ge3A_2198, %eq3A_2199 : vector<16xi1>
    %convert_element_type3A_2201 = arith.extui %and3A_2200 : vector<16xi1> to vector<16xi32>
    %add3A_2202 = arith.addi %add3A_2188, %convert_element_type3A_2201 : vector<16xi32>
    %sub3A_2203 = arith.constant 7 : i32
    %sub3A_2204 = vector.broadcast %sub3A_2203 : i32 to vector<16xi32>
    %sub3A_2205 = arith.subi %iota3A, %sub3A_2204 : vector<16xi32>
    %and3A_2206 = arith.constant 15 : i32
    %and3A_2207 = vector.broadcast %and3A_2206 : i32 to vector<16xi32>
    %and3A_2208 = arith.andi %sub3A_2205, %and3A_2207 : vector<16xi32>
    %gather3A_2209 = tpu.vector_load_idx %arg12[%and3A_2208] : memref<16xi32, #tpu.memory_space<vmem>>[vector<16xi32>], vector<16xi32>,
    %ge3A_2210 = arith.constant 7 : i32
    %ge3A_2211 = vector.broadcast %ge3A_2210 : i32 to vector<16xi32>
    %ge3A_2212 = arith.cmpi sge, %iota3A, %ge3A_2211 : vector<16xi32>
    %eq3A_2213 = arith.cmpi eq, %gather3A_2209, %get3A_2116 : vector<16xi32>
    %and3A_2214 = arith.andi %ge3A_2212, %eq3A_2213 : vector<16xi1>
    %convert_element_type3A_2215 = arith.extui %and3A_2214 : vector<16xi1> to vector<16xi32>
    %add3A_2216 = arith.addi %add3A_2202, %convert_element_type3A_2215 : vector<16xi32>
    %sub3A_2217 = arith.constant 8 : i32
    %sub3A_2218 = vector.broadcast %sub3A_2217 : i32 to vector<16xi32>
    %sub3A_2219 = arith.subi %iota3A, %sub3A_2218 : vector<16xi32>
    %and3A_2220 = arith.constant 15 : i32
    %and3A_2221 = vector.broadcast %and3A_2220 : i32 to vector<16xi32>
    %and3A_2222 = arith.andi %sub3A_2219, %and3A_2221 : vector<16xi32>
    %gather3A_2223 = tpu.vector_load_idx %arg12[%and3A_2222] : memref<16xi32, #tpu.memory_space<vmem>>[vector<16xi32>], vector<16xi32>,
    %ge3A_2224 = arith.constant 8 : i32
    %ge3A_2225 = vector.broadcast %ge3A_2224 : i32 to vector<16xi32>
    %ge3A_2226 = arith.cmpi sge, %iota3A, %ge3A_2225 : vector<16xi32>
    %eq3A_2227 = arith.cmpi eq, %gather3A_2223, %get3A_2116 : vector<16xi32>
    %and3A_2228 = arith.andi %ge3A_2226, %eq3A_2227 : vector<16xi1>
    %convert_element_type3A_2229 = arith.extui %and3A_2228 : vector<16xi1> to vector<16xi32>
    %add3A_2230 = arith.addi %add3A_2216, %convert_element_type3A_2229 : vector<16xi32>
    %sub3A_2231 = arith.constant 9 : i32
    %sub3A_2232 = vector.broadcast %sub3A_2231 : i32 to vector<16xi32>
    %sub3A_2233 = arith.subi %iota3A, %sub3A_2232 : vector<16xi32>
    %and3A_2234 = arith.constant 15 : i32
    %and3A_2235 = vector.broadcast %and3A_2234 : i32 to vector<16xi32>
    %and3A_2236 = arith.andi %sub3A_2233, %and3A_2235 : vector<16xi32>
    %gather3A_2237 = tpu.vector_load_idx %arg12[%and3A_2236] : memref<16xi32, #tpu.memory_space<vmem>>[vector<16xi32>], vector<16xi32>,
    %ge3A_2238 = arith.constant 9 : i32
    %ge3A_2239 = vector.broadcast %ge3A_2238 : i32 to vector<16xi32>
    %ge3A_2240 = arith.cmpi sge, %iota3A, %ge3A_2239 : vector<16xi32>
    %eq3A_2241 = arith.cmpi eq, %gather3A_2237, %get3A_2116 : vector<16xi32>
    %and3A_2242 = arith.andi %ge3A_2240, %eq3A_2241 : vector<16xi1>
    %convert_element_type3A_2243 = arith.extui %and3A_2242 : vector<16xi1> to vector<16xi32>
    %add3A_2244 = arith.addi %add3A_2230, %convert_element_type3A_2243 : vector<16xi32>
    %sub3A_2245 = arith.constant 10 : i32
    %sub3A_2246 = vector.broadcast %sub3A_2245 : i32 to vector<16xi32>
    %sub3A_2247 = arith.subi %iota3A, %sub3A_2246 : vector<16xi32>
    %and3A_2248 = arith.constant 15 : i32
    %and3A_2249 = vector.broadcast %and3A_2248 : i32 to vector<16xi32>
    %and3A_2250 = arith.andi %sub3A_2247, %and3A_2249 : vector<16xi32>
    %gather3A_2251 = tpu.vector_load_idx %arg12[%and3A_2250] : memref<16xi32, #tpu.memory_space<vmem>>[vector<16xi32>], vector<16xi32>,
    %ge3A_2252 = arith.constant 10 : i32
    %ge3A_2253 = vector.broadcast %ge3A_2252 : i32 to vector<16xi32>
    %ge3A_2254 = arith.cmpi sge, %iota3A, %ge3A_2253 : vector<16xi32>
    %eq3A_2255 = arith.cmpi eq, %gather3A_2251, %get3A_2116 : vector<16xi32>
    %and3A_2256 = arith.andi %ge3A_2254, %eq3A_2255 : vector<16xi1>
    %convert_element_type3A_2257 = arith.extui %and3A_2256 : vector<16xi1> to vector<16xi32>
    %add3A_2258 = arith.addi %add3A_2244, %convert_element_type3A_2257 : vector<16xi32>
    %sub3A_2259 = arith.constant 11 : i32
    %sub3A_2260 = vector.broadcast %sub3A_2259 : i32 to vector<16xi32>
    %sub3A_2261 = arith.subi %iota3A, %sub3A_2260 : vector<16xi32>
    %and3A_2262 = arith.constant 15 : i32
    %and3A_2263 = vector.broadcast %and3A_2262 : i32 to vector<16xi32>
    %and3A_2264 = arith.andi %sub3A_2261, %and3A_2263 : vector<16xi32>
    %gather3A_2265 = tpu.vector_load_idx %arg12[%and3A_2264] : memref<16xi32, #tpu.memory_space<vmem>>[vector<16xi32>], vector<16xi32>,
    %ge3A_2266 = arith.constant 11 : i32
    %ge3A_2267 = vector.broadcast %ge3A_2266 : i32 to vector<16xi32>
    %ge3A_2268 = arith.cmpi sge, %iota3A, %ge3A_2267 : vector<16xi32>
    %eq3A_2269 = arith.cmpi eq, %gather3A_2265, %get3A_2116 : vector<16xi32>
    %and3A_2270 = arith.andi %ge3A_2268, %eq3A_2269 : vector<16xi1>
    %convert_element_type3A_2271 = arith.extui %and3A_2270 : vector<16xi1> to vector<16xi32>
    %add3A_2272 = arith.addi %add3A_2258, %convert_element_type3A_2271 : vector<16xi32>
    %sub3A_2273 = arith.constant 12 : i32
    %sub3A_2274 = vector.broadcast %sub3A_2273 : i32 to vector<16xi32>
    %sub3A_2275 = arith.subi %iota3A, %sub3A_2274 : vector<16xi32>
    %and3A_2276 = arith.constant 15 : i32
    %and3A_2277 = vector.broadcast %and3A_2276 : i32 to vector<16xi32>
    %and3A_2278 = arith.andi %sub3A_2275, %and3A_2277 : vector<16xi32>
    %gather3A_2279 = tpu.vector_load_idx %arg12[%and3A_2278] : memref<16xi32, #tpu.memory_space<vmem>>[vector<16xi32>], vector<16xi32>,
    %ge3A_2280 = arith.constant 12 : i32
    %ge3A_2281 = vector.broadcast %ge3A_2280 : i32 to vector<16xi32>
    %ge3A_2282 = arith.cmpi sge, %iota3A, %ge3A_2281 : vector<16xi32>
    %eq3A_2283 = arith.cmpi eq, %gather3A_2279, %get3A_2116 : vector<16xi32>
    %and3A_2284 = arith.andi %ge3A_2282, %eq3A_2283 : vector<16xi1>
    %convert_element_type3A_2285 = arith.extui %and3A_2284 : vector<16xi1> to vector<16xi32>
    %add3A_2286 = arith.addi %add3A_2272, %convert_element_type3A_2285 : vector<16xi32>
    %sub3A_2287 = arith.constant 13 : i32
    %sub3A_2288 = vector.broadcast %sub3A_2287 : i32 to vector<16xi32>
    %sub3A_2289 = arith.subi %iota3A, %sub3A_2288 : vector<16xi32>
    %and3A_2290 = arith.constant 15 : i32
    %and3A_2291 = vector.broadcast %and3A_2290 : i32 to vector<16xi32>
    %and3A_2292 = arith.andi %sub3A_2289, %and3A_2291 : vector<16xi32>
    %gather3A_2293 = tpu.vector_load_idx %arg12[%and3A_2292] : memref<16xi32, #tpu.memory_space<vmem>>[vector<16xi32>], vector<16xi32>,
    %ge3A_2294 = arith.constant 13 : i32
    %ge3A_2295 = vector.broadcast %ge3A_2294 : i32 to vector<16xi32>
    %ge3A_2296 = arith.cmpi sge, %iota3A, %ge3A_2295 : vector<16xi32>
    %eq3A_2297 = arith.cmpi eq, %gather3A_2293, %get3A_2116 : vector<16xi32>
    %and3A_2298 = arith.andi %ge3A_2296, %eq3A_2297 : vector<16xi1>
    %convert_element_type3A_2299 = arith.extui %and3A_2298 : vector<16xi1> to vector<16xi32>
    %add3A_2300 = arith.addi %add3A_2286, %convert_element_type3A_2299 : vector<16xi32>
    %sub3A_2301 = arith.constant 14 : i32
    %sub3A_2302 = vector.broadcast %sub3A_2301 : i32 to vector<16xi32>
    %sub3A_2303 = arith.subi %iota3A, %sub3A_2302 : vector<16xi32>
    %and3A_2304 = arith.constant 15 : i32
    %and3A_2305 = vector.broadcast %and3A_2304 : i32 to vector<16xi32>
    %and3A_2306 = arith.andi %sub3A_2303, %and3A_2305 : vector<16xi32>
    %gather3A_2307 = tpu.vector_load_idx %arg12[%and3A_2306] : memref<16xi32, #tpu.memory_space<vmem>>[vector<16xi32>], vector<16xi32>,
    %ge3A_2308 = arith.constant 14 : i32
    %ge3A_2309 = vector.broadcast %ge3A_2308 : i32 to vector<16xi32>
    %ge3A_2310 = arith.cmpi sge, %iota3A, %ge3A_2309 : vector<16xi32>
    %eq3A_2311 = arith.cmpi eq, %gather3A_2307, %get3A_2116 : vector<16xi32>
    %and3A_2312 = arith.andi %ge3A_2310, %eq3A_2311 : vector<16xi1>
    %convert_element_type3A_2313 = arith.extui %and3A_2312 : vector<16xi1> to vector<16xi32>
    %add3A_2314 = arith.addi %add3A_2300, %convert_element_type3A_2313 : vector<16xi32>
    %sub3A_2315 = arith.constant 15 : i32
    %sub3A_2316 = vector.broadcast %sub3A_2315 : i32 to vector<16xi32>
    %sub3A_2317 = arith.subi %iota3A, %sub3A_2316 : vector<16xi32>
    %and3A_2318 = arith.constant 15 : i32
    %and3A_2319 = vector.broadcast %and3A_2318 : i32 to vector<16xi32>
    %and3A_2320 = arith.andi %sub3A_2317, %and3A_2319 : vector<16xi32>
    %gather3A_2321 = tpu.vector_load_idx %arg12[%and3A_2320] : memref<16xi32, #tpu.memory_space<vmem>>[vector<16xi32>], vector<16xi32>,
    %ge3A_2322 = arith.constant 15 : i32
    %ge3A_2323 = vector.broadcast %ge3A_2322 : i32 to vector<16xi32>
    %ge3A_2324 = arith.cmpi sge, %iota3A, %ge3A_2323 : vector<16xi32>
    %eq3A_2325 = arith.cmpi eq, %gather3A_2321, %get3A_2116 : vector<16xi32>
    %and3A_2326 = arith.andi %ge3A_2324, %eq3A_2325 : vector<16xi1>
    %convert_element_type3A_2327 = arith.extui %and3A_2326 : vector<16xi1> to vector<16xi32>
    %add3A_2328 = arith.addi %add3A_2314, %convert_element_type3A_2327 : vector<16xi32>
    %gather3A_2329 = tpu.vector_load_idx %arg9[%get3A_2116] : memref<64xi32, #tpu.memory_space<vmem>>[vector<16xi32>], vector<16xi32>,
    %add3A_2330 = arith.addi %gather3A_2329, %add3A_2328 : vector<16xi32>
    %swap3A_2331 = arith.constant 48 : index
    %swap3A_2332 = tpu.vector_load %arg10[%swap3A_2331] {strides = array<i32>} : memref<64xi32, #tpu.memory_space<vmem>>, vector<16xi32>,
    tpu.vector_store %arg10[%swap3A_2331], %add3A_2330 {strides = array<i32>} : memref<64xi32, #tpu.memory_space<vmem>>, vector<16xi32>,
    tpu.vector_store_idx %arg9[%get3A_2116], %broadcast_in_dim3A_5 {add = true} : memref<64xi32, #tpu.memory_space<vmem>>[vector<16xi32>], vector<16xi32>,
    "tpu.region"() ({
      %run_scoped3A = tpu.sem_alloc : memref<!tpu.dma_semaphore, #tpu.memory_space<semaphore_mem>>
      %dma_start3A_2337 = tpu.memref_slice %arg6[%mul3A_2] : memref<2048xi32, #tpu.memory_space<hbm>> -> memref<64xi32, #tpu.memory_space<hbm>>
      %dma_start3A_2338 = tpu.memref_slice %arg6[%mul3A_2] : memref<2048xi32, #tpu.memory_space<hbm>> -> memref<64xi32, #tpu.memory_space<hbm>>
      tpu.enqueue_dma source(%arg10 : memref<64xi32, #tpu.memory_space<vmem>>) target(%dma_start3A_2338 : memref<64xi32, #tpu.memory_space<hbm>>) target_semaphore(%run_scoped3A : memref<!tpu.dma_semaphore, #tpu.memory_space<semaphore_mem>>)
      %dma_wait3A_2339 = tpu.memref_slice %arg6[%mul3A_2] : memref<2048xi32, #tpu.memory_space<hbm>> -> memref<64xi32, #tpu.memory_space<hbm>>
      %dma_wait3A_2340 = tpu.memref_slice %arg6[%mul3A_2] : memref<2048xi32, #tpu.memory_space<hbm>> -> memref<64xi32, #tpu.memory_space<hbm>>
      tpu.wait_dma2 semaphore(%run_scoped3A : memref<!tpu.dma_semaphore, #tpu.memory_space<semaphore_mem>>) src(%arg10 : memref<64xi32, #tpu.memory_space<vmem>>) dst(%dma_wait3A_2340 : memref<64xi32, #tpu.memory_space<hbm>>)
      tpu.yield
    }) : () -> ()
    "tpu.region"() ({
      %run_scoped3A = tpu.sem_alloc : memref<!tpu.dma_semaphore, #tpu.memory_space<semaphore_mem>>
      %dma_start3A_2337 = arith.constant 0 : i32
      %dma_start3A_2338 = tpu.memref_slice %arg2[%mul3A_2, %dma_start3A_2337] : memref<2048x768xf32, #tpu.memory_space<hbm>> -> memref<64x768xf32, #tpu.memory_space<hbm>>
      %dma_start3A_2339 = arith.constant 0 : i32
      %dma_start3A_2340 = tpu.memref_slice %arg2[%mul3A_2, %dma_start3A_2339] : memref<2048x768xf32, #tpu.memory_space<hbm>> -> memref<64x768xf32, #tpu.memory_space<hbm>>
      tpu.enqueue_dma source(%dma_start3A_2340 : memref<64x768xf32, #tpu.memory_space<hbm>>) target(%arg11 : memref<64x768xf32, #tpu.memory_space<vmem>>) target_semaphore(%run_scoped3A : memref<!tpu.dma_semaphore, #tpu.memory_space<semaphore_mem>>)
      %dma_wait3A_2341 = arith.constant 0 : i32
      %dma_wait3A_2342 = tpu.memref_slice %arg2[%mul3A_2, %dma_wait3A_2341] : memref<2048x768xf32, #tpu.memory_space<hbm>> -> memref<64x768xf32, #tpu.memory_space<hbm>>
      %dma_wait3A_2343 = arith.constant 0 : i32
      %dma_wait3A_2344 = tpu.memref_slice %arg2[%mul3A_2, %dma_wait3A_2343] : memref<2048x768xf32, #tpu.memory_space<hbm>> -> memref<64x768xf32, #tpu.memory_space<hbm>>
      tpu.wait_dma2 semaphore(%run_scoped3A : memref<!tpu.dma_semaphore, #tpu.memory_space<semaphore_mem>>) src(%dma_wait3A_2344 : memref<64x768xf32, #tpu.memory_space<hbm>>) dst(%arg11 : memref<64x768xf32, #tpu.memory_space<vmem>>)
      tpu.yield
    }) : () -> ()
    %dma_start3A = arith.constant 0 : i32
    %dma_start3A_2333 = arith.constant 0 : i32
    %dma_start3A_2334 = tpu.memref_slice %arg5[%dma_start3A, %dma_start3A_2333] : memref<2048x768xf32, #tpu.memory_space<hbm>> -> memref<2048x768xf32, #tpu.memory_space<hbm>>
    tpu.enqueue_indirect_dma source(%arg11 : memref<64x768xf32, #tpu.memory_space<vmem>>) target(%dma_start3A_2334 : memref<2048x768xf32, #tpu.memory_space<hbm>>) offsets(%arg10 : memref<64xi32, #tpu.memory_space<vmem>>) semaphore(%arg13 : memref<!tpu.dma_semaphore, #tpu.memory_space<semaphore_mem>>)
    %dma_wait3A = arith.constant 0 : i32
    %dma_wait3A_2335 = arith.constant 0 : i32
    %dma_wait3A_2336 = tpu.memref_slice %arg5[%dma_wait3A, %dma_wait3A_2335] : memref<2048x768xf32, #tpu.memory_space<hbm>> -> memref<2048x768xf32, #tpu.memory_space<hbm>>
    tpu.wait_indirect_dma semaphore(%arg13 : memref<!tpu.dma_semaphore, #tpu.memory_space<semaphore_mem>>) src(%arg11 : memref<64x768xf32, #tpu.memory_space<vmem>>) dst(%dma_wait3A_2336 : memref<2048x768xf32, #tpu.memory_space<hbm>>)
    return
  }
}

#map = affine_map<(d0, d1) -> (0)>
#map1 = affine_map<(d0, d1) -> (0, 0)>
module attributes {stable_mosaic.version = 14 : i64} {
  func.func @_route_a_body(%arg0: i32, %arg1: i32, %arg2: memref<2048xi32, #tpu.memory_space<hbm>>, %arg3: memref<32x64xi32, #tpu.memory_space<hbm>>, %arg4: memref<64xi32, #tpu.memory_space<vmem>>, %arg5: memref<64xi32, #tpu.memory_space<vmem>>) attributes {dimension_semantics = [#tpu.dimension_semantics<core_parallel>, #tpu.dimension_semantics<subcore_parallel>], iteration_bounds = array<i64: 2, 16>, scalar_prefetch = 0 : i64, scratch_operands = 2 : i64, tpu.core_type = #tpu.core_type<sc_vector_subcore>, window_params = [{transform_indices = #map}, {transform_indices = #map1}]} {
    %mul3A = arith.constant 2 : i32
    %mul3A_0 = arith.muli %arg1, %mul3A : i32
    %add3A = arith.addi %mul3A_0, %arg0 : i32
    %mul3A_1 = arith.constant 64 : i32
    %mul3A_2 = arith.muli %add3A, %mul3A_1 : i32
    "tpu.region"() ({
      %run_scoped3A = tpu.sem_alloc : memref<!tpu.dma_semaphore, #tpu.memory_space<semaphore_mem>>
      %dma_start3A = tpu.memref_slice %arg2[%mul3A_2] : memref<2048xi32, #tpu.memory_space<hbm>> -> memref<64xi32, #tpu.memory_space<hbm>>
      %dma_start3A_20 = tpu.memref_slice %arg2[%mul3A_2] : memref<2048xi32, #tpu.memory_space<hbm>> -> memref<64xi32, #tpu.memory_space<hbm>>
      tpu.enqueue_dma source(%dma_start3A_20 : memref<64xi32, #tpu.memory_space<hbm>>) target(%arg4 : memref<64xi32, #tpu.memory_space<vmem>>) target_semaphore(%run_scoped3A : memref<!tpu.dma_semaphore, #tpu.memory_space<semaphore_mem>>)
      %dma_wait3A = tpu.memref_slice %arg2[%mul3A_2] : memref<2048xi32, #tpu.memory_space<hbm>> -> memref<64xi32, #tpu.memory_space<hbm>>
      %dma_wait3A_21 = tpu.memref_slice %arg2[%mul3A_2] : memref<2048xi32, #tpu.memory_space<hbm>> -> memref<64xi32, #tpu.memory_space<hbm>>
      tpu.wait_dma2 semaphore(%run_scoped3A : memref<!tpu.dma_semaphore, #tpu.memory_space<semaphore_mem>>) src(%dma_wait3A_21 : memref<64xi32, #tpu.memory_space<hbm>>) dst(%arg4 : memref<64xi32, #tpu.memory_space<vmem>>)
      tpu.yield
    }) : () -> ()
    %broadcast_in_dim3A = arith.constant 0 : i32
    %broadcast_in_dim3A_3 = vector.broadcast %broadcast_in_dim3A : i32 to vector<16xi32>
    %broadcast_in_dim3A_4 = arith.constant 1 : i32
    %broadcast_in_dim3A_5 = vector.broadcast %broadcast_in_dim3A_4 : i32 to vector<16xi32>
    %swap3A = arith.constant 0 : index
    %swap3A_6 = tpu.vector_load %arg5[%swap3A] {strides = array<i32>} : memref<64xi32, #tpu.memory_space<vmem>>, vector<16xi32>,
    tpu.vector_store %arg5[%swap3A], %broadcast_in_dim3A_3 {strides = array<i32>} : memref<64xi32, #tpu.memory_space<vmem>>, vector<16xi32>,
    %swap3A_7 = arith.constant 16 : index
    %swap3A_8 = tpu.vector_load %arg5[%swap3A_7] {strides = array<i32>} : memref<64xi32, #tpu.memory_space<vmem>>, vector<16xi32>,
    tpu.vector_store %arg5[%swap3A_7], %broadcast_in_dim3A_3 {strides = array<i32>} : memref<64xi32, #tpu.memory_space<vmem>>, vector<16xi32>,
    %swap3A_9 = arith.constant 32 : index
    %swap3A_10 = tpu.vector_load %arg5[%swap3A_9] {strides = array<i32>} : memref<64xi32, #tpu.memory_space<vmem>>, vector<16xi32>,
    tpu.vector_store %arg5[%swap3A_9], %broadcast_in_dim3A_3 {strides = array<i32>} : memref<64xi32, #tpu.memory_space<vmem>>, vector<16xi32>,
    %swap3A_11 = arith.constant 48 : index
    %swap3A_12 = tpu.vector_load %arg5[%swap3A_11] {strides = array<i32>} : memref<64xi32, #tpu.memory_space<vmem>>, vector<16xi32>,
    tpu.vector_store %arg5[%swap3A_11], %broadcast_in_dim3A_3 {strides = array<i32>} : memref<64xi32, #tpu.memory_space<vmem>>, vector<16xi32>,
    %get3A = arith.constant 0 : index
    %get3A_13 = tpu.vector_load %arg4[%get3A] {strides = array<i32>} : memref<64xi32, #tpu.memory_space<vmem>>, vector<16xi32>,
    tpu.vector_store_idx %arg5[%get3A_13], %broadcast_in_dim3A_5 {add = true} : memref<64xi32, #tpu.memory_space<vmem>>[vector<16xi32>], vector<16xi32>,
    %get3A_14 = arith.constant 16 : index
    %get3A_15 = tpu.vector_load %arg4[%get3A_14] {strides = array<i32>} : memref<64xi32, #tpu.memory_space<vmem>>, vector<16xi32>,
    tpu.vector_store_idx %arg5[%get3A_15], %broadcast_in_dim3A_5 {add = true} : memref<64xi32, #tpu.memory_space<vmem>>[vector<16xi32>], vector<16xi32>,
    %get3A_16 = arith.constant 32 : index
    %get3A_17 = tpu.vector_load %arg4[%get3A_16] {strides = array<i32>} : memref<64xi32, #tpu.memory_space<vmem>>, vector<16xi32>,
    tpu.vector_store_idx %arg5[%get3A_17], %broadcast_in_dim3A_5 {add = true} : memref<64xi32, #tpu.memory_space<vmem>>[vector<16xi32>], vector<16xi32>,
    %get3A_18 = arith.constant 48 : index
    %get3A_19 = tpu.vector_load %arg4[%get3A_18] {strides = array<i32>} : memref<64xi32, #tpu.memory_space<vmem>>, vector<16xi32>,
    tpu.vector_store_idx %arg5[%get3A_19], %broadcast_in_dim3A_5 {add = true} : memref<64xi32, #tpu.memory_space<vmem>>[vector<16xi32>], vector<16xi32>,
    "tpu.region"() ({
      %run_scoped3A = tpu.sem_alloc : memref<!tpu.dma_semaphore, #tpu.memory_space<semaphore_mem>>
      %dma_start3A = arith.constant 0 : i32
      %dma_start3A_20 = tpu.memref_slice %arg3[%add3A, %dma_start3A] : memref<32x64xi32, #tpu.memory_space<hbm>> -> memref<1x64xi32, #tpu.memory_space<hbm>>
      %dma_start3A_21 = tpu.memref_squeeze %dma_start3A_20 : memref<1x64xi32, #tpu.memory_space<hbm>> -> memref<64xi32, #tpu.memory_space<hbm>>
      %dma_start3A_22 = arith.constant 0 : i32
      %dma_start3A_23 = tpu.memref_slice %arg3[%add3A, %dma_start3A_22] : memref<32x64xi32, #tpu.memory_space<hbm>> -> memref<1x64xi32, #tpu.memory_space<hbm>>
      %dma_start3A_24 = tpu.memref_squeeze %dma_start3A_23 : memref<1x64xi32, #tpu.memory_space<hbm>> -> memref<64xi32, #tpu.memory_space<hbm>>
      tpu.enqueue_dma source(%arg5 : memref<64xi32, #tpu.memory_space<vmem>>) target(%dma_start3A_24 : memref<64xi32, #tpu.memory_space<hbm>>) target_semaphore(%run_scoped3A : memref<!tpu.dma_semaphore, #tpu.memory_space<semaphore_mem>>)
      %dma_wait3A = arith.constant 0 : i32
      %dma_wait3A_25 = tpu.memref_slice %arg3[%add3A, %dma_wait3A] : memref<32x64xi32, #tpu.memory_space<hbm>> -> memref<1x64xi32, #tpu.memory_space<hbm>>
      %dma_wait3A_26 = tpu.memref_squeeze %dma_wait3A_25 : memref<1x64xi32, #tpu.memory_space<hbm>> -> memref<64xi32, #tpu.memory_space<hbm>>
      %dma_wait3A_27 = arith.constant 0 : i32
      %dma_wait3A_28 = tpu.memref_slice %arg3[%add3A, %dma_wait3A_27] : memref<32x64xi32, #tpu.memory_space<hbm>> -> memref<1x64xi32, #tpu.memory_space<hbm>>
      %dma_wait3A_29 = tpu.memref_squeeze %dma_wait3A_28 : memref<1x64xi32, #tpu.memory_space<hbm>> -> memref<64xi32, #tpu.memory_space<hbm>>
      tpu.wait_dma2 semaphore(%run_scoped3A : memref<!tpu.dma_semaphore, #tpu.memory_space<semaphore_mem>>) src(%arg5 : memref<64xi32, #tpu.memory_space<vmem>>) dst(%dma_wait3A_29 : memref<64xi32, #tpu.memory_space<hbm>>)
      tpu.yield
    }) : () -> ()
    return
  }
}

#map = affine_map<(d0, d1) -> (0, 0)>
#map1 = affine_map<(d0, d1) -> (0)>
module attributes {stable_mosaic.version = 14 : i64} {
  func.func @_unsort_body(%arg0: i32, %arg1: i32, %arg2: memref<2048x768xf32, #tpu.memory_space<hbm>>, %arg3: memref<2048xi32, #tpu.memory_space<hbm>>, %arg4: memref<2048x768xf32, #tpu.memory_space<hbm>>, %arg5: memref<64xi32, #tpu.memory_space<vmem>>, %arg6: memref<64x768xf32, #tpu.memory_space<vmem>>, %arg7: memref<!tpu.dma_semaphore, #tpu.memory_space<semaphore_mem>>) attributes {dimension_semantics = [#tpu.dimension_semantics<core_parallel>, #tpu.dimension_semantics<subcore_parallel>], iteration_bounds = array<i64: 2, 16>, scalar_prefetch = 0 : i64, scratch_operands = 3 : i64, tpu.core_type = #tpu.core_type<sc_vector_subcore>, window_params = [{transform_indices = #map}, {transform_indices = #map1}, {transform_indices = #map}]} {
    %mul3A = arith.constant 2 : i32
    %mul3A_0 = arith.muli %arg1, %mul3A : i32
    %add3A = arith.addi %mul3A_0, %arg0 : i32
    %mul3A_1 = arith.constant 64 : i32
    %mul3A_2 = arith.muli %add3A, %mul3A_1 : i32
    "tpu.region"() ({
      %run_scoped3A = tpu.sem_alloc : memref<!tpu.dma_semaphore, #tpu.memory_space<semaphore_mem>>
      %dma_start3A_7 = tpu.memref_slice %arg3[%mul3A_2] : memref<2048xi32, #tpu.memory_space<hbm>> -> memref<64xi32, #tpu.memory_space<hbm>>
      %dma_start3A_8 = tpu.memref_slice %arg3[%mul3A_2] : memref<2048xi32, #tpu.memory_space<hbm>> -> memref<64xi32, #tpu.memory_space<hbm>>
      tpu.enqueue_dma source(%dma_start3A_8 : memref<64xi32, #tpu.memory_space<hbm>>) target(%arg5 : memref<64xi32, #tpu.memory_space<vmem>>) target_semaphore(%run_scoped3A : memref<!tpu.dma_semaphore, #tpu.memory_space<semaphore_mem>>)
      %dma_wait3A_9 = tpu.memref_slice %arg3[%mul3A_2] : memref<2048xi32, #tpu.memory_space<hbm>> -> memref<64xi32, #tpu.memory_space<hbm>>
      %dma_wait3A_10 = tpu.memref_slice %arg3[%mul3A_2] : memref<2048xi32, #tpu.memory_space<hbm>> -> memref<64xi32, #tpu.memory_space<hbm>>
      tpu.wait_dma2 semaphore(%run_scoped3A : memref<!tpu.dma_semaphore, #tpu.memory_space<semaphore_mem>>) src(%dma_wait3A_10 : memref<64xi32, #tpu.memory_space<hbm>>) dst(%arg5 : memref<64xi32, #tpu.memory_space<vmem>>)
      tpu.yield
    }) : () -> ()
    %dma_start3A = arith.constant 0 : i32
    %dma_start3A_3 = arith.constant 0 : i32
    %dma_start3A_4 = tpu.memref_slice %arg2[%dma_start3A, %dma_start3A_3] : memref<2048x768xf32, #tpu.memory_space<hbm>> -> memref<2048x768xf32, #tpu.memory_space<hbm>>
    tpu.enqueue_indirect_dma source(%dma_start3A_4 : memref<2048x768xf32, #tpu.memory_space<hbm>>) target(%arg6 : memref<64x768xf32, #tpu.memory_space<vmem>>) offsets(%arg5 : memref<64xi32, #tpu.memory_space<vmem>>) semaphore(%arg7 : memref<!tpu.dma_semaphore, #tpu.memory_space<semaphore_mem>>)
    %dma_wait3A = arith.constant 0 : i32
    %dma_wait3A_5 = arith.constant 0 : i32
    %dma_wait3A_6 = tpu.memref_slice %arg2[%dma_wait3A, %dma_wait3A_5] : memref<2048x768xf32, #tpu.memory_space<hbm>> -> memref<2048x768xf32, #tpu.memory_space<hbm>>
    tpu.wait_indirect_dma semaphore(%arg7 : memref<!tpu.dma_semaphore, #tpu.memory_space<semaphore_mem>>) src(%dma_wait3A_6 : memref<2048x768xf32, #tpu.memory_space<hbm>>) dst(%arg6 : memref<64x768xf32, #tpu.memory_space<vmem>>)
    "tpu.region"() ({
      %run_scoped3A = tpu.sem_alloc : memref<!tpu.dma_semaphore, #tpu.memory_space<semaphore_mem>>
      %dma_start3A_7 = arith.constant 0 : i32
      %dma_start3A_8 = tpu.memref_slice %arg4[%mul3A_2, %dma_start3A_7] : memref<2048x768xf32, #tpu.memory_space<hbm>> -> memref<64x768xf32, #tpu.memory_space<hbm>>
      %dma_start3A_9 = arith.constant 0 : i32
      %dma_start3A_10 = tpu.memref_slice %arg4[%mul3A_2, %dma_start3A_9] : memref<2048x768xf32, #tpu.memory_space<hbm>> -> memref<64x768xf32, #tpu.memory_space<hbm>>
      tpu.enqueue_dma source(%arg6 : memref<64x768xf32, #tpu.memory_space<vmem>>) target(%dma_start3A_10 : memref<64x768xf32, #tpu.memory_space<hbm>>) target_semaphore(%run_scoped3A : memref<!tpu.dma_semaphore, #tpu.memory_space<semaphore_mem>>)
      %dma_wait3A_11 = arith.constant 0 : i32
      %dma_wait3A_12 = tpu.memref_slice %arg4[%mul3A_2, %dma_wait3A_11] : memref<2048x768xf32, #tpu.memory_space<hbm>> -> memref<64x768xf32, #tpu.memory_space<hbm>>
      %dma_wait3A_13 = arith.constant 0 : i32
      %dma_wait3A_14 = tpu.memref_slice %arg4[%mul3A_2, %dma_wait3A_13] : memref<2048x768xf32, #tpu.memory_space<hbm>> -> memref<64x768xf32, #tpu.memory_space<hbm>>
      tpu.wait_dma2 semaphore(%run_scoped3A : memref<!tpu.dma_semaphore, #tpu.memory_space<semaphore_mem>>) src(%arg6 : memref<64x768xf32, #tpu.memory_space<vmem>>) dst(%dma_wait3A_14 : memref<64x768xf32, #tpu.memory_space<hbm>>)
      tpu.yield
    }) : () -> ()
    return
  }
}

module attributes {stable_mosaic.version = 14 : i64} {
  func.func @_gmm_body(%arg0: i32, %arg1: memref<71xi32, #tpu.memory_space<smem>>, %arg2: memref<71xi32, #tpu.memory_space<smem>>, %arg3: memref<71xi32, #tpu.memory_space<smem>>, %arg4: memref<71xi32, #tpu.memory_space<smem>>, %arg5: memref<256x768xf32, #tpu.memory_space<vmem>>, %arg6: memref<1x384x768xf32, #tpu.memory_space<vmem>>, %arg7: memref<1x384x768xf32, #tpu.memory_space<vmem>>, %arg8: memref<1x1x768xf32, #tpu.memory_space<vmem>>, %arg9: memref<256x768xf32, #tpu.memory_space<vmem>>) attributes {dimension_semantics = [#tpu.dimension_semantics<arbitrary>], iteration_bounds = array<i64: 71>, scalar_prefetch = 4 : i64, scratch_operands = 0 : i64, tpu.core_type = #tpu.core_type<tc>, window_params = [{transform_indices = @transform_0, window_bounds = array<i64: 256, 768>}, {transform_indices = @transform_1, window_bounds = array<i64: 1, 384, 768>}, {transform_indices = @transform_2, window_bounds = array<i64: 1, 384, 768>}, {transform_indices = @transform_3, window_bounds = array<i64: 1, 1, 768>}, {transform_indices = @transform_4, window_bounds = array<i64: 256, 768>}]} {
    %get3A = arith.index_cast %arg0 : i32 to index
    %get3A_0 = memref.load %arg3[%get3A] : memref<71xi32, #tpu.memory_space<smem>>
    %get3A_1 = arith.index_cast %arg0 : i32 to index
    %get3A_2 = memref.load %arg4[%get3A_1] : memref<71xi32, #tpu.memory_space<smem>>
    %get3A_3 = arith.index_cast %arg0 : i32 to index
    %get3A_4 = memref.load %arg1[%get3A_3] : memref<71xi32, #tpu.memory_space<smem>>
    %gt3A = arith.cmpi sgt, %get3A_2, %get3A_0 : i32
    %convert_element_type3A = arith.extui %gt3A : i1 to i32
    %cond3A = arith.constant 0 : i32
    %cond3A_5 = arith.cmpi ne, %convert_element_type3A, %cond3A : i32
    scf.if %cond3A_5 {
      %mul3A = arith.constant 256 : i32
      %mul3A_6 = arith.muli %get3A_4, %mul3A : i32
      %iota3A = tpu.iota {dimensions = array<i32: 0>} : vector<256x1xi32>
      %add3A = vector.broadcast %mul3A_6 : i32 to vector<256x1xi32>
      %add3A_7 = arith.addi %add3A, %iota3A : vector<256x1xi32>
      %ge3A = vector.broadcast %get3A_0 : i32 to vector<256x1xi32>
      %ge3A_8 = arith.cmpi sge, %add3A_7, %ge3A : vector<256x1xi32>
      %lt3A = vector.broadcast %get3A_2 : i32 to vector<256x1xi32>
      %lt3A_9 = arith.cmpi slt, %add3A_7, %lt3A : vector<256x1xi32>
      %and3A = arith.andi %ge3A_8, %lt3A_9 : vector<256x1xi1>
      %get3A_10 = arith.constant 0 : index
      %get3A_11 = arith.constant 0 : index
      %get3A_12 = vector.load %arg5[%get3A_10, %get3A_11] : memref<256x768xf32, #tpu.memory_space<vmem>>, vector<256x768xf32>
      %get3A_13 = arith.constant 0 : index
      %get3A_14 = arith.constant 0 : index
      %get3A_15 = arith.constant 0 : index
      %get3A_16 = vector.load %arg6[%get3A_13, %get3A_14, %get3A_15] : memref<1x384x768xf32, #tpu.memory_space<vmem>>, vector<1x384x768xf32>
      %get3A_17 = vector.shape_cast %get3A_16 : vector<1x384x768xf32> to vector<384x768xf32>
      %dot_general3A = arith.constant dense<0.000000e+00> : vector<256x384xf32>
      %dot_general3A_18 = tpu.matmul %get3A_12, %get3A_17, %dot_general3A {dimension_numbers = #tpu.dot_dimension_numbers<[1], [1], [0], [0], [0, 0, 1, 0], [], []>, transpose_lhs_hint = false} : vector<256x768xf32>, vector<384x768xf32>, vector<256x384xf32> -> vector<256x384xf32>
      %get3A_19 = arith.constant 0 : index
      %get3A_20 = arith.constant 0 : index
      %get3A_21 = arith.constant 0 : index
      %get3A_22 = vector.load %arg7[%get3A_19, %get3A_20, %get3A_21] : memref<1x384x768xf32, #tpu.memory_space<vmem>>, vector<1x384x768xf32>
      %get3A_23 = vector.shape_cast %get3A_22 : vector<1x384x768xf32> to vector<384x768xf32>
      %dot_general3A_24 = arith.constant dense<0.000000e+00> : vector<256x384xf32>
      %dot_general3A_25 = tpu.matmul %get3A_12, %get3A_23, %dot_general3A_24 {dimension_numbers = #tpu.dot_dimension_numbers<[1], [1], [0], [0], [0, 0, 1, 0], [], []>, transpose_lhs_hint = false} : vector<256x768xf32>, vector<384x768xf32>, vector<256x384xf32> -> vector<256x384xf32>
      %concatenate3A = tpu.concatenate %dot_general3A_18, %dot_general3A_25 in 1 : vector<256x384xf32>, vector<256x384xf32> -> vector<256x768xf32>
      %get3A_26 = arith.constant 0 : index
      %get3A_27 = arith.constant 0 : index
      %get3A_28 = arith.constant 0 : index
      %get3A_29 = vector.load %arg8[%get3A_26, %get3A_27, %get3A_28] : memref<1x1x768xf32, #tpu.memory_space<vmem>>, vector<1x1x768xf32>
      %get3A_30 = vector.shape_cast %get3A_29 : vector<1x1x768xf32> to vector<1x768xf32>
      %add3A_31 = vector.broadcast %get3A_30 : vector<1x768xf32> to vector<256x768xf32>
      %add3A_32 = arith.addf %concatenate3A, %add3A_31 : vector<256x768xf32>
      %max3A = arith.constant 0.000000e+00 : f32
      %max3A_33 = vector.broadcast %max3A : f32 to vector<256x768xf32>
      %max3A_34 = arith.maximumf %add3A_32, %max3A_33 : vector<256x768xf32>
      %get3A_35 = arith.constant 0 : index
      %get3A_36 = arith.constant 0 : index
      %get3A_37 = vector.load %arg9[%get3A_35, %get3A_36] : memref<256x768xf32, #tpu.memory_space<vmem>>, vector<256x768xf32>
      %broadcast_in_dim3A = vector.shape_cast %and3A : vector<256x1xi1> to vector<256x1xi1>
      %broadcast_in_dim3A_38 = vector.broadcast %broadcast_in_dim3A : vector<256x1xi1> to vector<256x768xi1>
      %select_n3A = arith.select %broadcast_in_dim3A_38, %max3A_34, %get3A_37 : vector<256x768xi1>, vector<256x768xf32>
      %swap3A = arith.constant 0 : index
      %swap3A_39 = arith.constant 0 : index
      %swap3A_40 = vector.load %arg9[%swap3A, %swap3A_39] : memref<256x768xf32, #tpu.memory_space<vmem>>, vector<256x768xf32>
      tpu.vector_store %arg9[%swap3A, %swap3A_39], %select_n3A {strides = array<i32>} : memref<256x768xf32, #tpu.memory_space<vmem>>, vector<256x768xf32>,
    } else {
    }
    return
  }
  func.func @transform_0(%arg0: i32, %arg1: memref<71xi32, #tpu.memory_space<smem>>, %arg2: memref<71xi32, #tpu.memory_space<smem>>, %arg3: memref<71xi32, #tpu.memory_space<smem>>, %arg4: memref<71xi32, #tpu.memory_space<smem>>) -> (i32, i32) {
    %get3A = arith.index_cast %arg0 : i32 to index
    %get3A_0 = memref.load %arg1[%get3A] : memref<71xi32, #tpu.memory_space<smem>>
    %c0_i32 = arith.constant 0 : i32
    %c0_i32_1 = arith.constant 0 : i32
    return %get3A_0, %c0_i32 : i32, i32
  }
  func.func @transform_1(%arg0: i32, %arg1: memref<71xi32, #tpu.memory_space<smem>>, %arg2: memref<71xi32, #tpu.memory_space<smem>>, %arg3: memref<71xi32, #tpu.memory_space<smem>>, %arg4: memref<71xi32, #tpu.memory_space<smem>>) -> (i32, i32, i32) {
    %get3A = arith.index_cast %arg0 : i32 to index
    %get3A_0 = memref.load %arg2[%get3A] : memref<71xi32, #tpu.memory_space<smem>>
    %c0_i32 = arith.constant 0 : i32
    %c0_i32_1 = arith.constant 0 : i32
    %c0_i32_2 = arith.constant 0 : i32
    return %get3A_0, %c0_i32, %c0_i32_1 : i32, i32, i32
  }
  func.func @transform_2(%arg0: i32, %arg1: memref<71xi32, #tpu.memory_space<smem>>, %arg2: memref<71xi32, #tpu.memory_space<smem>>, %arg3: memref<71xi32, #tpu.memory_space<smem>>, %arg4: memref<71xi32, #tpu.memory_space<smem>>) -> (i32, i32, i32) {
    %get3A = arith.index_cast %arg0 : i32 to index
    %get3A_0 = memref.load %arg2[%get3A] : memref<71xi32, #tpu.memory_space<smem>>
    %c1_i32 = arith.constant 1 : i32
    %c0_i32 = arith.constant 0 : i32
    %c0_i32_1 = arith.constant 0 : i32
    return %get3A_0, %c1_i32, %c0_i32 : i32, i32, i32
  }
  func.func @transform_3(%arg0: i32, %arg1: memref<71xi32, #tpu.memory_space<smem>>, %arg2: memref<71xi32, #tpu.memory_space<smem>>, %arg3: memref<71xi32, #tpu.memory_space<smem>>, %arg4: memref<71xi32, #tpu.memory_space<smem>>) -> (i32, i32, i32) {
    %get3A = arith.index_cast %arg0 : i32 to index
    %get3A_0 = memref.load %arg2[%get3A] : memref<71xi32, #tpu.memory_space<smem>>
    %c0_i32 = arith.constant 0 : i32
    %c0_i32_1 = arith.constant 0 : i32
    %c0_i32_2 = arith.constant 0 : i32
    return %get3A_0, %c0_i32, %c0_i32_1 : i32, i32, i32
  }
  func.func @transform_4(%arg0: i32, %arg1: memref<71xi32, #tpu.memory_space<smem>>, %arg2: memref<71xi32, #tpu.memory_space<smem>>, %arg3: memref<71xi32, #tpu.memory_space<smem>>, %arg4: memref<71xi32, #tpu.memory_space<smem>>) -> (i32, i32) {
    %get3A = arith.index_cast %arg0 : i32 to index
    %get3A_0 = memref.load %arg1[%get3A] : memref<71xi32, #tpu.memory_space<smem>>
    %c0_i32 = arith.constant 0 : i32
    %c0_i32_1 = arith.constant 0 : i32
    return %get3A_0, %c0_i32 : i32, i32
  }
}

</mosaic_0001>

<sc_bundles>
// kernel: kernel.12.cloned.1.call-start
scs
__scs_entry_jumppad:
0x0: {  	(pc) =	sbr.rel $0x88, $3  }
0x1: {  	(tag) =	ssettag $0x0;
	lr =	simm.s32 $0x1  }
0x2: {  	[smem:$0x3F9D] =	sst lr;
	_ =	strace $0xD0000000  }
0x3: {  	_ = 	snop  }
0x4: {  	_ = 	snop  }
0x5: {  	_ = 	snop  }
0x6: {  	_ = 	snop  }
0x7: {  	_ = 	snop  }
__scs_overlays_trampoline_lowered:
0x8: {  	[smem:$0x3FAC] =	sst s0  }
0x9: {  	[smem:$0x3FAD] =	sst s1  }
0xa: {  	[smem:$0x3FAE] =	sst s2  }
0xb: {  	[smem:$0x3FAF] =	sst s3  }
0xc: {  	[smem:$0x3FB0] =	sst s4  }
0xd: {  	[smem:$0x3FB1] =	sst s5  }
0xe: {  	[smem:$0x3FB2] =	sst s6  }
0xf: {  	[smem:$0x3FB3] =	sst s7  }
0x10: {  	[smem:$0x3FB4] =	sst s8  }
0x11: {  	[smem:$0x3FB5] =	sst s9;
	s0 =	simm.s32 @!p0 $0x0  }
0x12: {  	s1 =	sld [smem:$0x3F9B];
	s0 =	simm.s32 @p0 $0x1  }
0x13: {  	[smem:$0x3FB6] =	sst s0;
	s0 =	simm.s32 @!p1 $0x0  }
0x14: {  	s2 =	sld [smem:$0x3F9A];
	s0 =	simm.s32 @p1 $0x1  }
0x15: {  	[smem:$0x3FB7] =	sst s0;
	s0 =	simm.s32 @!p2 $0x0  }
0x16: {  	s3 =	sld [smem:$0x3FDB];
	s0 =	simm.s32 @p2 $0x1  }
0x17: {  	s4 =	simm.s32 $0x1BF5;
	[smem:$0x3FB9] =	sst s0  }
0x18: {  	s0 =	sld [smem:$0x3F9C];
	_ =	swait.ge [sflag:s4], $0x0  }
0x19: {  	s7 =	sld [smem:$0x3F9D]  }
0x1a: {  	s8 =	sadd.s32 $0xFFFFE003, lr  }
0x1b: {  	s9 =	sadd.s32 $0xFFFFFEF7, lr;
	s5 =	simm.s32 $0xFFFFFFFF;
	p2 =	slt.u32 s8, $0xFFFFF086  }
0x1c: {  	p1 =	slt.u32 s9, $0xF7A;
	s5 =	simm.s32 @!p2 $0x0  }
0x1d: {  	s5 =	simm.s32 @p1 $0x1;
	p0 =	seq.s32 s7, s2  }
0x1e: {  	s7 =	smul.u32 @!p0 $0xF7A, s2;
	p2 =	seq.s32 @!p0 s5, $0x0  }
0x1f: {  	s9 =	smul.u32 $0xF7A, s1;
	s8 =	simm.s32 @!p0 $0x1BF5;
	p2 =	por !p2, p0  }
0x20: {  	[sflag:s8] =	ssyncset.s32 @!p0 $0xFFFFF086;
	s6 =	sadd.s32 @!p0 s3, s7;
	s7 =	simm.s32 @!p0 $0x108  }
0x21: {  	s3 =	sadd.s32 s3, s9;
	s6 =	sadd.s32 @!p0 $0x88, s6;
	s7 =	simm.s32 @p2 $0x1082  }
0x22: {  	[simem:s7], [sflag:s8] =	dma.local @!p0 [hbm:s6], $0xF7A  }
0x23: {  	s9 =	sor.u32 $0xD0000000, s2;
	s6 =	simm.s32 $0x108;
	_ =	swait.ge @!p0 [sflag:s8], $0x0  }
0x24: {  	s3 =	sadd.s32 $0x88, s3;
	s6 =	simm.s32 @!p1 $0x1082;
	[sflag:s4] =	ssyncset.s32 $0xFFFFF086  }
0x25: {  	[simem:s6], [sflag:s4] =	dma.local [hbm:s3], $0xF7A  }
0x26: {  	[smem:$0x3F9D] =	sst s1;
	(tag) =	ssettag s2;
	_ =	strace s9  }
0x27: {  	s1 =	sld [smem:$0x3FAD]  }
0x28: {  	s2 =	sld [smem:$0x3FAE]  }
0x29: {  	s4 =	sld [smem:$0x3FB0]  }
0x2a: {  	p0 =	seq.s32 s5, $0x0;
	s5 =	sld [smem:$0x3FB1]  }
0x2b: {  	s6 =	sld [smem:$0x3FB2]  }
0x2c: {  	s7 =	sld [smem:$0x3FB3]  }
0x2d: {  	s3 =	simm.s32 $0x108;
	s8 =	sld [smem:$0x3FB4]  }
0x2e: {  	s3 =	simm.s32 @!p0 $0x1082;
	s9 =	sld [smem:$0x3FB5]  }
0x2f: {  	lr =	sadd.s32 s0, s3;
	s0 =	sld [smem:$0x3FAC]  }
0x30: {  	s3 =	sld [smem:$0x3FAF]  }
0x31: {  	[smem:$0x3FB8] =	sst s10  }
0x32: {  	s10 =	sld [smem:$0x3FB6];
	_ =	sdelay $0x3  }
0x33: {  	p0 =	seq.s32 s10, $0x1;
	s10 =	sld [smem:$0x3FB8];
	_ =	sdelay $0x3  }
0x34: {  	[smem:$0x3FB8] =	sst s10  }
0x35: {  	s10 =	sld [smem:$0x3FB7];
	_ =	sdelay $0x3  }
0x36: {  	p1 =	seq.s32 s10, $0x1;
	s10 =	sld [smem:$0x3FB8];
	_ =	sdelay $0x3  }
0x37: {  	[smem:$0x3FB8] =	sst s10  }
0x38: {  	s10 =	sld [smem:$0x3FB9]  }
0x39: {  	_ = 	snop;
	(pc) =	sbr.ind lr, $3  }
0x3a: {  	_ = 	snop  }
0x3b: {  	_ = 	snop  }
0x3c: {  	p2 =	seq.s32 s10, $0x1;
	s10 =	sld [smem:$0x3FB8]  }
0x3d: {  	_ =	shalt  }
0x3e: {  	_ =	shalt  }
0x3f: {  	_ =	shalt  }
0x40: {  	_ =	shalt  }
0x41: {  	_ =	shalt  }
0x42: {  	_ =	shalt  }
0x43: {  	_ =	shalt  }
0x44: {  	_ =	shalt  }
0x45: {  	_ =	shalt  }
0x46: {  	_ =	shalt  }
0x47: {  	_ =	shalt  }
0x48: {  	_ =	shalt  }
0x49: {  	_ =	shalt  }
0x4a: {  	_ =	shalt  }
0x4b: {  	_ =	shalt  }
0x4c: {  	_ =	shalt  }
0x4d: {  	_ =	shalt  }
0x4e: {  	_ =	shalt  }
0x4f: {  	_ =	shalt  }
0x50: {  	_ =	shalt  }
0x51: {  	_ =	shalt  }
0x52: {  	_ =	shalt  }
0x53: {  	_ =	shalt  }
0x54: {  	_ =	shalt  }
0x55: {  	_ =	shalt  }
0x56: {  	_ =	shalt  }
0x57: {  	_ =	shalt  }
0x58: {  	_ =	shalt  }
0x59: {  	_ =	shalt  }
0x5a: {  	_ =	shalt  }
0x5b: {  	_ =	shalt  }
0x5c: {  	_ =	shalt  }
0x5d: {  	_ =	shalt  }
0x5e: {  	_ =	shalt  }
0x5f: {  	_ =	shalt  }
0x60: {  	_ =	shalt  }
0x61: {  	_ =	shalt  }
0x62: {  	_ =	shalt  }
0x63: {  	_ =	shalt  }
0x64: {  	_ =	shalt  }
0x65: {  	_ =	shalt  }
0x66: {  	_ =	shalt  }
0x67: {  	_ =	shalt  }
0x68: {  	_ =	shalt  }
0x69: {  	_ =	shalt  }
0x6a: {  	_ =	shalt  }
0x6b: {  	_ =	shalt  }
0x6c: {  	_ =	shalt  }
0x6d: {  	_ =	shalt  }
0x6e: {  	_ =	shalt  }
0x6f: {  	_ =	shalt  }
0x70: {  	_ =	shalt  }
0x71: {  	_ =	shalt  }
0x72: {  	_ =	shalt  }
0x73: {  	_ =	shalt  }
0x74: {  	_ =	shalt  }
0x75: {  	_ =	shalt  }
0x76: {  	_ =	shalt  }
0x77: {  	_ =	shalt  }
0x78: {  	_ =	shalt  }
0x79: {  	_ =	shalt  }
0x7a: {  	_ =	shalt  }
0x7b: {  	_ =	shalt  }
0x7c: {  	_ =	shalt  }
0x7d: {  	_ =	shalt  }
0x7e: {  	_ =	shalt  }
0x7f: {  	_ =	shalt  }
0x80: {  	_ =	shalt  }
0x81: {  	_ =	shalt  }
0x82: {  	_ =	shalt  }
0x83: {  	_ =	shalt  }
0x84: {  	_ =	shalt  }
0x85: {  	_ =	shalt  }
0x86: {  	_ =	shalt  }
0x87: {  	_ =	shalt  }
.Lfunc_end0:
.L_simem_size_0:
called_computation.2_lowered:
.L_overlay_start_0:
0x88: {  	s2 =	sld [smem:$0x3FD9]  }
0x89: {  	s3 =	sld [smem:$0x3FFE];
	_ =	sdelay $0x1  }
0x8a: {  	s1 =	srdreg.scid  }
0x8b: {  	s0 =	sand.u32 $0x1, s1  }
0x8c: {  	s17 =	sshll.u32 s0, $0xA;
	s2 =	sadd.s32 s3, s2  }
0x8d: {  	s2 =	sadd.s32 s2, s17  }
0x8e: {  	[smem:$0x3FC4] =	sst s2  }
0x8f: {  	_ = 	snop  }
0x90: {  	s2 =	sld [smem:$0x3FD0];
	(tm) =	ssettm $0x1  }
0x91: {  	s18 =	sld [smem:$0x3FFB];
	_ =	sdelay $0x3  }
0x92: {  	_ =	strace s18  }
0x93: {  	s3 =	sld [smem:$0x3FFC];
	_ =	sdelay $0x3  }
0x94: {  	_ =	strace s3  }
0x95: {  	s3 =	sld [smem:$0x3FFD];
	_ =	sdelay $0x3  }
0x96: {  	_ =	strace s3  }
0x97: {  	_ =	strace $0x8FFFFFFF  }
0x98: {  	s19 =	sld [smem:$0x3FDB];
	_ =	sdelay $0x1  }
0x99: {  	s4 =	simm.s32 $_scs_section_size  }
0x9a: {  	s5 =	simm.s32 $_size__tile_overlayer_lowered;
	s6 =	simm.s32 $_tile_overlayer_lowered  }
0x9b: {  	s22 =	simm.s32 $0x1BFF;
	s21 =	sshll.u32 s6, $0x1;
	s3 =	sadd.s32 s4, s19  }
0x9c: {  	s7 =	simm.s32 $0x0;
	s20 =	sshll.u32 s5, $0x1;
	s5 =	sadd.s32 s21, s3  }
0x9d: {  	[timem:s7], [sflag:s22] =	dma.local [hbm:s5], s20  }
0x9e: {  	_ =	swait.ge [sflag:s22], s20  }
0x9f: {  	s4 =	ssub.s32 $0x0, s20;
	[sflag:s22] =	ssyncset.done $0x0  }
0xa0: {  	[sflag:s22] =	ssyncadd.s32 s4;
	_ =	sdelay $0x1  }
0xa1: {  	s23 =	simm.s32 $0x1B8B  }
0xa2: {  	_ =	swait.ge [sflag:s23], $0x1  }
0xa3: {  	[sflag:s23] =	ssyncset.done $0x0  }
0xa4: {  	s25 =	simm.s32 $0x1B8E;
	s24 =	sld [smem:$0x3FFE];
	[sflag:s23] =	ssyncadd.s32 $0xFFFFFFFF  }
0xa5: {  	s26 =	simm.s32 $execute0_lowered;
	[smem:$0x3FD2] =	sst s25  }
0xa6: {  	s5 =	sshll.u32 s26, $0x1;
	_ =	strace $0x8000004C;
	[dreg:$0x1] =	wrdreg $0xFFFFFFFF  }
0xa7: {  	s28 =	simm.s32 $_size_execute0_lowered;
	s3 =	sadd.s32 s3, s5;
	[dreg:$0x0] =	wrdreg $0x0  }
0xa8: {  	s5 =	sshll.u32 s28, $0x1;
	[dreg:$0x2] =	wrdreg s3  }
0xa9: {  	[dreg:$0x3] =	wrdreg s5  }
0xaa: {  	[dreg:$0x4] =	wrdreg $0xC0  }
0xab: {  	_ =	task [dreg:s7], $0x5FFFF  }
0xac: {  	[dreg:$0x1] =	wrdreg $0xFFFFFFFF  }
0xad: {  	[dreg:$0x0] =	wrdreg $0x60  }
0xae: {  	[dreg:$0x2] =	wrdreg s24  }
0xaf: {  	[dreg:$0x3] =	wrdreg s2  }
0xb0: {  	[dreg:$0x4] =	wrdreg $0x9  }
0xb1: {  	_ =	task.clear_ibuf [dreg:s7], $0x5FFFF;
	_ =	strace $0x9000004C  }
0xb2: {  	s29 =	simm.s32 $0x9;
	_ =	strace $0x8000004E  }
0xb3: {  	_ =	swait.ge [sflag:s29], $0x1  }
0xb4: {  	[sflag:s29] =	ssyncadd.s32 $0xFFFFFFFF  }
0xb5: {  	_ =	strace $0x9000004E  }
0xb6: {  	_ =	sfence  }
0xb7: {  	s30 =	sld [smem:$0x0];
	_ =	sdelay $0x2  }
0xb8: {  	s31 =	sshll.u32 s1, $0xD;
	s1 =	sshrl.u32 s1, $0x2  }
0xb9: {  	s3 =	sand.u32 $0x4000, s31;
	s1 =	sadd.s32 s1, s30  }
0xba: {  	s0 =	sor.u32 s3, s0;
	s1 =	sshll.u32 s1, $0x11  }
0xbb: {  	s0 =	sor.u32 s1, s0  }
0xbc: {  	s0 =	sadd.s32 $0x8F2B, s0  }
0xbd: {  	[sflag:s0] =	ssyncadd.remote.s32 $0x1  }
0xbe: {  	_ =	sfence.sel $0xFFFF  }
0xbf: {  	[dreg:$0x0] =	wrdreg $0xFFFFFFFF;
	(pc) =	sbr.abs _section_cstart, $3  }
0xc0: {  	[dreg:$0x1] =	wrdreg $0xFFFFFFFF  }
0xc1: {  	_ =	task.clear_ibuf [dreg:s7], $0x2FFFF;
	_ =	strace $0x9FFFFFFF  }
0xc2: {  	(tm) =	ssettm $0x7FFFFFFF  }
0xc3: {  	_ =	shalt  }
tec
execute0_lowered:
.L_overlay_start_1:
0x0: {  	(tag) =	ssettag $0x1  }
0x1: {  	s0 =	rddreg [dreg:$0x0]  }
0x2: {  	s5 =	rddreg [dreg:$0x1];
	s3 =	srdreg.scid  }
0x3: {  	s2 =	simm.s32 $0x0;
	s1 =	stileid.u32;
	s26 =	simm.s32 $0x880  }
0x4: {  	s10 =	simm.s32 $0x1880;
	s11 =	simm.s32 $0x2080;
	s12 =	simm.s32 $0x2880  }
0x5: {  	s13 =	simm.s32 $0x3080;
	s14 =	simm.s32 $0x3880;
	s15 =	simm.s32 $0x4080  }
0x6: {  	s16 =	simm.s32 $0x4880;
	s17 =	simm.s32 $0x5080;
	s18 =	simm.s32 $0x5880  }
0x7: {  	s19 =	simm.s32 $0x6080;
	s20 =	simm.s32 $0x6880;
	s21 =	simm.s32 $0x7080  }
0x8: {  	s22 =	simm.s32 $0x7880;
	s28 =	simm.s32 $0xA080;
	s29 =	simm.s32 $0xA880  }
0x9: {  	s30 =	simm.s32 $0xB080;
	s31 =	simm.s32 $0xB880;
	s3 =	sand.u32 $0x1, s3  }
0xa: {  	[smem:$0x7FF] =	sst s2;
	s4 =	sshll.u32 s1, $0x4;
	s6 =	sshll.u32 s3, $0x3  }
0xb: {  	_ =	strace $0x8000004D;
	s23 =	ssub.s32 $0x2, s3;
	s3 =	sadd.s32 $0x400, s0  }
0xc: {  	[dreg:$0x5] =	wrdreg s26;
	s26 =	simm.s32 $0x9880;
	s4 =	sor.u32 s6, s4  }
0xd: {  	s8 =	sshrl.u32 s23, $0x1;
	s7 =	sadd.s32 s4, s0;
	s9 =	smul.u32 $0x300, s4  }
0xe: {  	s6 =	ssub.s32 s23, s8;
	s4 =	sadd.s32 $0x500, s0;
	s8 =	simm.s32 $0x80  }
0xf: {  	s23 =	simm.s32 $0x8080;
	s24 =	sadd.s32 $0x200, s7;
	s6 =	smax.u32 s6, $0x1  }
0x10: {  	v2 =	vlaneseq.u32;
	s7 =	simm.s32 $0x2;
	[dreg:$0x3] =	wrdreg s24;
	s25 =	sadd.s32 s5, s9  }
0x11: {  	vm0 =	vmmov $0xffff;
	v1 =	vshrl.u32 v2, $0x3;
	s5 =	sadd.s32 $0x600, s0;
	s9 =	simm.s32 $0x1080;
	s24 =	simm.s32 $0x8880  }
0x12: {  	v0 =	vand.u32 $0x7, v2;
	v2 =	vor.u32 $0x8, v2;
	v1 =	vmul.u32 $0x8, v1;
	s0 =	simm.s32 $0x1;
	[dreg:$0x4] =	wrdreg s25;
	s25 =	simm.s32 $0x9080  }
.LBB2_1:
0x13: {  	s1 =	rddreg [dreg:$0x3]  }
0x14: {  	[tilespmem:s2], [sflag:$0x2] =	stream.linear.gather [hbm4b:s1+s2], $0x40, $0x38;
	[tilespmem:$0xC080] =	vst v63  }
0x15: {  	_ =	swait.ge [sflag:s7], $0x40  }
0x16: {  	[sflag:s7] =	ssyncset.done $0x0  }
0x17: {  	[sflag:s7] =	ssyncadd.s32 $0xFFFFFFC0  }
0x18: {  	v3 =	vld [tilespmem:$0x0];
	_ =	sdelay $0x4  }
0x19: {  	v4 =	vshrl.u32 v3, $0x3  }
0x1a: {  	v4 =	vmul.u32 $0x30, v4  }
0x1b: {  	v3 =	vand.u32 $0x7, v3  }
0x1c: {  	v3 =	vor.u32 v3, v4  }
0x1d: {  	v4 =	vperm.xlane v3, v0;
	_ =	sdelay $0x1  }
0x1e: {  	v4 =	vadd.s32 v1, v4;
	_ =	sdelay $0x3  }
0x1f: {  	v3 =	vperm.xlane v3, v2  }
0x20: {  	[tilespmem:s8], [sflag:$0x1] =	stream.indirect_vreg.gather [hbm4b:s3+s2], $0x80, v4, vm0, $0xb8;
	[tilespmem:$0xC080] =	vst v63  }
0x21: {  	s1 =	rddreg [dreg:$0x5];
	v3 =	vadd.s32 v1, v3  }
0x22: {  	[tilespmem:s1], [sflag:$0x1] =	stream.indirect_vreg.gather [hbm4b:s4+s2], $0x80, v4, vm0, $0xb8;
	[tilespmem:$0xC080] =	vst v63  }
0x23: {  	_ = 	snop  }
0x24: {  	[tilespmem:s9], [sflag:$0x1] =	stream.indirect_vreg.gather [hbm4b:s5+s2], $0x80, v4, vm0, $0xb8;
	[tilespmem:$0xC080] =	vst v63  }
0x25: {  	_ = 	snop  }
0x26: {  	[tilespmem:s10], [sflag:$0x1] =	stream.indirect_vreg.gather [hbm4b:s3+s2], $0x80, v3, vm0, $0xb8;
	[tilespmem:$0xC080] =	vst v63  }
0x27: {  	_ = 	snop  }
0x28: {  	[tilespmem:s11], [sflag:$0x1] =	stream.indirect_vreg.gather [hbm4b:s4+s2], $0x80, v3, vm0, $0xb8;
	[tilespmem:$0xC080] =	vst v63  }
0x29: {  	_ = 	snop  }
0x2a: {  	[tilespmem:s12], [sflag:$0x1] =	stream.indirect_vreg.gather [hbm4b:s5+s2], $0x80, v3, vm0, $0xb8;
	[tilespmem:$0xC080] =	vst v63  }
0x2b: {  	v3 =	vld [tilespmem:$0x10];
	_ =	sdelay $0x4  }
0x2c: {  	v61 =	vshrl.u32 v3, $0x3  }
0x2d: {  	v4 =	vmul.u32 $0x30, v61  }
0x2e: {  	v3 =	vand.u32 $0x7, v3  }
0x2f: {  	v3 =	vor.u32 v3, v4  }
0x30: {  	v4 =	vperm.xlane v3, v0;
	_ =	sdelay $0x1  }
0x31: {  	v4 =	vadd.s32 v1, v4;
	_ =	sdelay $0x3  }
0x32: {  	v3 =	vperm.xlane v3, v2  }
0x33: {  	[tilespmem:s13], [sflag:$0x1] =	stream.indirect_vreg.gather [hbm4b:s3+s2], $0x80, v4, vm0, $0xb8;
	[tilespmem:$0xC080] =	vst v63  }
0x34: {  	v3 =	vadd.s32 v1, v3  }
0x35: {  	[tilespmem:s14], [sflag:$0x1] =	stream.indirect_vreg.gather [hbm4b:s4+s2], $0x80, v4, vm0, $0xb8;
	[tilespmem:$0xC080] =	vst v63  }
0x36: {  	_ = 	snop  }
0x37: {  	[tilespmem:s15], [sflag:$0x1] =	stream.indirect_vreg.gather [hbm4b:s5+s2], $0x80, v4, vm0, $0xb8;
	[tilespmem:$0xC080] =	vst v63  }
0x38: {  	_ = 	snop  }
0x39: {  	[tilespmem:s16], [sflag:$0x1] =	stream.indirect_vreg.gather [hbm4b:s3+s2], $0x80, v3, vm0, $0xb8;
	[tilespmem:$0xC080] =	vst v63  }
0x3a: {  	_ = 	snop  }
0x3b: {  	[tilespmem:s17], [sflag:$0x1] =	stream.indirect_vreg.gather [hbm4b:s4+s2], $0x80, v3, vm0, $0xb8;
	[tilespmem:$0xC080] =	vst v63  }
0x3c: {  	_ = 	snop  }
0x3d: {  	[tilespmem:s18], [sflag:$0x1] =	stream.indirect_vreg.gather [hbm4b:s5+s2], $0x80, v3, vm0, $0xb8;
	[tilespmem:$0xC080] =	vst v63  }
0x3e: {  	v3 =	vld [tilespmem:$0x20];
	_ =	sdelay $0x4  }
0x3f: {  	v62 =	vshrl.u32 v3, $0x3  }
0x40: {  	v4 =	vmul.u32 $0x30, v62  }
0x41: {  	v3 =	vand.u32 $0x7, v3  }
0x42: {  	v3 =	vor.u32 v3, v4  }
0x43: {  	v4 =	vperm.xlane v3, v0;
	_ =	sdelay $0x1  }
0x44: {  	v4 =	vadd.s32 v1, v4;
	_ =	sdelay $0x3  }
0x45: {  	v3 =	vperm.xlane v3, v2  }
0x46: {  	[tilespmem:s19], [sflag:$0x1] =	stream.indirect_vreg.gather [hbm4b:s3+s2], $0x80, v4, vm0, $0xb8;
	[tilespmem:$0xC080] =	vst v63  }
0x47: {  	v3 =	vadd.s32 v1, v3  }
0x48: {  	[tilespmem:s20], [sflag:$0x1] =	stream.indirect_vreg.gather [hbm4b:s4+s2], $0x80, v4, vm0, $0xb8;
	[tilespmem:$0xC080] =	vst v63  }
0x49: {  	_ = 	snop  }
0x4a: {  	[tilespmem:s21], [sflag:$0x1] =	stream.indirect_vreg.gather [hbm4b:s5+s2], $0x80, v4, vm0, $0xb8;
	[tilespmem:$0xC080] =	vst v63  }
0x4b: {  	_ = 	snop  }
0x4c: {  	[tilespmem:s22], [sflag:$0x1] =	stream.indirect_vreg.gather [hbm4b:s3+s2], $0x80, v3, vm0, $0xb8;
	[tilespmem:$0xC080] =	vst v63  }
0x4d: {  	_ = 	snop  }
0x4e: {  	[tilespmem:s23], [sflag:$0x1] =	stream.indirect_vreg.gather [hbm4b:s4+s2], $0x80, v3, vm0, $0xb8;
	[tilespmem:$0xC080] =	vst v63  }
0x4f: {  	_ = 	snop  }
0x50: {  	[tilespmem:s24], [sflag:$0x1] =	stream.indirect_vreg.gather [hbm4b:s5+s2], $0x80, v3, vm0, $0xb8;
	[tilespmem:$0xC080] =	vst v63  }
0x51: {  	v3 =	vld [tilespmem:$0x30];
	_ =	sdelay $0x4  }
0x52: {  	v63 =	vshrl.u32 v3, $0x3  }
0x53: {  	v4 =	vmul.u32 $0x30, v63  }
0x54: {  	v3 =	vand.u32 $0x7, v3  }
0x55: {  	v3 =	vor.u32 v3, v4  }
0x56: {  	v4 =	vperm.xlane v3, v0;
	_ =	sdelay $0x1  }
0x57: {  	v4 =	vadd.s32 v1, v4;
	_ =	sdelay $0x3  }
0x58: {  	v3 =	vperm.xlane v3, v2  }
0x59: {  	[tilespmem:s25], [sflag:$0x1] =	stream.indirect_vreg.gather [hbm4b:s3+s2], $0x80, v4, vm0, $0xb8;
	[tilespmem:$0xC080] =	vst v63  }
0x5a: {  	v3 =	vadd.s32 v1, v3  }
0x5b: {  	[tilespmem:s26], [sflag:$0x1] =	stream.indirect_vreg.gather [hbm4b:s4+s2], $0x80, v4, vm0, $0xb8;
	[tilespmem:$0xC080] =	vst v63  }
0x5c: {  	_ = 	snop  }
0x5d: {  	[tilespmem:s28], [sflag:$0x1] =	stream.indirect_vreg.gather [hbm4b:s5+s2], $0x80, v4, vm0, $0xb8;
	[tilespmem:$0xC080] =	vst v63  }
0x5e: {  	_ = 	snop  }
0x5f: {  	[tilespmem:s29], [sflag:$0x1] =	stream.indirect_vreg.gather [hbm4b:s3+s2], $0x80, v3, vm0, $0xb8;
	[tilespmem:$0xC080] =	vst v63  }
0x60: {  	_ = 	snop  }
0x61: {  	[tilespmem:s30], [sflag:$0x1] =	stream.indirect_vreg.gather [hbm4b:s4+s2], $0x80, v3, vm0, $0xb8;
	[tilespmem:$0xC080] =	vst v63  }
0x62: {  	_ = 	snop  }
0x63: {  	[tilespmem:s31], [sflag:$0x1] =	stream.indirect_vreg.gather [hbm4b:s5+s2], $0x80, v3, vm0, $0xb8;
	[tilespmem:$0xC080] =	vst v63  }
0x64: {  	_ =	swait.ge [sflag:s0], $0xC000  }
0x65: {  	p0 =	sne.s32 s6, $0x1;
	[sflag:s0] =	ssyncset.done $0x0  }
.Ltmp0:
0x66: {  	s1 =	rddreg [dreg:$0x4];
	[sflag:s0] =	ssyncadd.s32 $0xFFFF4000;
	(pc) =	sbr.rel @p0 .LBB2_1-.Ltmp0, $4  }
0x67: {  	[hbm4b:s1+s2] =	stream.linear.scatter [tilespmem:s8], [sflag:$0x2], $0xC000, $0x38;
	[tilespmem:$0xC080] =	vst v63  }
0x68: {  	_ =	swait.ge [sflag:s7], $0xC000  }
0x69: {  	[sflag:s7] =	ssyncset.done $0x0  }
0x6a: {  	s6 =	sadd.s32 $0xFFFFFFFF, s6;
	[sflag:s7] =	ssyncadd.s32 $0xFFFF4000  }
0x6b: {  	_ =	sfence.sel $0x180000  }
0x6c: {  	[bflag:$0x0] =	sbarrier.arrive $0xFFFF  }
0x6d: {  	_ =	strace $0x9000004D  }
0x6e: {  	s0 =	stileid.u32;
	[bflag:$0x2] =	sbarrier.arrive $0xFFFF  }
0x6f: {  	p0 =	sne.s32 s0, $0x0;
	s0 =	rddreg [dreg:$0x2]  }
0x70: {  	s0 =	sadd.s32 @!p0 $0x100000, s0  }
0x71: {  	[sflag:s0] =	ssyncadd.tile.s32 @!p0 $0x1;
	_ =	shalt  }
.Lfunc_end2:
_tile_overlayer_lowered:
.L_overlay_start_2:
0x72: {  	(tag) =	ssettag $0x2  }
0x73: {  	s0 =	rddreg [dreg:$0x0];
	s2 =	stileid.u32  }
0x74: {  	s1 =	rddreg [dreg:$0x1];
	p0 =	sne.s32 s2, $0x0  }
0x75: {  	s3 =	rddreg [dreg:$0x2];
	[bflag:$0x3] =	sbarrier.arrive $0xFFFF;
	s2 =	simm.s32 @!p0 $0x1C02  }
0x76: {  	[timem:s3], [sflag:s2] =	dma.local @!p0 [hbm:s0], s1  }
0x77: {  	s0 =	simm.s32 @!p0 $0x2  }
0x78: {  	_ =	swait.ge @!p0 [sflag:s0], s1  }
0x79: {  	s1 =	ssub.s32 @!p0 $0x0, s1;
	[sflag:s0] =	ssyncset.done @!p0 $0x0  }
0x7a: {  	[sflag:s0] =	ssyncadd.s32 @!p0 s1  }
0x7b: {  	[bflag:$0x3] =	sbarrier.arrive $0xFFFF  }
0x7c: {  	_ =	shalt  }

// kernel: kernel.6.cloned.1.call-start
scs
__scs_entry_jumppad:
0x0: {  	(pc) =	sbr.rel $0x88, $3  }
0x1: {  	(tag) =	ssettag $0x0;
	lr =	simm.s32 $0x1  }
0x2: {  	[smem:$0x3F9D] =	sst lr;
	_ =	strace $0xD0000000  }
0x3: {  	_ = 	snop  }
0x4: {  	_ = 	snop  }
0x5: {  	_ = 	snop  }
0x6: {  	_ = 	snop  }
0x7: {  	_ = 	snop  }
__scs_overlays_trampoline_lowered:
0x8: {  	[smem:$0x3FAC] =	sst s0  }
0x9: {  	[smem:$0x3FAD] =	sst s1  }
0xa: {  	[smem:$0x3FAE] =	sst s2  }
0xb: {  	[smem:$0x3FAF] =	sst s3  }
0xc: {  	[smem:$0x3FB0] =	sst s4  }
0xd: {  	[smem:$0x3FB1] =	sst s5  }
0xe: {  	[smem:$0x3FB2] =	sst s6  }
0xf: {  	[smem:$0x3FB3] =	sst s7  }
0x10: {  	[smem:$0x3FB4] =	sst s8  }
0x11: {  	[smem:$0x3FB5] =	sst s9;
	s0 =	simm.s32 @!p0 $0x0  }
0x12: {  	s1 =	sld [smem:$0x3F9B];
	s0 =	simm.s32 @p0 $0x1  }
0x13: {  	[smem:$0x3FB6] =	sst s0;
	s0 =	simm.s32 @!p1 $0x0  }
0x14: {  	s2 =	sld [smem:$0x3F9A];
	s0 =	simm.s32 @p1 $0x1  }
0x15: {  	[smem:$0x3FB7] =	sst s0;
	s0 =	simm.s32 @!p2 $0x0  }
0x16: {  	s3 =	sld [smem:$0x3FDB];
	s0 =	simm.s32 @p2 $0x1  }
0x17: {  	s4 =	simm.s32 $0x1BF5;
	[smem:$0x3FB9] =	sst s0  }
0x18: {  	s0 =	sld [smem:$0x3F9C];
	_ =	swait.ge [sflag:s4], $0x0  }
0x19: {  	s7 =	sld [smem:$0x3F9D]  }
0x1a: {  	s8 =	sadd.s32 $0xFFFFE003, lr  }
0x1b: {  	s9 =	sadd.s32 $0xFFFFFEF7, lr;
	s5 =	simm.s32 $0xFFFFFFFF;
	p2 =	slt.u32 s8, $0xFFFFF086  }
0x1c: {  	p1 =	slt.u32 s9, $0xF7A;
	s5 =	simm.s32 @!p2 $0x0  }
0x1d: {  	s5 =	simm.s32 @p1 $0x1;
	p0 =	seq.s32 s7, s2  }
0x1e: {  	s7 =	smul.u32 @!p0 $0xF7A, s2;
	p2 =	seq.s32 @!p0 s5, $0x0  }
0x1f: {  	s9 =	smul.u32 $0xF7A, s1;
	s8 =	simm.s32 @!p0 $0x1BF5;
	p2 =	por !p2, p0  }
0x20: {  	[sflag:s8] =	ssyncset.s32 @!p0 $0xFFFFF086;
	s6 =	sadd.s32 @!p0 s3, s7;
	s7 =	simm.s32 @!p0 $0x108  }
0x21: {  	s3 =	sadd.s32 s3, s9;
	s6 =	sadd.s32 @!p0 $0x88, s6;
	s7 =	simm.s32 @p2 $0x1082  }
0x22: {  	[simem:s7], [sflag:s8] =	dma.local @!p0 [hbm:s6], $0xF7A  }
0x23: {  	s9 =	sor.u32 $0xD0000000, s2;
	s6 =	simm.s32 $0x108;
	_ =	swait.ge @!p0 [sflag:s8], $0x0  }
0x24: {  	s3 =	sadd.s32 $0x88, s3;
	s6 =	simm.s32 @!p1 $0x1082;
	[sflag:s4] =	ssyncset.s32 $0xFFFFF086  }
0x25: {  	[simem:s6], [sflag:s4] =	dma.local [hbm:s3], $0xF7A  }
0x26: {  	[smem:$0x3F9D] =	sst s1;
	(tag) =	ssettag s2;
	_ =	strace s9  }
0x27: {  	s1 =	sld [smem:$0x3FAD]  }
0x28: {  	s2 =	sld [smem:$0x3FAE]  }
0x29: {  	s4 =	sld [smem:$0x3FB0]  }
0x2a: {  	p0 =	seq.s32 s5, $0x0;
	s5 =	sld [smem:$0x3FB1]  }
0x2b: {  	s6 =	sld [smem:$0x3FB2]  }
0x2c: {  	s7 =	sld [smem:$0x3FB3]  }
0x2d: {  	s3 =	simm.s32 $0x108;
	s8 =	sld [smem:$0x3FB4]  }
0x2e: {  	s3 =	simm.s32 @!p0 $0x1082;
	s9 =	sld [smem:$0x3FB5]  }
0x2f: {  	lr =	sadd.s32 s0, s3;
	s0 =	sld [smem:$0x3FAC]  }
0x30: {  	s3 =	sld [smem:$0x3FAF]  }
0x31: {  	[smem:$0x3FB8] =	sst s10  }
0x32: {  	s10 =	sld [smem:$0x3FB6];
	_ =	sdelay $0x3  }
0x33: {  	p0 =	seq.s32 s10, $0x1;
	s10 =	sld [smem:$0x3FB8];
	_ =	sdelay $0x3  }
0x34: {  	[smem:$0x3FB8] =	sst s10  }
0x35: {  	s10 =	sld [smem:$0x3FB7];
	_ =	sdelay $0x3  }
0x36: {  	p1 =	seq.s32 s10, $0x1;
	s10 =	sld [smem:$0x3FB8];
	_ =	sdelay $0x3  }
0x37: {  	[smem:$0x3FB8] =	sst s10  }
0x38: {  	s10 =	sld [smem:$0x3FB9]  }
0x39: {  	_ = 	snop;
	(pc) =	sbr.ind lr, $3  }
0x3a: {  	_ = 	snop  }
0x3b: {  	_ = 	snop  }
0x3c: {  	p2 =	seq.s32 s10, $0x1;
	s10 =	sld [smem:$0x3FB8]  }
0x3d: {  	_ =	shalt  }
0x3e: {  	_ =	shalt  }
0x3f: {  	_ =	shalt  }
0x40: {  	_ =	shalt  }
0x41: {  	_ =	shalt  }
0x42: {  	_ =	shalt  }
0x43: {  	_ =	shalt  }
0x44: {  	_ =	shalt  }
0x45: {  	_ =	shalt  }
0x46: {  	_ =	shalt  }
0x47: {  	_ =	shalt  }
0x48: {  	_ =	shalt  }
0x49: {  	_ =	shalt  }
0x4a: {  	_ =	shalt  }
0x4b: {  	_ =	shalt  }
0x4c: {  	_ =	shalt  }
0x4d: {  	_ =	shalt  }
0x4e: {  	_ =	shalt  }
0x4f: {  	_ =	shalt  }
0x50: {  	_ =	shalt  }
0x51: {  	_ =	shalt  }
0x52: {  	_ =	shalt  }
0x53: {  	_ =	shalt  }
0x54: {  	_ =	shalt  }
0x55: {  	_ =	shalt  }
0x56: {  	_ =	shalt  }
0x57: {  	_ =	shalt  }
0x58: {  	_ =	shalt  }
0x59: {  	_ =	shalt  }
0x5a: {  	_ =	shalt  }
0x5b: {  	_ =	shalt  }
0x5c: {  	_ =	shalt  }
0x5d: {  	_ =	shalt  }
0x5e: {  	_ =	shalt  }
0x5f: {  	_ =	shalt  }
0x60: {  	_ =	shalt  }
0x61: {  	_ =	shalt  }
0x62: {  	_ =	shalt  }
0x63: {  	_ =	shalt  }
0x64: {  	_ =	shalt  }
0x65: {  	_ =	shalt  }
0x66: {  	_ =	shalt  }
0x67: {  	_ =	shalt  }
0x68: {  	_ =	shalt  }
0x69: {  	_ =	shalt  }
0x6a: {  	_ =	shalt  }
0x6b: {  	_ =	shalt  }
0x6c: {  	_ =	shalt  }
0x6d: {  	_ =	shalt  }
0x6e: {  	_ =	shalt  }
0x6f: {  	_ =	shalt  }
0x70: {  	_ =	shalt  }
0x71: {  	_ =	shalt  }
0x72: {  	_ =	shalt  }
0x73: {  	_ =	shalt  }
0x74: {  	_ =	shalt  }
0x75: {  	_ =	shalt  }
0x76: {  	_ =	shalt  }
0x77: {  	_ =	shalt  }
0x78: {  	_ =	shalt  }
0x79: {  	_ =	shalt  }
0x7a: {  	_ =	shalt  }
0x7b: {  	_ =	shalt  }
0x7c: {  	_ =	shalt  }
0x7d: {  	_ =	shalt  }
0x7e: {  	_ =	shalt  }
0x7f: {  	_ =	shalt  }
0x80: {  	_ =	shalt  }
0x81: {  	_ =	shalt  }
0x82: {  	_ =	shalt  }
0x83: {  	_ =	shalt  }
0x84: {  	_ =	shalt  }
0x85: {  	_ =	shalt  }
0x86: {  	_ =	shalt  }
0x87: {  	_ =	shalt  }
.Lfunc_end0:
.L_simem_size_0:
called_computation_lowered:
.L_overlay_start_0:
0x88: {  	s2 =	sld [smem:$0x3FD9]  }
0x89: {  	s3 =	sld [smem:$0x3FFE];
	_ =	sdelay $0x1  }
0x8a: {  	s1 =	srdreg.scid  }
0x8b: {  	s0 =	sand.u32 $0x1, s1  }
0x8c: {  	s17 =	sshll.u32 s0, $0xA;
	s2 =	sadd.s32 s3, s2  }
0x8d: {  	s2 =	sadd.s32 s2, s17  }
0x8e: {  	[smem:$0x3FC4] =	sst s2  }
0x8f: {  	_ = 	snop  }
0x90: {  	s2 =	sld [smem:$0x3FC8];
	(tm) =	ssettm $0x1  }
0x91: {  	s18 =	sld [smem:$0x3FFB];
	_ =	sdelay $0x3  }
0x92: {  	_ =	strace s18  }
0x93: {  	s3 =	sld [smem:$0x3FFC];
	_ =	sdelay $0x3  }
0x94: {  	_ =	strace s3  }
0x95: {  	s3 =	sld [smem:$0x3FFD];
	_ =	sdelay $0x3  }
0x96: {  	_ =	strace s3  }
0x97: {  	_ =	strace $0x8FFFFFFF  }
0x98: {  	s19 =	sld [smem:$0x3FDB];
	_ =	sdelay $0x1  }
0x99: {  	s4 =	simm.s32 $_scs_section_size  }
0x9a: {  	s5 =	simm.s32 $_size__tile_overlayer_lowered;
	s6 =	simm.s32 $_tile_overlayer_lowered  }
0x9b: {  	s22 =	simm.s32 $0x1BFF;
	s21 =	sshll.u32 s6, $0x1;
	s3 =	sadd.s32 s4, s19  }
0x9c: {  	s7 =	simm.s32 $0x0;
	s20 =	sshll.u32 s5, $0x1;
	s5 =	sadd.s32 s21, s3  }
0x9d: {  	[timem:s7], [sflag:s22] =	dma.local [hbm:s5], s20  }
0x9e: {  	_ =	swait.ge [sflag:s22], s20  }
0x9f: {  	s4 =	ssub.s32 $0x0, s20;
	[sflag:s22] =	ssyncset.done $0x0  }
0xa0: {  	[sflag:s22] =	ssyncadd.s32 s4;
	_ =	sdelay $0x1  }
0xa1: {  	s23 =	simm.s32 $0x1B8B  }
0xa2: {  	_ =	swait.ge [sflag:s23], $0x1  }
0xa3: {  	[sflag:s23] =	ssyncset.done $0x0  }
0xa4: {  	s25 =	simm.s32 $0x1B8E;
	s24 =	sld [smem:$0x3FFE];
	[sflag:s23] =	ssyncadd.s32 $0xFFFFFFFF  }
0xa5: {  	s26 =	simm.s32 $execute0_lowered;
	[smem:$0x3FD2] =	sst s25  }
0xa6: {  	s5 =	sshll.u32 s26, $0x1;
	_ =	strace $0x80000046;
	[dreg:$0x1] =	wrdreg $0xFFFFFFFF  }
0xa7: {  	s28 =	simm.s32 $_size_execute0_lowered;
	s3 =	sadd.s32 s3, s5;
	[dreg:$0x0] =	wrdreg $0x0  }
0xa8: {  	s5 =	sshll.u32 s28, $0x1;
	[dreg:$0x2] =	wrdreg s3  }
0xa9: {  	[dreg:$0x3] =	wrdreg s5  }
0xaa: {  	[dreg:$0x4] =	wrdreg $0xC0  }
0xab: {  	_ =	task [dreg:s7], $0x5FFFF  }
0xac: {  	[dreg:$0x1] =	wrdreg $0xFFFFFFFF  }
0xad: {  	[dreg:$0x0] =	wrdreg $0x60  }
0xae: {  	[dreg:$0x2] =	wrdreg s2  }
0xaf: {  	[dreg:$0x3] =	wrdreg s24  }
0xb0: {  	[dreg:$0x4] =	wrdreg $0x9  }
0xb1: {  	_ =	task.clear_ibuf [dreg:s7], $0x5FFFF;
	_ =	strace $0x90000046  }
0xb2: {  	s29 =	simm.s32 $0x9;
	_ =	strace $0x80000048  }
0xb3: {  	_ =	swait.ge [sflag:s29], $0x1  }
0xb4: {  	[sflag:s29] =	ssyncadd.s32 $0xFFFFFFFF  }
0xb5: {  	_ =	strace $0x90000048  }
0xb6: {  	_ =	sfence  }
0xb7: {  	s30 =	sld [smem:$0x0];
	_ =	sdelay $0x2  }
0xb8: {  	s31 =	sshll.u32 s1, $0xD;
	s1 =	sshrl.u32 s1, $0x2  }
0xb9: {  	s3 =	sand.u32 $0x4000, s31;
	s1 =	sadd.s32 s1, s30  }
0xba: {  	s0 =	sor.u32 s3, s0;
	s1 =	sshll.u32 s1, $0x11  }
0xbb: {  	s0 =	sor.u32 s1, s0  }
0xbc: {  	s0 =	sadd.s32 $0x8F2B, s0  }
0xbd: {  	[sflag:s0] =	ssyncadd.remote.s32 $0x1  }
0xbe: {  	_ =	sfence.sel $0xFFFF  }
0xbf: {  	[dreg:$0x0] =	wrdreg $0xFFFFFFFF;
	(pc) =	sbr.abs _section_cstart, $3  }
0xc0: {  	[dreg:$0x1] =	wrdreg $0xFFFFFFFF  }
0xc1: {  	_ =	task.clear_ibuf [dreg:s7], $0x2FFFF;
	_ =	strace $0x9FFFFFFF  }
0xc2: {  	(tm) =	ssettm $0x7FFFFFFF  }
0xc3: {  	_ =	shalt  }
tec
execute0_lowered:
.L_overlay_start_1:
0x0: {  	(tag) =	ssettag $0x1  }
0x1: {  	s3 =	rddreg [dreg:$0x0]  }
0x2: {  	s4 =	rddreg [dreg:$0x1];
	s2 =	srdreg.scid  }
0x3: {  	s0 =	rddreg [dreg:$0x2];
	s1 =	stileid.u32;
	s5 =	sand.u32 $0x1, s2  }
0x4: {  	s2 =	simm.s32 $0x0;
	s7 =	sshll.u32 s1, $0x1;
	s6 =	ssub.s32 $0x2, s5  }
0x5: {  	[smem:$0x7FF] =	sst s2;
	s5 =	sor.u32 s5, s7;
	s7 =	simm.s32 $0x80  }
0x6: {  	s30 =	sshrl.u32 s6, $0x1;
	s31 =	sshll.u32 s5, $0x3;
	s5 =	sshll.u32 s5, $0x4  }
0x7: {  	_ =	strace $0x80000047;
	s6 =	ssub.s32 s6, s30;
	s3 =	sadd.s32 s3, s31  }
0x8: {  	v0 =	vimm.s32 $0x0;
	v1 =	vimm.s32 $0x1;
	s4 =	sadd.s32 s4, s5;
	s5 =	smax.u32 s6, $0x1;
	s6 =	simm.s32 $0x1  }
.LBB2_1:
0x9: {  	[tilespmem:s2], [sflag:$0x1] =	stream.linear.gather [hbm4b:s3+s2], $0x40, $0x38;
	[tilespmem:$0x100] =	vst v63  }
0xa: {  	_ =	swait.ge [sflag:s6], $0x40  }
0xb: {  	[sflag:s6] =	ssyncset.done $0x0  }
0xc: {  	[sflag:s6] =	ssyncadd.s32 $0xFFFFFFC0  }
0xd: {  	v2 =	vld [tilespmem:$0x0];
	_ =	sdelay $0x3  }
0xe: {  	[tilespmem:$0x80] =	vst v0  }
0xf: {  	[tilespmem:$0x90] =	vst v0  }
0x10: {  	[tilespmem:$0xA0] =	vst v0  }
0x11: {  	[tilespmem:$0xB0] =	vst v0  }
0x12: {  	[tilespmem:v2+s7+$0x0] =	vst.idx.add.s32.msk $0xffff, v1  }
0x13: {  	v2 =	vld [tilespmem:$0x10];
	_ =	sdelay $0x7  }
0x14: {  	[tilespmem:v2+s7+$0x0] =	vst.idx.add.s32.msk $0xffff, v1  }
0x15: {  	v2 =	vld [tilespmem:$0x20];
	_ =	sdelay $0x7  }
0x16: {  	[tilespmem:v2+s7+$0x0] =	vst.idx.add.s32.msk $0xffff, v1  }
0x17: {  	v2 =	vld [tilespmem:$0x30];
	_ =	sdelay $0x6  }
0x18: {  	p0 =	sne.s32 s5, $0x1  }
.Ltmp0:
0x19: {  	[tilespmem:v2+s7+$0x0] =	vst.idx.add.s32.msk $0xffff, v1;
	(pc) =	sbr.rel @p0 .LBB2_1-.Ltmp0, $4  }
0x1a: {  	[hbm4b:s4+s2] =	stream.linear.scatter [tilespmem:s7], [sflag:$0x1], $0x80, $0x38;
	[tilespmem:$0x100] =	vst v63  }
0x1b: {  	_ =	swait.ge [sflag:s6], $0x80  }
0x1c: {  	[sflag:s6] =	ssyncset.done $0x0  }
0x1d: {  	s5 =	sadd.s32 $0xFFFFFFFF, s5;
	[sflag:s6] =	ssyncadd.s32 $0xFFFFFF80  }
0x1e: {  	_ =	sfence.sel $0x180000  }
0x1f: {  	[bflag:$0x0] =	sbarrier.arrive $0xFFFF  }
0x20: {  	p0 =	sne.s32 s1, $0x0;
	_ =	strace $0x90000047  }
0x21: {  	s0 =	sadd.s32 @!p0 $0x100000, s0;
	[bflag:$0x2] =	sbarrier.arrive $0xFFFF  }
0x22: {  	[sflag:s0] =	ssyncadd.tile.s32 @!p0 $0x1;
	_ =	shalt  }
.Lfunc_end2:
_tile_overlayer_lowered:
.L_overlay_start_2:
0x23: {  	(tag) =	ssettag $0x2  }
0x24: {  	s0 =	rddreg [dreg:$0x0];
	s2 =	stileid.u32  }
0x25: {  	s1 =	rddreg [dreg:$0x1];
	p0 =	sne.s32 s2, $0x0  }
0x26: {  	s3 =	rddreg [dreg:$0x2];
	[bflag:$0x3] =	sbarrier.arrive $0xFFFF;
	s2 =	simm.s32 @!p0 $0x1C01  }
0x27: {  	[timem:s3], [sflag:s2] =	dma.local @!p0 [hbm:s0], s1  }
0x28: {  	s0 =	simm.s32 @!p0 $0x1  }
0x29: {  	_ =	swait.ge @!p0 [sflag:s0], s1  }
0x2a: {  	s1 =	ssub.s32 @!p0 $0x0, s1;
	[sflag:s0] =	ssyncset.done @!p0 $0x0  }
0x2b: {  	[sflag:s0] =	ssyncadd.s32 @!p0 s1  }
0x2c: {  	[bflag:$0x3] =	sbarrier.arrive $0xFFFF  }
0x2d: {  	_ =	shalt  }

// kernel: kernel.9.cloned.1.call-start
scs
__scs_entry_jumppad:
0x0: {  	(pc) =	sbr.rel $0x88, $3  }
0x1: {  	(tag) =	ssettag $0x0;
	lr =	simm.s32 $0x1  }
0x2: {  	[smem:$0x3F9D] =	sst lr;
	_ =	strace $0xD0000000  }
0x3: {  	_ = 	snop  }
0x4: {  	_ = 	snop  }
0x5: {  	_ = 	snop  }
0x6: {  	_ = 	snop  }
0x7: {  	_ = 	snop  }
__scs_overlays_trampoline_lowered:
0x8: {  	[smem:$0x3FAC] =	sst s0  }
0x9: {  	[smem:$0x3FAD] =	sst s1  }
0xa: {  	[smem:$0x3FAE] =	sst s2  }
0xb: {  	[smem:$0x3FAF] =	sst s3  }
0xc: {  	[smem:$0x3FB0] =	sst s4  }
0xd: {  	[smem:$0x3FB1] =	sst s5  }
0xe: {  	[smem:$0x3FB2] =	sst s6  }
0xf: {  	[smem:$0x3FB3] =	sst s7  }
0x10: {  	[smem:$0x3FB4] =	sst s8  }
0x11: {  	[smem:$0x3FB5] =	sst s9;
	s0 =	simm.s32 @!p0 $0x0  }
0x12: {  	s1 =	sld [smem:$0x3F9B];
	s0 =	simm.s32 @p0 $0x1  }
0x13: {  	[smem:$0x3FB6] =	sst s0;
	s0 =	simm.s32 @!p1 $0x0  }
0x14: {  	s2 =	sld [smem:$0x3F9A];
	s0 =	simm.s32 @p1 $0x1  }
0x15: {  	[smem:$0x3FB7] =	sst s0;
	s0 =	simm.s32 @!p2 $0x0  }
0x16: {  	s3 =	sld [smem:$0x3FDB];
	s0 =	simm.s32 @p2 $0x1  }
0x17: {  	s4 =	simm.s32 $0x1BF5;
	[smem:$0x3FB9] =	sst s0  }
0x18: {  	s0 =	sld [smem:$0x3F9C];
	_ =	swait.ge [sflag:s4], $0x0  }
0x19: {  	s7 =	sld [smem:$0x3F9D]  }
0x1a: {  	s8 =	sadd.s32 $0xFFFFE003, lr  }
0x1b: {  	s9 =	sadd.s32 $0xFFFFFEF7, lr;
	s5 =	simm.s32 $0xFFFFFFFF;
	p2 =	slt.u32 s8, $0xFFFFF086  }
0x1c: {  	p1 =	slt.u32 s9, $0xF7A;
	s5 =	simm.s32 @!p2 $0x0  }
0x1d: {  	s5 =	simm.s32 @p1 $0x1;
	p0 =	seq.s32 s7, s2  }
0x1e: {  	s7 =	smul.u32 @!p0 $0xF7A, s2;
	p2 =	seq.s32 @!p0 s5, $0x0  }
0x1f: {  	s9 =	smul.u32 $0xF7A, s1;
	s8 =	simm.s32 @!p0 $0x1BF5;
	p2 =	por !p2, p0  }
0x20: {  	[sflag:s8] =	ssyncset.s32 @!p0 $0xFFFFF086;
	s6 =	sadd.s32 @!p0 s3, s7;
	s7 =	simm.s32 @!p0 $0x108  }
0x21: {  	s3 =	sadd.s32 s3, s9;
	s6 =	sadd.s32 @!p0 $0x88, s6;
	s7 =	simm.s32 @p2 $0x1082  }
0x22: {  	[simem:s7], [sflag:s8] =	dma.local @!p0 [hbm:s6], $0xF7A  }
0x23: {  	s9 =	sor.u32 $0xD0000000, s2;
	s6 =	simm.s32 $0x108;
	_ =	swait.ge @!p0 [sflag:s8], $0x0  }
0x24: {  	s3 =	sadd.s32 $0x88, s3;
	s6 =	simm.s32 @!p1 $0x1082;
	[sflag:s4] =	ssyncset.s32 $0xFFFFF086  }
0x25: {  	[simem:s6], [sflag:s4] =	dma.local [hbm:s3], $0xF7A  }
0x26: {  	[smem:$0x3F9D] =	sst s1;
	(tag) =	ssettag s2;
	_ =	strace s9  }
0x27: {  	s1 =	sld [smem:$0x3FAD]  }
0x28: {  	s2 =	sld [smem:$0x3FAE]  }
0x29: {  	s4 =	sld [smem:$0x3FB0]  }
0x2a: {  	p0 =	seq.s32 s5, $0x0;
	s5 =	sld [smem:$0x3FB1]  }
0x2b: {  	s6 =	sld [smem:$0x3FB2]  }
0x2c: {  	s7 =	sld [smem:$0x3FB3]  }
0x2d: {  	s3 =	simm.s32 $0x108;
	s8 =	sld [smem:$0x3FB4]  }
0x2e: {  	s3 =	simm.s32 @!p0 $0x1082;
	s9 =	sld [smem:$0x3FB5]  }
0x2f: {  	lr =	sadd.s32 s0, s3;
	s0 =	sld [smem:$0x3FAC]  }
0x30: {  	s3 =	sld [smem:$0x3FAF]  }
0x31: {  	[smem:$0x3FB8] =	sst s10  }
0x32: {  	s10 =	sld [smem:$0x3FB6];
	_ =	sdelay $0x3  }
0x33: {  	p0 =	seq.s32 s10, $0x1;
	s10 =	sld [smem:$0x3FB8];
	_ =	sdelay $0x3  }
0x34: {  	[smem:$0x3FB8] =	sst s10  }
0x35: {  	s10 =	sld [smem:$0x3FB7];
	_ =	sdelay $0x3  }
0x36: {  	p1 =	seq.s32 s10, $0x1;
	s10 =	sld [smem:$0x3FB8];
	_ =	sdelay $0x3  }
0x37: {  	[smem:$0x3FB8] =	sst s10  }
0x38: {  	s10 =	sld [smem:$0x3FB9]  }
0x39: {  	_ = 	snop;
	(pc) =	sbr.ind lr, $3  }
0x3a: {  	_ = 	snop  }
0x3b: {  	_ = 	snop  }
0x3c: {  	p2 =	seq.s32 s10, $0x1;
	s10 =	sld [smem:$0x3FB8]  }
0x3d: {  	_ =	shalt  }
0x3e: {  	_ =	shalt  }
0x3f: {  	_ =	shalt  }
0x40: {  	_ =	shalt  }
0x41: {  	_ =	shalt  }
0x42: {  	_ =	shalt  }
0x43: {  	_ =	shalt  }
0x44: {  	_ =	shalt  }
0x45: {  	_ =	shalt  }
0x46: {  	_ =	shalt  }
0x47: {  	_ =	shalt  }
0x48: {  	_ =	shalt  }
0x49: {  	_ =	shalt  }
0x4a: {  	_ =	shalt  }
0x4b: {  	_ =	shalt  }
0x4c: {  	_ =	shalt  }
0x4d: {  	_ =	shalt  }
0x4e: {  	_ =	shalt  }
0x4f: {  	_ =	shalt  }
0x50: {  	_ =	shalt  }
0x51: {  	_ =	shalt  }
0x52: {  	_ =	shalt  }
0x53: {  	_ =	shalt  }
0x54: {  	_ =	shalt  }
0x55: {  	_ =	shalt  }
0x56: {  	_ =	shalt  }
0x57: {  	_ =	shalt  }
0x58: {  	_ =	shalt  }
0x59: {  	_ =	shalt  }
0x5a: {  	_ =	shalt  }
0x5b: {  	_ =	shalt  }
0x5c: {  	_ =	shalt  }
0x5d: {  	_ =	shalt  }
0x5e: {  	_ =	shalt  }
0x5f: {  	_ =	shalt  }
0x60: {  	_ =	shalt  }
0x61: {  	_ =	shalt  }
0x62: {  	_ =	shalt  }
0x63: {  	_ =	shalt  }
0x64: {  	_ =	shalt  }
0x65: {  	_ =	shalt  }
0x66: {  	_ =	shalt  }
0x67: {  	_ =	shalt  }
0x68: {  	_ =	shalt  }
0x69: {  	_ =	shalt  }
0x6a: {  	_ =	shalt  }
0x6b: {  	_ =	shalt  }
0x6c: {  	_ =	shalt  }
0x6d: {  	_ =	shalt  }
0x6e: {  	_ =	shalt  }
0x6f: {  	_ =	shalt  }
0x70: {  	_ =	shalt  }
0x71: {  	_ =	shalt  }
0x72: {  	_ =	shalt  }
0x73: {  	_ =	shalt  }
0x74: {  	_ =	shalt  }
0x75: {  	_ =	shalt  }
0x76: {  	_ =	shalt  }
0x77: {  	_ =	shalt  }
0x78: {  	_ =	shalt  }
0x79: {  	_ =	shalt  }
0x7a: {  	_ =	shalt  }
0x7b: {  	_ =	shalt  }
0x7c: {  	_ =	shalt  }
0x7d: {  	_ =	shalt  }
0x7e: {  	_ =	shalt  }
0x7f: {  	_ =	shalt  }
0x80: {  	_ =	shalt  }
0x81: {  	_ =	shalt  }
0x82: {  	_ =	shalt  }
0x83: {  	_ =	shalt  }
0x84: {  	_ =	shalt  }
0x85: {  	_ =	shalt  }
0x86: {  	_ =	shalt  }
0x87: {  	_ =	shalt  }
.Lfunc_end0:
.L_simem_size_0:
called_computation.1_lowered:
.L_overlay_start_0:
0x88: {  	s2 =	sld [smem:$0x3FD9]  }
0x89: {  	s3 =	sld [smem:$0x3FFE];
	_ =	sdelay $0x1  }
0x8a: {  	s1 =	srdreg.scid  }
0x8b: {  	s0 =	sand.u32 $0x1, s1  }
0x8c: {  	s17 =	sshll.u32 s0, $0xA;
	s2 =	sadd.s32 s3, s2  }
0x8d: {  	s2 =	sadd.s32 s2, s17  }
0x8e: {  	[smem:$0x3FC4] =	sst s2  }
0x8f: {  	_ = 	snop  }
0x90: {  	s2 =	sld [smem:$0x3FC9]  }
0x91: {  	s18 =	sld [smem:$0x3FC8]  }
0x92: {  	s4 =	sld [smem:$0x3FD0];
	(tm) =	ssettm $0x1  }
0x93: {  	s5 =	sld [smem:$0x3FFB];
	_ =	sdelay $0x3  }
0x94: {  	_ =	strace s5  }
0x95: {  	s5 =	sld [smem:$0x3FFC];
	_ =	sdelay $0x3  }
0x96: {  	_ =	strace s5  }
0x97: {  	s5 =	sld [smem:$0x3FFD];
	_ =	sdelay $0x3  }
0x98: {  	_ =	strace s5  }
0x99: {  	_ =	strace $0x8FFFFFFF  }
0x9a: {  	s19 =	sld [smem:$0x3FDB];
	_ =	sdelay $0x1  }
0x9b: {  	s6 =	simm.s32 $_scs_section_size  }
0x9c: {  	s7 =	simm.s32 $_size__tile_overlayer_lowered;
	s8 =	simm.s32 $_tile_overlayer_lowered  }
0x9d: {  	s22 =	simm.s32 $0x1BFF;
	s21 =	sshll.u32 s8, $0x1;
	s5 =	sadd.s32 s6, s19  }
0x9e: {  	s9 =	simm.s32 $0x0;
	s20 =	sshll.u32 s7, $0x1;
	s7 =	sadd.s32 s21, s5  }
0x9f: {  	[timem:s9], [sflag:s22] =	dma.local [hbm:s7], s20  }
0xa0: {  	_ =	swait.ge [sflag:s22], s20  }
0xa1: {  	s6 =	ssub.s32 $0x0, s20;
	[sflag:s22] =	ssyncset.done $0x0  }
0xa2: {  	[sflag:s22] =	ssyncadd.s32 s6;
	_ =	sdelay $0x1  }
0xa3: {  	s23 =	simm.s32 $0x1B8B  }
0xa4: {  	_ =	swait.ge [sflag:s23], $0x1  }
0xa5: {  	[sflag:s23] =	ssyncset.done $0x0  }
0xa6: {  	s25 =	simm.s32 $0x1B8E;
	s24 =	sld [smem:$0x3FFE];
	[sflag:s23] =	ssyncadd.s32 $0xFFFFFFFF  }
0xa7: {  	s26 =	simm.s32 $execute0_lowered;
	[smem:$0x3FD2] =	sst s25  }
0xa8: {  	s7 =	sshll.u32 s26, $0x1;
	_ =	strace $0x80000049;
	[dreg:$0x1] =	wrdreg $0xFFFFFFFF  }
0xa9: {  	s28 =	simm.s32 $_size_execute0_lowered;
	s5 =	sadd.s32 s5, s7;
	[dreg:$0x0] =	wrdreg $0x0  }
0xaa: {  	s7 =	sshll.u32 s28, $0x1;
	[dreg:$0x2] =	wrdreg s5  }
0xab: {  	[dreg:$0x3] =	wrdreg s7  }
0xac: {  	[dreg:$0x4] =	wrdreg $0xC0  }
0xad: {  	_ =	task [dreg:s9], $0x5FFFF  }
0xae: {  	[dreg:$0x1] =	wrdreg $0xFFFFFFFF  }
0xaf: {  	[dreg:$0x0] =	wrdreg $0x60  }
0xb0: {  	[dreg:$0x2] =	wrdreg s2  }
0xb1: {  	[dreg:$0x3] =	wrdreg s18  }
0xb2: {  	[dreg:$0x4] =	wrdreg s24  }
0xb3: {  	[dreg:$0x5] =	wrdreg s4  }
0xb4: {  	[dreg:$0x6] =	wrdreg $0x9  }
0xb5: {  	_ =	task.clear_ibuf [dreg:s9], $0x7FFFF;
	_ =	strace $0x90000049  }
0xb6: {  	s29 =	simm.s32 $0x9;
	_ =	strace $0x8000004B  }
0xb7: {  	_ =	swait.ge [sflag:s29], $0x1  }
0xb8: {  	[sflag:s29] =	ssyncadd.s32 $0xFFFFFFFF  }
0xb9: {  	_ =	strace $0x9000004B  }
0xba: {  	_ =	sfence  }
0xbb: {  	s30 =	sld [smem:$0x0];
	_ =	sdelay $0x2  }
0xbc: {  	s31 =	sshll.u32 s1, $0xD;
	s1 =	sshrl.u32 s1, $0x2  }
0xbd: {  	s3 =	sand.u32 $0x4000, s31;
	s1 =	sadd.s32 s1, s30  }
0xbe: {  	s0 =	sor.u32 s3, s0;
	s1 =	sshll.u32 s1, $0x11  }
0xbf: {  	s0 =	sor.u32 s1, s0  }
0xc0: {  	s0 =	sadd.s32 $0x8F2B, s0  }
0xc1: {  	[sflag:s0] =	ssyncadd.remote.s32 $0x1  }
0xc2: {  	_ =	sfence.sel $0xFFFF  }
0xc3: {  	[dreg:$0x0] =	wrdreg $0xFFFFFFFF;
	(pc) =	sbr.abs _section_cstart, $3  }
0xc4: {  	[dreg:$0x1] =	wrdreg $0xFFFFFFFF  }
0xc5: {  	_ =	task.clear_ibuf [dreg:s9], $0x2FFFF;
	_ =	strace $0x9FFFFFFF  }
0xc6: {  	(tm) =	ssettm $0x7FFFFFFF  }
0xc7: {  	_ =	shalt  }
tec
execute0_lowered:
.L_overlay_start_1:
0x0: {  	(tag) =	ssettag $0x1  }
0x1: {  	s1 =	srdreg.scid;
	s0 =	stileid.u32  }
0x2: {  	s2 =	simm.s32 $0x1;
	s3 =	simm.s32 $0x1;
	s6 =	simm.s32 $0x1  }
0x3: {  	s8 =	simm.s32 $0x1;
	s4 =	sand.u32 $0x1, s1;
	p0 =	sne.s32 s0, $0x0  }
0x4: {  	s13 =	sshll.u32 s0, $0x1;
	p2 =	sgt.u32 s0, $0x1;
	s2 =	simm.s32 @!p0 $0x0  }
0x5: {  	s5 =	sor.u32 s4, s13;
	s6 =	simm.s32 @!p2 $0x0;
	p2 =	sgt.u32 s0, $0x2;
	v4 =	vmov s2  }
0x6: {  	s1 =	simm.s32 $0x1;
	p1 =	sne.s32 s5, $0x0;
	s8 =	simm.s32 @!p2 $0x0;
	v6 =	vmov s6;
	[tilespmem:$0x1FD10] =	vst v4  }
0x7: {  	s10 =	simm.s32 $0x1;
	p2 =	sgt.u32 s0, $0x3;
	s1 =	simm.s32 @!p1 $0x0;
	[tilespmem:$0x1FD30] =	vst v6;
	v8 =	vmov s8  }
0x8: {  	s7 =	simm.s32 $0x1;
	p1 =	sgt.u32 s5, $0x2;
	s10 =	simm.s32 @!p2 $0x0;
	v0 =	vmov s1;
	[tilespmem:$0x1FD50] =	vst v8  }
0x9: {  	s12 =	simm.s32 $0x1;
	p2 =	sgt.u32 s0, $0x4;
	s3 =	simm.s32 @!p1 $0x0;
	v10 =	vmov s10;
	[tilespmem:$0x1FD00] =	vst v0  }
0xa: {  	s9 =	simm.s32 $0x1;
	p1 =	sgt.u32 s5, $0x4;
	s12 =	simm.s32 @!p2 $0x0;
	v5 =	vmov s3;
	[tilespmem:$0x1FD70] =	vst v10  }
0xb: {  	s14 =	simm.s32 $0x1;
	p2 =	sgt.u32 s0, $0x5;
	s7 =	simm.s32 @!p1 $0x0;
	v12 =	vmov s12;
	[tilespmem:$0x1FD20] =	vst v5  }
0xc: {  	s11 =	simm.s32 $0x1;
	p1 =	sgt.u32 s5, $0x6;
	s14 =	simm.s32 @!p2 $0x0;
	v7 =	vmov s7;
	[tilespmem:$0x1FD90] =	vst v12  }
0xd: {  	s16 =	simm.s32 $0x1;
	p2 =	sgt.u32 s0, $0x6;
	s9 =	simm.s32 @!p1 $0x0;
	v14 =	vmov s14;
	[tilespmem:$0x1FD40] =	vst v7  }
0xe: {  	s15 =	simm.s32 $0x1;
	p1 =	sgt.u32 s5, $0x8;
	s16 =	simm.s32 @!p2 $0x0;
	v9 =	vmov s9;
	[tilespmem:$0x1FDB0] =	vst v14  }
0xf: {  	s18 =	simm.s32 $0x1;
	v3 =	vimm.s32 $0xDCBA9876;
	v4 =	vimm.s32 $0x543210FE;
	p2 =	sgt.u32 s0, $0x7;
	s11 =	simm.s32 @!p1 $0x0;
	v16 =	vmov s16;
	[tilespmem:$0x1FD60] =	vst v9  }
0x10: {  	v3 =	vunpack.c.l.s4.s8 v3;
	s13 =	simm.s32 $0x1;
	v4 =	vunpack.c.l.s4.s8 v4;
	p1 =	sgt.u32 s5, $0xA;
	s18 =	simm.s32 @!p2 $0x0;
	v11 =	vmov s11;
	[tilespmem:$0x1FDD0] =	vst v16  }
0x11: {  	s20 =	simm.s32 $0x1;
	v25 =	vimm.s32 $0xEDCBA987;
	v1 =	vimm.s32 $0x6543210F;
	p2 =	sgt.u32 s0, $0x8;
	s13 =	simm.s32 @!p1 $0x0;
	v18 =	vmov s18;
	[tilespmem:$0x1FD80] =	vst v11  }
0x12: {  	s17 =	simm.s32 $0x1;
	v35 =	vunpack.c.0.s8.s32 v3;
	v40 =	vunpack.c.0.s8.s32 v4;
	p1 =	sgt.u32 s5, $0xC;
	s20 =	simm.s32 @!p2 $0x0;
	v13 =	vmov s13;
	[tilespmem:$0x1FDF0] =	vst v18  }
0x13: {  	s22 =	simm.s32 $0x1;
	v41 =	vimm.s32 $0xCBA98765;
	p2 =	sgt.u32 s0, $0x9;
	s15 =	simm.s32 @!p1 $0x0;
	v20 =	vmov s20;
	[tilespmem:$0x1FDA0] =	vst v13  }
0x14: {  	s19 =	simm.s32 $0x1;
	s21 =	simm.s32 $0x1;
	v42 =	vimm.s32 $0x43210FED;
	v8 =	vcombine.low v40, v35;
	s22 =	simm.s32 @!p2 $0x0;
	v15 =	vmov s15;
	[tilespmem:$0x1FE10] =	vst v20  }
0x15: {  	s24 =	simm.s32 $0x2180;
	s25 =	simm.s32 $0x2980;
	p1 =	sgt.u32 s5, $0xE;
	v22 =	vmov s22;
	[tilespmem:$0x1FDC0] =	vst v15  }
0x16: {  	vm0 =	vmmov $0xffff;
	v44 =	vimm.s32 $0x98765432;
	s2 =	simm.s32 $0x1;
	p2 =	sgt.u32 s0, $0xA;
	s17 =	simm.s32 @!p1 $0x0;
	v8 =	vand.u32 $0xF, v8;
	[tilespmem:$0x1FE30] =	vst v22  }
0x17: {  	v34 =	vimm.s32 $0x0;
	v49 =	vimm.s32 $0xFEDCBA98;
	s26 =	simm.s32 $0x3180;
	p1 =	sgt.u32 s5, $0x10;
	s2 =	simm.s32 @!p2 $0x0;
	v17 =	vmov s17;
	[tilespmem:$0x1FF10] =	vst v8  }
0x18: {  	v63 =	vlaneseq.u32;
	vm4 =	vcmask $0x3F08;
	s6 =	simm.s32 $0x1;
	p2 =	sgt.u32 s0, $0xB;
	s19 =	simm.s32 @!p1 $0x0;
	v24 =	vmov s2;
	[tilespmem:$0x1FDE0] =	vst v17  }
0x19: {  	s28 =	simm.s32 $0x3980;
	v1 =	vunpack.c.l.s4.s8 v1;
	v6 =	vimm.s32 $0xBA987654;
	p1 =	sgt.u32 s5, $0x12;
	s6 =	simm.s32 @!p2 $0x0;
	v19 =	vmov s19;
	[tilespmem:$0x1FE50] =	vst v24  }
0x1a: {  	vm5 =	vcmask $0x3F0C;
	s8 =	simm.s32 $0x1;
	v6 =	vunpack.c.l.s4.s8 v6;
	p2 =	sgt.u32 s0, $0xC;
	s21 =	simm.s32 @!p1 $0x0;
	v26 =	vmov s6;
	[tilespmem:$0x1FE00] =	vst v19  }
0x1b: {  	v1 =	vunpack.c.0.s8.s32 v1;
	s1 =	simm.s32 $0x1;
	v0 =	vunpack.c.l.s4.s8 v25;
	p1 =	sgt.u32 s5, $0x14;
	s8 =	simm.s32 @!p2 $0x0;
	v21 =	vmov s21;
	[tilespmem:$0x1FE70] =	vst v26  }
0x1c: {  	v10 =	vimm.s32 $0x210FEDCB;
	v6 =	vunpack.c.0.s8.s32 v6;
	s2 =	simm.s32 $0x1;
	p2 =	sgt.u32 s0, $0xD;
	s1 =	simm.s32 @!p1 $0x0;
	v28 =	vmov s8;
	[tilespmem:$0x1FE20] =	vst v21  }
0x1d: {  	s3 =	simm.s32 $0x1;
	v10 =	vunpack.c.l.s4.s8 v10;
	v12 =	vimm.s32 $0x10FEDCBA;
	p1 =	sgt.u32 s5, $0x16;
	s2 =	simm.s32 @!p2 $0x0;
	v23 =	vmov s1;
	[tilespmem:$0x1FE90] =	vst v28  }
0x1e: {  	v0 =	vunpack.c.0.s8.s32 v0;
	v7 =	vimm.s32 $0x3210FEDC;
	p2 =	seq.s32 s0, $0xF;
	s0 =	simm.s32 $0x1;
	s3 =	simm.s32 @!p1 $0x0;
	v30 =	vmov s2;
	[tilespmem:$0x1FE40] =	vst v23  }
0x1f: {  	s7 =	simm.s32 $0x1;
	v14 =	vimm.s32 $0xFEDCBA9;
	v7 =	vunpack.c.l.s4.s8 v7;
	p1 =	sgt.u32 s5, $0x18;
	s0 =	simm.s32 @!p2 $0x0;
	v2 =	vmov s3;
	[tilespmem:$0x1FEB0] =	vst v30  }
0x20: {  	s29 =	simm.s32 $0x4180;
	s14 =	rddreg [dreg:$0x0];
	v9 =	vimm.s32 $0xA9876543;
	v33 =	vcombine.low v1, v0;
	s7 =	simm.s32 @!p1 $0x0;
	v32 =	vmov s0;
	[tilespmem:$0x1FE60] =	vst v2  }
0x21: {  	v10 =	vunpack.c.0.s8.s32 v10;
	v16 =	vimm.s32 $0x76543210;
	s15 =	rddreg [dreg:$0x1];
	s1 =	simm.s32 $0x1;
	p1 =	sgt.u32 s5, $0x1A;
	v27 =	vmov s7;
	[tilespmem:$0x1FED0] =	vst v32  }
0x22: {  	v14 =	vunpack.c.l.s4.s8 v14;
	v13 =	vimm.s32 $0x87654321;
	s3 =	simm.s32 $0x1;
	s1 =	simm.s32 @!p1 $0x0;
	p1 =	sgt.u32 s5, $0x1C;
	v2 =	vand.u32 $0xF, v33;
	[tilespmem:$0x1FE80] =	vst v27  }
0x23: {  	v7 =	vunpack.c.0.s8.s32 v7;
	v13 =	vunpack.c.l.s4.s8 v13;
	s0 =	simm.s32 $0x1;
	s3 =	simm.s32 @!p1 $0x0;
	v29 =	vmov s1;
	p1 =	seq.s32 s5, $0x1F;
	[tilespmem:$0x1FF00] =	vst v2  }
0x24: {  	s30 =	simm.s32 $0x4980;
	v48 =	vunpack.c.0.s8.s32 v14;
	v14 =	vunpack.c.l.s4.s8 v49;
	s2 =	rddreg [dreg:$0x3];
	[tilespmem:$0x1FEA0] =	vst v29;
	v31 =	vmov s3;
	s0 =	simm.s32 @!p1 $0x0  }
0x25: {  	s31 =	simm.s32 $0x5180;
	s16 =	sshll.u32 s5, $0x3;
	v16 =	vunpack.c.l.s4.s8 v16;
	v47 =	vunpack.c.0.s8.s32 v13;
	s1 =	rddreg [dreg:$0x4];
	[tilespmem:$0x1FEC0] =	vst v31;
	v5 =	vmov s0  }
0x26: {  	v43 =	vcombine.low v7, v6;
	v14 =	vunpack.c.0.s8.s32 v14;
	s7 =	sadd.s32 s15, s16;
	s3 =	simm.s32 $0x0;
	s0 =	rddreg [dreg:$0x2];
	[tilespmem:$0x1FEE0] =	vst v5;
	v5 =	vsel vm0, $0xFFFFFFFF, v34  }
0x27: {  	v9 =	vunpack.c.l.s4.s8 v9;
	v51 =	vunpack.c.0.s8.s32 v16;
	v38 =	vcombine.low v48, v47;
	s5 =	smul.u32 $0x1800, s5;
	[smem:$0x7FF] =	sst s3;
	s17 =	sadd.s32 s16, s0;
	[tilespmem:$0x1FEF0] =	vst v5  }
0x28: {  	v0 =	vcombine.low v0, v1;
	v8 =	vand.u32 $0xF, v43;
	v14 =	vand.u32 $0xF, v14;
	s18 =	sadd.s32 $0x200, s17;
	_ =	strace $0x8000004A;
	[dreg:$0x5] =	wrdreg s7  }
0x29: {  	s4 =	ssub.s32 $0x2, s4;
	v9 =	vunpack.c.0.s8.s32 v9;
	v53 =	vcombine.low v14, v51;
	v50 =	vand.u32 $0xF, v38;
	s5 =	sadd.s32 s14, s5;
	[tilespmem:$0x1FF30] =	vst v8;
	[dreg:$0x6] =	wrdreg s18  }
0x2a: {  	s10 =	simm.s32 $0x1080;
	v4 =	vunpack.c.l.s4.s8 v41;
	v12 =	vunpack.c.l.s4.s8 v12;
	v52 =	vcombine.low v35, v40;
	s19 =	simm.s32 $0x80;
	[dreg:$0x7] =	wrdreg s5;
	[tilespmem:$0x1FF60] =	vst v50  }
0x2b: {  	s12 =	simm.s32 $0x5980;
	s20 =	simm.s32 $0x1100;
	v0 =	vand.u32 $0xF, v0;
	v59 =	vcombine.low v9, v10;
	v5 =	vunpack.c.l.s4.s8 v42;
	[dreg:$0x8] =	wrdreg s19;
	[tilespmem:$0x1FF70] =	vst v53  }
0x2c: {  	s9 =	simm.s32 $0xD180;
	v4 =	vunpack.c.0.s8.s32 v4;
	s22 =	simm.s32 $0x1980;
	v55 =	vand.u32 $0xF, v52;
	v58 =	vcombine.low v6, v7;
	[dreg:$0x9] =	wrdreg s20;
	[tilespmem:$0x1FF80] =	vst v0  }
0x2d: {  	s11 =	simm.s32 $0x1180;
	s13 =	simm.s32 $0x6180;
	v61 =	vcombine.low v47, v48;
	v1 =	vand.u32 $0xF, v59;
	[dreg:$0xa] =	wrdreg s22;
	[tilespmem:$0x1FF90] =	vst v55;
	v5 =	vunpack.c.0.s8.s32 v5  }
0x2e: {  	vm6 =	vcmask $0x3F10;
	s21 =	sshrl.u32 s4, $0x1;
	s8 =	simm.s32 $0x2;
	v8 =	vunpack.c.l.s4.s8 v44;
	[dreg:$0xb] =	wrdreg s24;
	v0 =	vand.u32 $0xF, v58;
	[tilespmem:$0x1FFC0] =	vst v1  }
0x2f: {  	v46 =	vunpack.c.0.s8.s32 v12;
	s23 =	ssub.s32 s4, s21;
	s4 =	simm.s32 $0x1;
	[dreg:$0xc] =	wrdreg s25;
	[tilespmem:$0x1FFB0] =	vst v0;
	v0 =	vand.u32 $0xF, v61;
	v11 =	vcombine.low v5, v4  }
0x30: {  	s21 =	simm.s32 $0xA180;
	s6 =	sadd.s32 $0x200, s2;
	[dreg:$0xd] =	wrdreg s26;
	v8 =	vunpack.c.0.s8.s32 v8;
	[tilespmem:$0x1FFE0] =	vst v0;
	v0 =	vand.u32 $0x7, v63;
	v54 =	vcombine.low v4, v5  }
0x31: {  	vm7 =	vcmask $0x3F14;
	v45 =	vcombine.low v10, v9;
	s15 =	simm.s32 $0x7180;
	s14 =	simm.s32 $0x6980;
	[dreg:$0xe] =	wrdreg s28;
	[tilespmem:$0x1FFF0] =	vst v0;
	v11 =	vand.u32 $0xF, v11  }
0x32: {  	vm8 =	vcmask $0x3F18;
	s16 =	simm.s32 $0x7980;
	s17 =	simm.s32 $0x8180;
	[dreg:$0xf] =	wrdreg s29;
	v15 =	vcombine.low v46, v8;
	v57 =	vand.u32 $0xF, v54;
	[tilespmem:$0x1FF20] =	vst v11  }
0x33: {  	vm9 =	vcmask $0x3F1C;
	s5 =	sadd.s32 $0x100, s2;
	s7 =	smax.u32 s23, $0x1;
	[dreg:$0x10] =	wrdreg s30;
	v60 =	vcombine.low v8, v46;
	v11 =	vand.u32 $0xF, v45;
	[tilespmem:$0x1FFA0] =	vst v57  }
0x34: {  	vm10 =	vcmask $0x3F20;
	vm11 =	vcmask $0x3F24;
	[dreg:$0x11] =	wrdreg s31;
	s18 =	simm.s32 $0x8980;
	s19 =	simm.s32 $0x9180;
	v15 =	vand.u32 $0xF, v15;
	[tilespmem:$0x1FF40] =	vst v11  }
0x35: {  	vm12 =	vcmask $0x3F28;
	s20 =	simm.s32 $0x9980;
	s22 =	simm.s32 $0xA980;
	s23 =	simm.s32 $0xB180;
	v62 =	vand.u32 $0xF, v60;
	[tilespmem:$0x1FF50] =	vst v15  }
0x36: {  	v56 =	vimm.s32 $0x0;
	vm13 =	vcmask $0x3F2C;
	vm14 =	vcmask $0x3F34;
	s24 =	simm.s32 $0xB980;
	s25 =	simm.s32 $0xC180;
	s26 =	simm.s32 $0xC980;
	[tilespmem:$0x1FFD0] =	vst v62  }
.LBB2_1:
0x37: {  	s28 =	rddreg [dreg:$0x5]  }
0x38: {  	[tilespmem:s3], [sflag:$0x2] =	stream.linear.gather [hbm4b:s28+s3], $0x40, $0x38;
	[tilespmem:$0xD200] =	vst v63  }
0x39: {  	_ =	swait.ge [sflag:s8], $0x40  }
0x3a: {  	[sflag:s8] =	ssyncset.done $0x0  }
0x3b: {  	s29 =	rddreg [dreg:$0x8];
	[sflag:s8] =	ssyncadd.s32 $0xFFFFFFC0  }
0x3c: {  	[tilespmem:s29], [sflag:$0x2] =	stream.linear.gather [hbm4b:s0+s3], $0x1000, $0x38;
	[tilespmem:$0xD200] =	vst v63  }
0x3d: {  	_ =	swait.ge [sflag:s8], $0x1000  }
0x3e: {  	v40 =	vld [tilespmem:$0x1FD00]  }
0x3f: {  	v41 =	vld [tilespmem:$0x1FD10]  }
0x40: {  	v37 =	vld [tilespmem:$0x1FD20]  }
0x41: {  	v39 =	vld [tilespmem:$0x1FD30]  }
0x42: {  	v38 =	vld [tilespmem:$0x1FD40]  }
0x43: {  	v36 =	vld [tilespmem:$0x1FD50]  }
0x44: {  	v13 =	vld [tilespmem:$0x1FD60]  }
0x45: {  	v32 =	vld [tilespmem:$0x1FD70]  }
0x46: {  	v34 =	vld [tilespmem:$0x1FD80]  }
0x47: {  	v43 =	vld [tilespmem:$0x1FD90]  }
0x48: {  	v44 =	vld [tilespmem:$0x1FDA0]  }
0x49: {  	v45 =	vld [tilespmem:$0x1FDB0]  }
0x4a: {  	v46 =	vld [tilespmem:$0x1FDC0]  }
0x4b: {  	v49 =	vld [tilespmem:$0x1FDD0]  }
0x4c: {  	v50 =	vld [tilespmem:$0x1FDE0]  }
0x4d: {  	[sflag:s8] =	ssyncset.done $0x0;
	v30 =	vld [tilespmem:$0x1FE00]  }
0x4e: {  	v31 =	vld [tilespmem:$0x1FE10];
	[sflag:s8] =	ssyncadd.s32 $0xFFFFF000  }
0x4f: {  	v0 =	vld [tilespmem:$0x80]  }
0x50: {  	v1 =	vld [tilespmem:$0x100]  }
0x51: {  	v2 =	vld [tilespmem:$0x180]  }
0x52: {  	v3 =	vld [tilespmem:$0x200]  }
0x53: {  	v4 =	vld [tilespmem:$0x280]  }
0x54: {  	v5 =	vld [tilespmem:$0x300]  }
0x55: {  	v6 =	vld [tilespmem:$0x380]  }
0x56: {  	v7 =	vld [tilespmem:$0x400]  }
0x57: {  	v8 =	vld [tilespmem:$0x480]  }
0x58: {  	v9 =	vld [tilespmem:$0x500]  }
0x59: {  	v10 =	vld [tilespmem:$0x580]  }
0x5a: {  	v11 =	vld [tilespmem:$0x600]  }
0x5b: {  	v15 =	vld [tilespmem:$0x680]  }
0x5c: {  	v16 =	vld [tilespmem:$0x700]  }
0x5d: {  	v51 =	vld [tilespmem:$0x780]  }
0x5e: {  	v52 =	vld [tilespmem:$0x800]  }
0x5f: {  	v53 =	vld [tilespmem:$0x880]  }
0x60: {  	v54 =	vld [tilespmem:$0x900]  }
0x61: {  	v55 =	vld [tilespmem:$0x980]  }
0x62: {  	v58 =	vld [tilespmem:$0xA00]  }
0x63: {  	v59 =	vld [tilespmem:$0xA80]  }
0x64: {  	v60 =	vld [tilespmem:$0xB00]  }
0x65: {  	v61 =	vld [tilespmem:$0xB80]  }
0x66: {  	v62 =	vld [tilespmem:$0xC00]  }
0x67: {  	v63 =	vld [tilespmem:$0xC80]  }
0x68: {  	v17 =	vld [tilespmem:$0xD00]  }
0x69: {  	v18 =	vld [tilespmem:$0xD80]  }
0x6a: {  	v35 =	vld [tilespmem:$0xE00]  }
0x6b: {  	v57 =	vld [tilespmem:$0xE80]  }
0x6c: {  	v47 =	vld [tilespmem:$0xF00]  }
0x6d: {  	v48 =	vld [tilespmem:$0xF80]  }
0x6e: {  	v19 =	vld [tilespmem:$0x1000]  }
0x6f: {  	v42 =	vld [tilespmem:$0x90]  }
0x70: {  	v14 =	vld [tilespmem:$0x210]  }
0x71: {  	v12 =	vadd.s32 v0, v1;
	v0 =	vmul.u32 v40, v0;
	v20 =	vmul.u32 v13, v6;
	v13 =	vld [tilespmem:$0x190]  }
0x72: {  	v1 =	vmul.u32 v41, v1;
	v21 =	vmul.u32 v32, v7;
	v32 =	vld [tilespmem:$0x410];
	v12 =	vadd.s32 v2, v12  }
0x73: {  	v22 =	vmul.u32 v34, v8;
	v23 =	vmul.u32 v43, v9;
	v34 =	vld [tilespmem:$0x1FE30];
	v12 =	vadd.s32 v3, v12  }
0x74: {  	v25 =	vmul.u32 v45, v11;
	v26 =	vmul.u32 v46, v15;
	v43 =	vld [tilespmem:$0x1FE40];
	v12 =	vadd.s32 v4, v12  }
0x75: {  	v27 =	vmul.u32 v49, v16;
	v45 =	vld [tilespmem:$0x1FE60];
	v2 =	vmul.u32 v37, v2;
	v12 =	vadd.s32 v5, v12  }
0x76: {  	v49 =	vld [tilespmem:$0x810];
	v3 =	vmul.u32 v39, v3;
	v0 =	vadd.s32 v0, v1;
	v12 =	vadd.s32 v6, v12  }
0x77: {  	v46 =	vld [tilespmem:$0x1FE70];
	v4 =	vmul.u32 v38, v4;
	v0 =	vadd.s32 v2, v0;
	v12 =	vadd.s32 v7, v12  }
0x78: {  	v5 =	vmul.u32 v36, v5;
	v0 =	vadd.s32 v3, v0;
	v12 =	vadd.s32 v8, v12;
	v8 =	vld [tilespmem:$0x590]  }
0x79: {  	v0 =	vadd.s32 v4, v0;
	v12 =	vadd.s32 v9, v12;
	v9 =	vld [tilespmem:$0x610]  }
0x7a: {  	v0 =	vadd.s32 v5, v0;
	v33 =	vadd.s32 v10, v12;
	v12 =	vld [tilespmem:$0x110]  }
0x7b: {  	v24 =	vmul.u32 v44, v10;
	v0 =	vadd.s32 v20, v0;
	v10 =	vld [tilespmem:$0x690]  }
0x7c: {  	v0 =	vadd.s32 v21, v0;
	v6 =	vadd.s32 v11, v33;
	v11 =	vld [tilespmem:$0x390]  }
0x7d: {  	v0 =	vadd.s32 v22, v0;
	v33 =	vld [tilespmem:$0x1FE20]  }
0x7e: {  	v0 =	vadd.s32 v23, v0;
	v6 =	vadd.s32 v15, v6;
	v15 =	vld [tilespmem:$0x290]  }
0x7f: {  	v0 =	vadd.s32 v24, v0;
	v24 =	vld [tilespmem:$0xF10]  }
0x80: {  	v6 =	vadd.s32 v16, v6;
	v16 =	vld [tilespmem:$0x310]  }
0x81: {  	v28 =	vmul.u32 v50, v51;
	v6 =	vadd.s32 v51, v6;
	v51 =	vld [tilespmem:$0x1FDF0]  }
0x82: {  	v7 =	vadd.s32 v52, v6;
	v6 =	vld [tilespmem:$0x490]  }
0x83: {  	v1 =	vadd.s32 v53, v7;
	v7 =	vld [tilespmem:$0x510]  }
0x84: {  	v30 =	vmul.u32 v30, v53;
	v31 =	vmul.u32 v31, v54;
	v44 =	vadd.s32 v42, v12;
	v53 =	vld [tilespmem:$0x790]  }
0x85: {  	v0 =	vadd.s32 v25, v0;
	v2 =	vadd.s32 v13, v44;
	v1 =	vadd.s32 v54, v1;
	v54 =	vld [tilespmem:$0x1FE80]  }
0x86: {  	v33 =	vmul.u32 v33, v55;
	v2 =	vadd.s32 v14, v2;
	v1 =	vadd.s32 v55, v1;
	v55 =	vld [tilespmem:$0x890]  }
0x87: {  	v0 =	vadd.s32 v26, v0;
	v2 =	vadd.s32 v15, v2;
	v29 =	vmul.u32 v51, v52;
	v52 =	vld [tilespmem:$0x710]  }
0x88: {  	v1 =	vadd.s32 v58, v1;
	v2 =	vadd.s32 v16, v2;
	v51 =	vadd.s32 v27, v0;
	v0 =	vld [tilespmem:$0x910]  }
0x89: {  	v20 =	vmul.u32 v43, v59;
	v1 =	vadd.s32 v59, v1;
	v59 =	vld [tilespmem:$0x1FE50];
	v2 =	vadd.s32 v11, v2  }
0x8a: {  	v27 =	vadd.s32 v28, v51;
	v51 =	vld [tilespmem:$0x1FEA0];
	v2 =	vadd.s32 v32, v2  }
0x8b: {  	v1 =	vadd.s32 v60, v1;
	v28 =	vadd.s32 v6, v2;
	v2 =	vld [tilespmem:$0xA10]  }
0x8c: {  	v22 =	vmul.u32 v45, v61;
	v1 =	vadd.s32 v61, v1;
	v61 =	vld [tilespmem:$0xD90]  }
0x8d: {  	v34 =	vmul.u32 v34, v58;
	v4 =	vadd.s32 v29, v27;
	v58 =	vmul.u32 v54, v63;
	v54 =	vld [tilespmem:$0x1FEB0]  }
0x8e: {  	v4 =	vadd.s32 v30, v4;
	v50 =	vadd.s32 v62, v1;
	v1 =	vld [tilespmem:$0x990]  }
0x8f: {  	v43 =	vadd.s32 v31, v4;
	v4 =	vld [tilespmem:$0xB10]  }
0x90: {  	v23 =	vmul.u32 v46, v62;
	v62 =	vld [tilespmem:$0xC10]  }
0x91: {  	v5 =	vadd.s32 v7, v28;
	v28 =	vld [tilespmem:$0xE90]  }
0x92: {  	v31 =	vld [tilespmem:$0x1FED0]  }
0x93: {  	v12 =	vmul.u32 v41, v12;
	v3 =	vadd.s32 v63, v50;
	v63 =	vld [tilespmem:$0xC90]  }
0x94: {  	v5 =	vadd.s32 v8, v5;
	v26 =	vadd.s32 v33, v43;
	v50 =	vld [tilespmem:$0x1FE90];
	v21 =	vmul.u32 v59, v60  }
0x95: {  	v33 =	vld [tilespmem:$0x1FEE0];
	v29 =	vadd.s32 v17, v3;
	v44 =	vadd.s32 v9, v5;
	v26 =	vadd.s32 v34, v26  }
0x96: {  	v43 =	vld [tilespmem:$0x2A0];
	v34 =	vmul.u32 v40, v42;
	v25 =	vadd.s32 v18, v29;
	v27 =	vadd.s32 v10, v44  }
0x97: {  	v3 =	vld [tilespmem:$0xA90];
	v20 =	vadd.s32 v20, v26;
	v18 =	vmul.u32 v51, v18;
	v25 =	vadd.s32 v35, v25  }
0x98: {  	v5 =	vld [tilespmem:$0xB90];
	v45 =	vadd.s32 v52, v27;
	v20 =	vadd.s32 v21, v20;
	v12 =	vadd.s32 v34, v12  }
0x99: {  	v29 =	vld [tilespmem:$0x1FEC0];
	v25 =	vadd.s32 v57, v25;
	v46 =	vadd.s32 v53, v45;
	v20 =	vadd.s32 v22, v20  }
0x9a: {  	v60 =	vld [tilespmem:$0xD10];
	v22 =	vmul.u32 v54, v35;
	v25 =	vadd.s32 v47, v25;
	v21 =	vadd.s32 v49, v46  }
0x9b: {  	v26 =	vld [tilespmem:$0xE10];
	v17 =	vmul.u32 v50, v17;
	v20 =	vadd.s32 v23, v20;
	v21 =	vadd.s32 v55, v21  }
0x9c: {  	v51 =	vld [tilespmem:$0x420];
	v25 =	vadd.s32 v48, v25;
	v20 =	vadd.s32 v58, v20;
	v21 =	vadd.s32 v0, v21  }
0x9d: {  	v34 =	vld [tilespmem:$0x8A0];
	v19 =	vadd.s32 v19, v25;
	v17 =	vadd.s32 v17, v20;
	v58 =	vadd.s32 v1, v21  }
0x9e: {  	v35 =	vld [tilespmem:$0x1A0];
	v21 =	vmul.u32 v29, v57;
	v17 =	vadd.s32 v18, v17;
	v30 =	vadd.s32 v2, v58  }
0x9f: {  	v54 =	vld [tilespmem:$0x320];
	v20 =	vmul.u32 v31, v47;
	v17 =	vadd.s32 v22, v17;
	v18 =	vadd.s32 v3, v30  }
0xa0: {  	v23 =	vmul.u32 v33, v48;
	v48 =	vld [tilespmem:$0xA0];
	(xrf0) =	vadd.scan.msk.s32 $0xffff, v19;
	v17 =	vadd.s32 v21, v17;
	v18 =	vadd.s32 v4, v18  }
0xa1: {  	v17 =	vadd.s32 v20, v17;
	v20 =	vld [tilespmem:$0x120];
	v18 =	vadd.s32 v5, v18  }
0xa2: {  	v13 =	vmul.u32 v37, v13;
	v44 =	vmovc v37;
	v37 =	vld [tilespmem:$0x620];
	v17 =	vadd.s32 v23, v17;
	v18 =	vadd.s32 v62, v18  }
0xa3: {  	v17 =	vsub.s32 v17, v19;
	v19 =	vld [tilespmem:$0x220];
	v18 =	vadd.s32 v63, v18  }
0xa4: {  	v25 =	vld [tilespmem:$0xF90];
	v18 =	vadd.s32 v60, v18  }
0xa5: {  	v22 =	vld [tilespmem:$0x1010];
	v18 =	vadd.s32 v61, v18  }
0xa6: {  	v50 =	vld [tilespmem:$0x3A0];
	v45 =	vmov v40;
	v58, _, _ =	vpop (xrf0);
	v40 =	vadd.s32 v48, v20;
	v18 =	vadd.s32 v26, v18  }
0xa7: {  	v46 =	vld [tilespmem:$0x520];
	[tilespmem:$0x1FC90] =	vst v26;
	v42 =	vbroadcast v58, $0xF;
	v26 =	vadd.s32 v35, v40;
	v18 =	vadd.s32 v28, v18  }
0xa8: {  	v47 =	vld [tilespmem:$0x4A0];
	v21 =	vadd.s32 v19, v26;
	v18 =	vadd.s32 v24, v18  }
0xa9: {  	[tilespmem:$0x1FC80] =	vst v17;
	v12 =	vadd.s32 v42, v12;
	v42 =	vld [tilespmem:$0x5A0];
	v17 =	vadd.s32 v43, v21;
	v18 =	vadd.s32 v25, v18  }
0xaa: {  	v18 =	vadd.s32 v22, v18;
	v22 =	vadd.s32 v54, v17;
	v17 =	vld [tilespmem:$0x1FD60]  }
0xab: {  	v21 =	vld [tilespmem:$0x1FD70]  }
0xac: {  	v14 =	vmul.u32 v39, v14;
	v40 =	vld [tilespmem:$0x1FD80]  }
0xad: {  	v15 =	vmul.u32 v38, v15;
	v27 =	vmovc v38;
	v38 =	vld [tilespmem:$0x1FD90];
	v12 =	vadd.s32 v13, v12;
	v13 =	vadd.s32 v50, v22  }
0xae: {  	v16 =	vmul.u32 v36, v16;
	v29 =	vld [tilespmem:$0x6A0];
	v12 =	vadd.s32 v14, v12;
	v13 =	vadd.s32 v51, v13  }
0xaf: {  	v57 =	vmovc v36;
	v36 =	vld [tilespmem:$0x720];
	v12 =	vadd.s32 v15, v12;
	v13 =	vadd.s32 v47, v13;
	v11 =	vmul.u32 v17, v11  }
0xb0: {  	v26 =	vld [tilespmem:$0x7A0];
	v12 =	vadd.s32 v16, v12;
	v23 =	vmul.u32 v21, v32;
	v30 =	vadd.s32 v46, v13  }
0xb1: {  	[tilespmem:$0x1FCA0] =	vst v28;
	v28 =	vld [tilespmem:$0x820];
	v6 =	vmul.u32 v40, v6;
	v11 =	vadd.s32 v11, v12;
	v12 =	vadd.s32 v42, v30  }
0xb2: {  	v7 =	vmul.u32 v38, v7;
	v14 =	vld [tilespmem:$0x1FDA0];
	v11 =	vadd.s32 v23, v11;
	v31 =	vadd.s32 v37, v12  }
0xb3: {  	[tilespmem:$0x1FCB0] =	vst v24;
	v24 =	vld [tilespmem:$0xAA0];
	v6 =	vadd.s32 v6, v11;
	v11 =	vadd.s32 v29, v31  }
0xb4: {  	v6 =	vadd.s32 v7, v6;
	v7 =	vadd.s32 v36, v11;
	v11 =	vld [tilespmem:$0x1FDD0]  }
0xb5: {  	[tilespmem:$0x1FCC0] =	vst v25;
	v25 =	vld [tilespmem:$0x920]  }
0xb6: {  	v13 =	vld [tilespmem:$0x1FDB0]  }
0xb7: {  	v22 =	vld [tilespmem:$0xB20]  }
0xb8: {  	v12 =	vld [tilespmem:$0x1FDC0]  }
0xb9: {  	v8 =	vmul.u32 v14, v8;
	v16 =	vmul.u32 v11, v52;
	v52 =	vld [tilespmem:$0x1FDE0]  }
0xba: {  	(xrf0) =	vadd.scan.msk.s32 $0xffff, v18;
	v32 =	vld [tilespmem:$0x1FE20]  }
0xbb: {  	v9 =	vmul.u32 v13, v9;
	v6 =	vadd.s32 v8, v6;
	v8 =	vld [tilespmem:$0x1FE00]  }
0xbc: {  	v23 =	vld [tilespmem:$0x9A0]  }
0xbd: {  	v7 =	vadd.s32 v26, v7;
	v6 =	vadd.s32 v9, v6;
	v9 =	vld [tilespmem:$0xA20];
	v10 =	vmul.u32 v12, v10  }
0xbe: {  	[tilespmem:$0x1FCE0] =	vst v18;
	v7 =	vadd.s32 v28, v7;
	v18 =	vmul.u32 v52, v53;
	v53 =	vld [tilespmem:$0x1FDF0]  }
0xbf: {  	(v2sf) =	vpush v58, $0xF;
	v30 =	vld [tilespmem:$0xBA0];
	v7 =	vadd.s32 v34, v7;
	v6 =	vadd.s32 v10, v6  }
0xc0: {  	v33, _, _ =	vpop (xrf0);
	v7 =	vadd.s32 v25, v7;
	v6 =	vadd.s32 v16, v6;
	v16 =	vmul.u32 v8, v55;
	v55 =	vld [tilespmem:$0x1FE10]  }
0xc1: {  	[tilespmem:$0x1FCF0] =	vst v33;
	(v2sf) =	vpush v33, $0xF;
	v33 =	vld [tilespmem:$0xCA0];
	v7 =	vadd.s32 v23, v7  }
0xc2: {  	v10 =	vld [tilespmem:$0x1FE30];
	v7 =	vadd.s32 v9, v7  }
0xc3: {  	v6 =	vadd.s32 v18, v6;
	v18 =	vadd.s32 v24, v7;
	v7 =	vld [tilespmem:$0x1FE40];
	v15 =	vmul.u32 v53, v49  }
0xc4: {  	v31 =	vld [tilespmem:$0xC20]  }
0xc5: {  	v0 =	vmul.u32 v55, v0;
	v49 =	vadd.s32 v22, v18;
	v18 =	vld [tilespmem:$0xE20];
	v6 =	vadd.s32 v15, v6  }
0xc6: {  	v1 =	vmul.u32 v32, v1;
	v15 =	vld [tilespmem:$0xD20];
	v6 =	vadd.s32 v16, v6  }
0xc7: {  	v4 =	vmul.u32 v59, v4;
	v2 =	vmul.u32 v10, v2;
	v16 =	vld [tilespmem:$0xDA0];
	v0 =	vadd.s32 v0, v6  }
0xc8: {  	v3 =	vmul.u32 v7, v3;
	v0 =	vadd.s32 v1, v0;
	v1 =	vadd.s32 v30, v49;
	v49 =	vld [tilespmem:$0xEA0]  }
0xc9: {  	v20 =	vmul.u32 v41, v20;
	v0 =	vadd.s32 v2, v0;
	v2 =	vld [tilespmem:$0x1FE60];
	v1 =	vadd.s32 v31, v1  }
0xca: {  	v6 =	vmovc v59;
	v59 =	vmov v41;
	v41 =	vld [tilespmem:$0xF20];
	v0 =	vadd.s32 v3, v0;
	v1 =	vadd.s32 v33, v1  }
0xcb: {  	v0 =	vadd.s32 v4, v0;
	v4 =	vmul.u32 v44, v35;
	v1 =	vadd.s32 v15, v1;
	v35 =	vld [tilespmem:$0xFA0]  }
0xcc: {  	v3 =	vmul.u32 v45, v48;
	v1 =	vadd.s32 v16, v1  }
0xcd: {  	v19 =	vmul.u32 v39, v19;
	v1 =	vadd.s32 v18, v1  }
0xce: {  	v48 =	vmovc v45;
	v45 =	vmovc v44;
	v44 =	vmov v39;
	v3 =	vadd.s32 v3, v20;
	v1 =	vadd.s32 v49, v1  }
0xcf: {  	s30 =	spop (v2sf);
	v39 =	vmul.u32 v27, v43;
	v20 =	vld [tilespmem:$0x1020];
	[tilespmem:$0x1FCD0] =	vst v49;
	v3 =	vadd.s32 v4, v3;
	v1 =	vadd.s32 v41, v1  }
0xd0: {  	s29 =	spop (v2sf);
	v5 =	vmul.u32 v2, v5;
	v3 =	vadd.s32 v19, v3;
	v1 =	vadd.s32 v35, v1;
	v49 =	vmovc v35;
	v35 =	vld [tilespmem:$0x1FE70]  }
0xd1: {  	v51 =	vmul.u32 v21, v51;
	s28 =	sadd.s32 s30, s29;
	v43 =	vmul.u32 v57, v54;
	v3 =	vadd.s32 v39, v3  }
0xd2: {  	v0 =	vadd.s32 v5, v0;
	v5 =	vmul.u32 v17, v50;
	v3 =	vadd.s32 s28, v3  }
0xd3: {  	v54 =	vmovc v41;
	v41 =	vmov v21;
	v21 =	vmul.u32 v40, v47;
	v50 =	vadd.s32 v43, v3  }
0xd4: {  	v39 =	vld [tilespmem:$0x1FE80];
	v20 =	vadd.s32 v20, v1;
	v1 =	vadd.s32 v5, v50;
	v50 =	vmul.u32 v38, v46  }
0xd5: {  	v1 =	vadd.s32 v51, v1;
	v51 =	vmul.u32 v14, v42;
	v42 =	vld [tilespmem:$0x1FE90];
	v62 =	vmul.u32 v35, v62  }
0xd6: {  	v1 =	vadd.s32 v21, v1;
	v21 =	vmul.u32 v12, v29;
	v29 =	vld [tilespmem:$0x1FEA0]  }
0xd7: {  	v1 =	vadd.s32 v50, v1;
	v0 =	vadd.s32 v62, v0;
	v62 =	vmul.u32 v13, v37  }
0xd8: {  	v19 =	vmul.u32 v11, v36;
	v36 =	vld [tilespmem:$0x1FC90];
	v1 =	vadd.s32 v51, v1  }
0xd9: {  	v5 =	vld [tilespmem:$0xB0];
	v43 =	vmul.u32 v39, v63;
	v1 =	vadd.s32 v62, v1  }
0xda: {  	v63 =	vmul.u32 v42, v60;
	v1 =	vadd.s32 v21, v1;
	v21 =	vmul.u32 v52, v26;
	v26 =	vld [tilespmem:$0x1FC80]  }
0xdb: {  	v46 =	vmov v12;
	v12 =	vld [tilespmem:$0x1FCB0];
	v0 =	vadd.s32 v43, v0;
	v43 =	vmul.u32 v29, v61  }
0xdc: {  	(xrf0) =	vadd.scan.msk.s32 $0xffff, v20;
	v51 =	vmul.u32 v53, v28;
	v28 =	vld [tilespmem:$0x1FEC0];
	v0 =	vadd.s32 v63, v0  }
0xdd: {  	v0 =	vadd.s32 v43, v0;
	v43 =	vld [tilespmem:$0x1FEB0]  }
0xde: {  	v37 =	vmov v13;
	v13 =	vld [tilespmem:$0x1FCC0];
	v1 =	vadd.s32 v19, v1  }
0xdf: {  	v61 =	vmul.u32 v8, v34;
	v1 =	vadd.s32 v21, v1;
	v60 =	vadd.s32 v58, v26;
	v58 =	vld [tilespmem:$0x1FCA0]  }
0xe0: {  	v62 =	vmul.u32 v55, v25;
	v25 =	vld [tilespmem:$0x1FED0];
	v1 =	vadd.s32 v51, v1  }
0xe1: {  	v9 =	vmul.u32 v10, v9;
	v63 =	vmul.u32 v32, v23;
	v23 =	vmovc v10;
	v10 =	vld [tilespmem:$0x2B0];
	v1 =	vadd.s32 v61, v1  }
0xe2: {  	v61 =	vmul.u32 v35, v31;
	v31 =	vld [tilespmem:$0x3B0];
	v1 =	vadd.s32 v62, v1;
	v3 =	vmul.u32 v43, v36;
	v36, _, _ =	vpop (xrf0)  }
0xe3: {  	v26 =	vld [tilespmem:$0x1FEE0];
	v1 =	vadd.s32 v63, v1;
	(v2sf) =	vpush v36, $0xF  }
0xe4: {  	v1 =	vadd.s32 v9, v1;
	v9 =	vld [tilespmem:$0x230];
	v4 =	vmul.u32 v28, v58  }
0xe5: {  	v34 =	vmul.u32 v7, v24;
	v0 =	vadd.s32 v3, v0;
	v3 =	vld [tilespmem:$0x130]  }
0xe6: {  	v51 =	vmul.u32 v6, v22;
	v0 =	vadd.s32 v4, v0;
	v4 =	vld [tilespmem:$0x1B0]  }
0xe7: {  	v19 =	vmov v8;
	v8 =	vmul.u32 v25, v12;
	v1 =	vadd.s32 v34, v1;
	v34 =	vld [tilespmem:$0x430]  }
0xe8: {  	v62 =	vmul.u32 v39, v33;
	v1 =	vadd.s32 v51, v1;
	v51 =	vld [tilespmem:$0x4B0];
	v58 =	vmul.u32 v2, v30  }
0xe9: {  	v47 =	vmovc v14;
	v33 =	vmul.u32 v29, v16;
	v63 =	vmul.u32 v42, v15;
	v0 =	vadd.s32 v8, v0;
	v8 =	vld [tilespmem:$0x330]  }
0xea: {  	v50 =	vmovc v11;
	v16 =	vld [tilespmem:$0x1FF90];
	v14 =	vmul.u32 v26, v13;
	v1 =	vadd.s32 v58, v1;
	v30 =	vadd.s32 v5, v3  }
0xeb: {  	v22 =	vmovc v2;
	v2 =	vmul.u32 v43, v18;
	v58 =	vld [tilespmem:$0x530];
	v1 =	vadd.s32 v61, v1;
	v11 =	vadd.s32 v4, v30  }
0xec: {  	v5 =	vmul.u32 v48, v5;
	v3 =	vmul.u32 v59, v3;
	v61 =	vld [tilespmem:$0x5B0];
	v11 =	vadd.s32 v9, v11  }
0xed: {  	v12 =	vmul.u32 v41, v34;
	v41 =	vld [tilespmem:$0x930];
	v0 =	vadd.s32 v14, v0;
	v11 =	vadd.s32 v10, v11  }
0xee: {  	v48 =	vld [tilespmem:$0xB30];
	v1 =	vadd.s32 v62, v1;
	v13 =	vmul.u32 v40, v51;
	v59 =	vadd.s32 v8, v11  }
0xef: {  	v24 =	vmovc v7;
	v62 =	vld [tilespmem:$0x630];
	v1 =	vadd.s32 v63, v1;
	v4 =	vmul.u32 v45, v4;
	v7 =	vadd.s32 v31, v59  }
0xf0: {  	v3 =	vadd.s32 v5, v3;
	v63 =	vld [tilespmem:$0x6B0];
	v9 =	vmul.u32 v44, v9;
	v7 =	vadd.s32 v34, v7  }
0xf1: {  	v10 =	vmul.u32 v27, v10;
	v3 =	vadd.s32 v4, v3;
	v27 =	vld [tilespmem:$0x730];
	v18 =	vadd.s32 v51, v7  }
0xf2: {  	v21 =	vmovc v6;
	v1 =	vadd.s32 v33, v1;
	v30 =	vld [tilespmem:$0x7B0];
	v3 =	vadd.s32 v9, v3;
	s31 =	spop (v2sf);
	v6 =	vadd.s32 v58, v18  }
0xf3: {  	v33 =	vld [tilespmem:$0x830];
	v8 =	vmul.u32 v57, v8;
	v3 =	vadd.s32 v10, v3;
	s28 =	sadd.s32 s28, s31;
	v6 =	vadd.s32 v61, v6  }
0xf4: {  	v31 =	vmul.u32 v17, v31;
	v34 =	vld [tilespmem:$0x8B0];
	v3 =	vadd.s32 s28, v3;
	v6 =	vadd.s32 v62, v6  }
0xf5: {  	v15 =	vmul.u32 v38, v58;
	v45 =	vld [tilespmem:$0xA30];
	v3 =	vadd.s32 v8, v3;
	v6 =	vadd.s32 v63, v6  }
0xf6: {  	v44 =	vld [tilespmem:$0x9B0];
	v5 =	vmul.u32 v37, v62;
	v3 =	vadd.s32 v31, v3;
	v6 =	vadd.s32 v27, v6  }
0xf7: {  	v11 =	vmul.u32 v47, v61;
	v47 =	vld [tilespmem:$0xAB0];
	v3 =	vadd.s32 v12, v3;
	v6 =	vadd.s32 v30, v6  }
0xf8: {  	v4 =	vmul.u32 v46, v63;
	v57 =	vld [tilespmem:$0xDB0];
	v3 =	vadd.s32 v13, v3;
	v6 =	vadd.s32 v33, v6  }
0xf9: {  	v14 =	vmul.u32 v53, v33;
	v53 =	vld [tilespmem:$0xD30];
	v3 =	vadd.s32 v15, v3;
	v6 =	vadd.s32 v34, v6  }
0xfa: {  	v7 =	vmul.u32 v50, v27;
	v50 =	vld [tilespmem:$0xBB0];
	v3 =	vadd.s32 v11, v3;
	v6 =	vadd.s32 v41, v6  }
0xfb: {  	v1 =	vadd.s32 v2, v1;
	v51 =	vld [tilespmem:$0xC30];
	v3 =	vadd.s32 v5, v3;
	v6 =	vadd.s32 v44, v6  }
0xfc: {  	v9 =	vmul.u32 v52, v30;
	v52 =	vld [tilespmem:$0xCB0];
	v3 =	vadd.s32 v4, v3;
	v6 =	vadd.s32 v45, v6  }
0xfd: {  	v10 =	vmul.u32 v55, v41;
	v59 =	vld [tilespmem:$0xEB0];
	v3 =	vadd.s32 v7, v3;
	v6 =	vadd.s32 v47, v6  }
0xfe: {  	v58 =	vld [tilespmem:$0xE30];
	v8 =	vmul.u32 v19, v34;
	v3 =	vadd.s32 v9, v3;
	v6 =	vadd.s32 v48, v6  }
0xff: {  	v61 =	vld [tilespmem:$0xF30];
	v12 =	vmul.u32 v32, v44;
	v3 =	vadd.s32 v14, v3;
	v6 =	vadd.s32 v50, v6  }
0x100: {  	v62 =	vld [tilespmem:$0xFB0];
	v13 =	vmul.u32 v23, v45;
	v3 =	vadd.s32 v8, v3;
	v6 =	vadd.s32 v51, v6  }
0x101: {  	v63 =	vld [tilespmem:$0x1030];
	v15 =	vmul.u32 v24, v47;
	v3 =	vadd.s32 v10, v3;
	v6 =	vadd.s32 v52, v6  }
0x102: {  	v11 =	vmul.u32 v21, v48;
	v21 =	vld [tilespmem:$0x1FCD0];
	v3 =	vadd.s32 v12, v3;
	v6 =	vadd.s32 v53, v6  }
0x103: {  	v19 =	vmul.u32 v39, v52;
	v33 =	vld [tilespmem:$0x1FCE0];
	v3 =	vadd.s32 v13, v3;
	v6 =	vadd.s32 v57, v6  }
0x104: {  	v5 =	vmul.u32 v22, v50;
	v34 =	vld [tilespmem:$0x0];
	v3 =	vadd.s32 v15, v3;
	v6 =	vadd.s32 v58, v6  }
0x105: {  	v4 =	vmul.u32 v35, v51;
	v35 =	vld [tilespmem:$0x1FCF0];
	v3 =	vadd.s32 v11, v3;
	v18 =	vadd.s32 v59, v6  }
0x106: {  	v23 =	vmul.u32 v29, v57;
	v7 =	vld [tilespmem:$0x1FF00];
	v17 =	vadd.s32 v5, v3;
	v3 =	vadd.s32 v61, v18  }
0x107: {  	v22 =	vmul.u32 v42, v53;
	v9 =	vld [tilespmem:$0x1FF20];
	v2 =	vadd.s32 v4, v17;
	v3 =	vadd.s32 v62, v3  }
0x108: {  	v27 =	vmul.u32 v25, v54;
	v14 =	vld [tilespmem:$0x1FF70];
	v2 =	vadd.s32 v19, v2;
	v3 =	vadd.s32 v63, v3  }
0x109: {  	v24 =	vmul.u32 v43, v58;
	v8 =	vld [tilespmem:$0x1FF10];
	v5 =	vmul.u32 v28, v21;
	v2 =	vadd.s32 v22, v2;
	(xrf0) =	vadd.scan.msk.s32 $0xffff, v3  }
0x10a: {  	v29 =	vmul.u32 v28, v59;
	v30 =	vmul.u32 v26, v49;
	v10 =	vld [tilespmem:$0x1FF30];
	v2 =	vadd.s32 v23, v2  }
0x10b: {  	v31 =	vmul.u32 v25, v61;
	v12 =	vld [tilespmem:$0x1FF50];
	v1 =	vadd.s32 v5, v1;
	v2 =	vadd.s32 v24, v2  }
0x10c: {  	v32 =	vmul.u32 v26, v62;
	v13 =	vld [tilespmem:$0x1FF60];
	v1 =	vadd.s32 v27, v1;
	v2 =	vadd.s32 v29, v2  }
0x10d: {  	[tilespmem:$0x1080] =	vst v60;
	v0 =	vsub.s32 v0, v33;
	v15 =	vld [tilespmem:$0x1FF80];
	v1 =	vadd.s32 v30, v1;
	v2 =	vadd.s32 v31, v2  }
0x10e: {  	[tilespmem:$0xD180] =	vst v34;
	v0 =	vadd.s32 v35, v0;
	v11 =	vld [tilespmem:$0x1FF40];
	v1 =	vsub.s32 v1, v20;
	v2 =	vadd.s32 v32, v2  }
0x10f: {  	[tilespmem:$0x1090] =	vst v0;
	v21 =	vld [tilespmem:$0x1FFE0];
	v36 =	vadd.s32 v36, v1;
	v2 =	vsub.s32 v2, v3;
	v37, _, _ =	vpop (xrf0)  }
0x110: {  	v17 =	vld [tilespmem:$0x1FFA0];
	[tilespmem:$0x10A0] =	vst v36;
	v38 =	vadd.s32 v37, v2  }
0x111: {  	v18 =	vld [tilespmem:$0x1FFB0];
	[tilespmem:$0x10B0] =	vst v38  }
0x112: {  	v0 =	vld.idx.msk [tilespmem:v7+s9+$0x0], $0xffff  }
0x113: {  	v39 =	vld.idx.msk [tilespmem:v8+s9+$0x0], $0xffff  }
0x114: {  	v40 =	vld.idx.msk [tilespmem:v9+s9+$0x0], $0xffff  }
0x115: {  	v41 =	vld.idx.msk [tilespmem:v10+s9+$0x0], $0xffff  }
0x116: {  	v19 =	vld [tilespmem:$0x1FFC0]  }
0x117: {  	vm3 =	vcmask $0x3F04;
	vm15 =	vcmask $0x3F34;
	v42 =	vld.idx.msk [tilespmem:v11+s9+$0x0], $0xffff;
	vm1 =	veq.s32 v0, v34  }
0x118: {  	v43 =	vld.idx.msk [tilespmem:v12+s9+$0x0], $0xffff;
	vm2 =	veq.s32 v39, v34;
	vm1 =	vmand vm1, vm3;
	vm3 =	vcmask $0x3F30  }
0x119: {  	v45 =	vld.idx.msk [tilespmem:v13+s9+$0x0], $0xffff;
	v44 =	vsel vm1, $0x1, v56;
	vm1 =	vmand vm2, vm4;
	vm2 =	veq.s32 v40, v34  }
0x11a: {  	v20 =	vld [tilespmem:$0x1FFD0];
	v46 =	vsel vm1, $0x1, v56;
	vm1 =	vmand vm2, vm5;
	vm2 =	veq.s32 v41, v34  }
0x11b: {  	v49 =	vld.idx.msk [tilespmem:v14+s9+$0x0], $0xffff;
	v47 =	vadd.s32 v44, v46;
	v48 =	vsel vm1, $0x1, v56;
	vm1 =	vmand vm2, vm6  }
0x11c: {  	v51 =	vld.idx.msk [tilespmem:v15+s9+$0x0], $0xffff;
	v3 =	vadd.s32 v48, v47;
	v50 =	vsel vm1, $0x1, v56;
	vm1 =	veq.s32 v42, v34  }
0x11d: {  	v52 =	vld.idx.msk [tilespmem:v16+s9+$0x0], $0xffff;
	vm2 =	veq.s32 v43, v34;
	v3 =	vadd.s32 v50, v3;
	vm1 =	vmand vm1, vm7  }
0x11e: {  	v53 =	vsel vm1, $0x1, v56;
	vm1 =	vmand vm2, vm8;
	vm2 =	veq.s32 v45, v34  }
0x11f: {  	v57 =	vld.idx.msk [tilespmem:v17+s9+$0x0], $0xffff;
	v54 =	vadd.s32 v53, v3;
	v55 =	vsel vm1, $0x1, v56;
	vm1 =	vmand vm2, vm9  }
0x120: {  	v59 =	vld.idx.msk [tilespmem:v18+s9+$0x0], $0xffff;
	v2 =	vadd.s32 v55, v54;
	v58 =	vsel vm1, $0x1, v56;
	vm1 =	veq.s32 v49, v34  }
0x121: {  	v60 =	vld.idx.msk [tilespmem:v19+s9+$0x0], $0xffff;
	vm2 =	veq.s32 v51, v34;
	v2 =	vadd.s32 v58, v2;
	vm1 =	vmand vm1, vm10  }
0x122: {  	v61 =	vsel vm1, $0x1, v56;
	vm1 =	vmand vm2, vm11;
	vm2 =	veq.s32 v52, v34  }
0x123: {  	v24 =	vld.idx.msk [tilespmem:v20+s9+$0x0], $0xffff;
	v62 =	vadd.s32 v61, v2;
	v63 =	vsel vm1, $0x1, v56;
	vm1 =	vmand vm2, vm12  }
0x124: {  	v26 =	vld.idx.msk [tilespmem:v21+s9+$0x0], $0xffff;
	v1 =	vadd.s32 v63, v62;
	v25 =	vsel vm1, $0x1, v56;
	vm1 =	veq.s32 v57, v34  }
0x125: {  	vm2 =	veq.s32 v59, v34;
	v1 =	vadd.s32 v25, v1;
	vm1 =	vmand vm1, vm13  }
0x126: {  	v27 =	vld.idx.msk [tilespmem:v34+s10+$0x0], $0xffff;
	v28 =	vsel vm1, $0x1, v56;
	vm1 =	vmand vm2, vm3;
	vm2 =	veq.s32 v60, v34  }
0x127: {  	v29 =	vadd.s32 v28, v1;
	v30 =	vsel vm1, $0x1, v56;
	vm1 =	vmand vm2, vm15  }
0x128: {  	vm15 =	vcmask $0x3F38;
	v31 =	vsel vm1, $0x1, v56;
	vm1 =	veq.s32 v24, v34  }
0x129: {  	vm2 =	veq.s32 v26, v34;
	v0 =	vadd.s32 v30, v29;
	vm1 =	vmand vm1, vm15  }
0x12a: {  	v0 =	vadd.s32 v31, v0;
	v32 =	vsel vm1, $0x1, v56;
	vm1 =	vcmask $0x3F3C  }
0x12b: {  	v0 =	vadd.s32 v27, v0;
	vm1 =	vmand vm2, vm1  }
0x12c: {  	v0 =	vadd.s32 v32, v0;
	v33 =	vsel vm1, $0x1, v56  }
0x12d: {  	v0 =	vadd.s32 v33, v0  }
0x12e: {  	v22 =	vimm.s32 $0x1;
	[tilespmem:$0x1100] =	vst v0  }
0x12f: {  	[tilespmem:v34+s10+$0x0] =	vst.idx.add.s32.msk $0xffff, v22  }
0x130: {  	v34 =	vld [tilespmem:$0x10];
	_ =	sdelay $0x4  }
0x131: {  	[tilespmem:$0xD180] =	vst v34  }
0x132: {  	v35 =	vld.idx.msk [tilespmem:v7+s9+$0x0], $0xffff  }
0x133: {  	v36 =	vld.idx.msk [tilespmem:v8+s9+$0x0], $0xffff  }
0x134: {  	v37 =	vld.idx.msk [tilespmem:v9+s9+$0x0], $0xffff  }
0x135: {  	v38 =	vld.idx.msk [tilespmem:v10+s9+$0x0], $0xffff;
	_ =	sdelay $0x1  }
0x136: {  	vm0 =	vcmask $0x3F04;
	v39 =	vld.idx.msk [tilespmem:v11+s9+$0x0], $0xffff;
	vm1 =	veq.s32 v35, v34  }
0x137: {  	v40 =	vld.idx.msk [tilespmem:v12+s9+$0x0], $0xffff;
	vm2 =	veq.s32 v36, v34;
	vm1 =	vmand vm1, vm0  }
0x138: {  	v42 =	vld.idx.msk [tilespmem:v13+s9+$0x0], $0xffff;
	v41 =	vsel vm1, $0x1, v56;
	vm1 =	vmand vm2, vm4;
	vm2 =	veq.s32 v37, v34  }
0x139: {  	v43 =	vsel vm1, $0x1, v56;
	vm1 =	vmand vm2, vm5;
	vm2 =	veq.s32 v38, v34  }
0x13a: {  	v46 =	vld.idx.msk [tilespmem:v14+s9+$0x0], $0xffff;
	v45 =	vsel vm1, $0x1, v56;
	vm1 =	vmand vm2, vm6  }
0x13b: {  	v48 =	vld.idx.msk [tilespmem:v15+s9+$0x0], $0xffff;
	v44 =	vadd.s32 v41, v43;
	v47 =	vsel vm1, $0x1, v56;
	vm1 =	veq.s32 v39, v34  }
0x13c: {  	v49 =	vld.idx.msk [tilespmem:v16+s9+$0x0], $0xffff;
	vm2 =	veq.s32 v40, v34;
	v4 =	vadd.s32 v45, v44;
	vm1 =	vmand vm1, vm7  }
0x13d: {  	v50 =	vsel vm1, $0x1, v56;
	vm1 =	vmand vm2, vm8;
	vm2 =	veq.s32 v42, v34  }
0x13e: {  	v53 =	vld.idx.msk [tilespmem:v17+s9+$0x0], $0xffff;
	v4 =	vadd.s32 v47, v4;
	v52 =	vsel vm1, $0x1, v56;
	vm1 =	vmand vm2, vm9  }
0x13f: {  	v51 =	vadd.s32 v50, v4;
	v54 =	vsel vm1, $0x1, v56;
	vm1 =	veq.s32 v46, v34  }
0x140: {  	v55 =	vld.idx.msk [tilespmem:v18+s9+$0x0], $0xffff;
	vm2 =	veq.s32 v48, v34;
	v3 =	vadd.s32 v52, v51;
	vm1 =	vmand vm1, vm10  }
0x141: {  	v57 =	vld.idx.msk [tilespmem:v19+s9+$0x0], $0xffff;
	v58 =	vsel vm1, $0x1, v56;
	vm1 =	vmand vm2, vm11;
	vm2 =	veq.s32 v49, v34  }
0x142: {  	v63 =	vld.idx.msk [tilespmem:v21+s9+$0x0], $0xffff;
	v3 =	vadd.s32 v54, v3;
	v60 =	vsel vm1, $0x1, v56;
	vm1 =	vmand vm2, vm12  }
0x143: {  	v61 =	vld.idx.msk [tilespmem:v20+s9+$0x0], $0xffff;
	v59 =	vadd.s32 v58, v3;
	v62 =	vsel vm1, $0x1, v56;
	vm1 =	veq.s32 v53, v34  }
0x144: {  	v2 =	vadd.s32 v60, v59;
	vm1 =	vmand vm1, vm13  }
0x145: {  	v23 =	vld.idx.msk [tilespmem:v34+s10+$0x0], $0xffff;
	vm2 =	veq.s32 v55, v34;
	v2 =	vadd.s32 v62, v2;
	v24 =	vsel vm1, $0x1, v56  }
0x146: {  	vm1 =	vmand vm2, vm3;
	vm2 =	veq.s32 v57, v34;
	v25 =	vadd.s32 v24, v2  }
0x147: {  	v26 =	vsel vm1, $0x1, v56;
	vm1 =	vmand vm2, vm14;
	vm2 =	veq.s32 v63, v34  }
0x148: {  	v1 =	vadd.s32 v26, v25;
	v27 =	vsel vm1, $0x1, v56;
	vm1 =	veq.s32 v61, v34  }
0x149: {  	v1 =	vadd.s32 v27, v1;
	vm1 =	vmand vm1, vm15;
	vm15 =	vcmask $0x3F3C  }
0x14a: {  	v28 =	vsel vm1, $0x1, v56;
	vm1 =	vmand vm2, vm15;
	v1 =	vadd.s32 v23, v1  }
0x14b: {  	v29 =	vsel vm1, $0x1, v56;
	v1 =	vadd.s32 v28, v1  }
0x14c: {  	v1 =	vadd.s32 v29, v1  }
0x14d: {  	[tilespmem:$0x1110] =	vst v1  }
0x14e: {  	[tilespmem:v34+s10+$0x0] =	vst.idx.add.s32.msk $0xffff, v22  }
0x14f: {  	v0 =	vld [tilespmem:$0x20];
	_ =	sdelay $0x4  }
0x150: {  	[tilespmem:$0xD180] =	vst v0  }
0x151: {  	v1 =	vld.idx.msk [tilespmem:v7+s9+$0x0], $0xffff  }
0x152: {  	v30 =	vld.idx.msk [tilespmem:v8+s9+$0x0], $0xffff  }
0x153: {  	v31 =	vld.idx.msk [tilespmem:v9+s9+$0x0], $0xffff  }
0x154: {  	v32 =	vld.idx.msk [tilespmem:v10+s9+$0x0], $0xffff;
	_ =	sdelay $0x1  }
0x155: {  	v33 =	vld.idx.msk [tilespmem:v11+s9+$0x0], $0xffff;
	vm1 =	veq.s32 v1, v0  }
0x156: {  	v34 =	vld.idx.msk [tilespmem:v12+s9+$0x0], $0xffff;
	vm2 =	veq.s32 v30, v0;
	vm1 =	vmand vm1, vm0  }
0x157: {  	v36 =	vld.idx.msk [tilespmem:v13+s9+$0x0], $0xffff;
	v35 =	vsel vm1, $0x1, v56;
	vm1 =	vmand vm2, vm4;
	vm2 =	veq.s32 v31, v0  }
0x158: {  	v37 =	vsel vm1, $0x1, v56;
	vm1 =	vmand vm2, vm5;
	vm2 =	veq.s32 v32, v0  }
0x159: {  	v40 =	vld.idx.msk [tilespmem:v14+s9+$0x0], $0xffff;
	v39 =	vsel vm1, $0x1, v56;
	vm1 =	vmand vm2, vm6  }
0x15a: {  	v42 =	vld.idx.msk [tilespmem:v15+s9+$0x0], $0xffff;
	v38 =	vadd.s32 v35, v37;
	v41 =	vsel vm1, $0x1, v56;
	vm1 =	veq.s32 v33, v0  }
0x15b: {  	v43 =	vld.idx.msk [tilespmem:v16+s9+$0x0], $0xffff;
	vm2 =	veq.s32 v34, v0;
	v4 =	vadd.s32 v39, v38;
	vm1 =	vmand vm1, vm7  }
0x15c: {  	v44 =	vsel vm1, $0x1, v56;
	vm1 =	vmand vm2, vm8;
	vm2 =	veq.s32 v36, v0  }
0x15d: {  	v47 =	vld.idx.msk [tilespmem:v17+s9+$0x0], $0xffff;
	v4 =	vadd.s32 v41, v4;
	v46 =	vsel vm1, $0x1, v56;
	vm1 =	vmand vm2, vm9  }
0x15e: {  	v45 =	vadd.s32 v44, v4;
	v48 =	vsel vm1, $0x1, v56;
	vm1 =	veq.s32 v40, v0  }
0x15f: {  	v49 =	vld.idx.msk [tilespmem:v18+s9+$0x0], $0xffff;
	vm2 =	veq.s32 v42, v0;
	v3 =	vadd.s32 v46, v45;
	vm1 =	vmand vm1, vm10  }
0x160: {  	v50 =	vld.idx.msk [tilespmem:v19+s9+$0x0], $0xffff;
	v51 =	vsel vm1, $0x1, v56;
	vm1 =	vmand vm2, vm11;
	vm2 =	veq.s32 v43, v0  }
0x161: {  	v3 =	vadd.s32 v48, v3;
	v53 =	vsel vm1, $0x1, v56;
	vm1 =	vmand vm2, vm12  }
0x162: {  	v54 =	vld.idx.msk [tilespmem:v20+s9+$0x0], $0xffff;
	v52 =	vadd.s32 v51, v3;
	v55 =	vsel vm1, $0x1, v56;
	vm1 =	veq.s32 v47, v0  }
0x163: {  	v57 =	vld.idx.msk [tilespmem:v21+s9+$0x0], $0xffff;
	v2 =	vadd.s32 v53, v52;
	vm1 =	vmand vm1, vm13  }
0x164: {  	v58 =	vld.idx.msk [tilespmem:v0+s10+$0x0], $0xffff;
	vm2 =	veq.s32 v49, v0;
	v2 =	vadd.s32 v55, v2;
	v59 =	vsel vm1, $0x1, v56  }
0x165: {  	vm1 =	vmand vm2, vm3;
	vm2 =	veq.s32 v50, v0;
	v60 =	vadd.s32 v59, v2  }
0x166: {  	v61 =	vsel vm1, $0x1, v56;
	vm1 =	vmand vm2, vm14;
	vm2 =	vcmask $0x3F38  }
0x167: {  	v1 =	vadd.s32 v61, v60;
	v62 =	vsel vm1, $0x1, v56;
	vm1 =	veq.s32 v54, v0  }
0x168: {  	v1 =	vadd.s32 v62, v1;
	vm1 =	vmand vm1, vm2;
	vm2 =	veq.s32 v57, v0  }
0x169: {  	v63 =	vsel vm1, $0x1, v56;
	vm1 =	vmand vm2, vm15;
	v1 =	vadd.s32 v58, v1  }
0x16a: {  	v6 =	vsel vm1, $0x1, v56;
	v1 =	vadd.s32 v63, v1  }
0x16b: {  	v1 =	vadd.s32 v6, v1  }
0x16c: {  	[tilespmem:$0x1120] =	vst v1  }
0x16d: {  	[tilespmem:v0+s10+$0x0] =	vst.idx.add.s32.msk $0xffff, v22  }
0x16e: {  	v0 =	vld [tilespmem:$0x30];
	_ =	sdelay $0x4  }
0x16f: {  	[tilespmem:$0xD180] =	vst v0  }
0x170: {  	v1 =	vld.idx.msk [tilespmem:v7+s9+$0x0], $0xffff  }
0x171: {  	v8 =	vld.idx.msk [tilespmem:v8+s9+$0x0], $0xffff  }
0x172: {  	v9 =	vld.idx.msk [tilespmem:v9+s9+$0x0], $0xffff  }
0x173: {  	v10 =	vld.idx.msk [tilespmem:v10+s9+$0x0], $0xffff;
	_ =	sdelay $0x1  }
0x174: {  	v11 =	vld.idx.msk [tilespmem:v11+s9+$0x0], $0xffff;
	vm1 =	veq.s32 v1, v0  }
0x175: {  	v23 =	vld.idx.msk [tilespmem:v12+s9+$0x0], $0xffff;
	vm2 =	veq.s32 v8, v0;
	vm1 =	vmand vm1, vm0;
	vm0 =	vcmask $0x3F38  }
0x176: {  	v25 =	vld.idx.msk [tilespmem:v13+s9+$0x0], $0xffff;
	v24 =	vsel vm1, $0x1, v56;
	vm1 =	vmand vm2, vm4;
	vm2 =	veq.s32 v9, v0  }
0x177: {  	v26 =	vsel vm1, $0x1, v56;
	vm1 =	vmand vm2, vm5;
	vm2 =	veq.s32 v10, v0  }
0x178: {  	v29 =	vld.idx.msk [tilespmem:v14+s9+$0x0], $0xffff;
	v27 =	vadd.s32 v24, v26;
	v28 =	vsel vm1, $0x1, v56;
	vm1 =	vmand vm2, vm6  }
0x179: {  	v31 =	vld.idx.msk [tilespmem:v15+s9+$0x0], $0xffff;
	v4 =	vadd.s32 v28, v27;
	v30 =	vsel vm1, $0x1, v56;
	vm1 =	veq.s32 v11, v0  }
0x17a: {  	v32 =	vld.idx.msk [tilespmem:v16+s9+$0x0], $0xffff;
	vm2 =	veq.s32 v23, v0;
	v4 =	vadd.s32 v30, v4;
	vm1 =	vmand vm1, vm7  }
0x17b: {  	v36 =	vld.idx.msk [tilespmem:v17+s9+$0x0], $0xffff;
	v33 =	vsel vm1, $0x1, v56;
	vm1 =	vmand vm2, vm8;
	vm2 =	veq.s32 v25, v0  }
0x17c: {  	v38 =	vld.idx.msk [tilespmem:v18+s9+$0x0], $0xffff;
	v34 =	vadd.s32 v33, v4;
	v35 =	vsel vm1, $0x1, v56;
	vm1 =	vmand vm2, vm9  }
0x17d: {  	v3 =	vadd.s32 v35, v34;
	v37 =	vsel vm1, $0x1, v56;
	vm1 =	veq.s32 v29, v0  }
0x17e: {  	v39 =	vld.idx.msk [tilespmem:v19+s9+$0x0], $0xffff;
	vm2 =	veq.s32 v31, v0;
	v3 =	vadd.s32 v37, v3;
	vm1 =	vmand vm1, vm10  }
0x17f: {  	v40 =	vsel vm1, $0x1, v56;
	vm1 =	vmand vm2, vm11;
	vm2 =	veq.s32 v32, v0  }
0x180: {  	v43 =	vld.idx.msk [tilespmem:v20+s9+$0x0], $0xffff;
	v41 =	vadd.s32 v40, v3;
	v42 =	vsel vm1, $0x1, v56;
	vm1 =	vmand vm2, vm12  }
0x181: {  	v45 =	vld.idx.msk [tilespmem:v21+s9+$0x0], $0xffff;
	vm2 =	veq.s32 v38, v0;
	v44 =	vsel vm1, $0x1, v56;
	vm1 =	veq.s32 v36, v0  }
0x182: {  	v46 =	vld.idx.msk [tilespmem:v0+s10+$0x0], $0xffff;
	v2 =	vadd.s32 v42, v41;
	vm2 =	vmand vm2, vm3;
	vm1 =	vmand vm1, vm13  }
0x183: {  	v2 =	vadd.s32 v44, v2;
	v47 =	vsel vm1, $0x1, v56;
	vm1 =	veq.s32 v39, v0  }
0x184: {  	v49 =	vsel vm2, $0x1, v56;
	v48 =	vadd.s32 v47, v2;
	vm1 =	vmand vm1, vm14  }
0x185: {  	vm2 =	veq.s32 v43, v0;
	v1 =	vadd.s32 v49, v48;
	v50 =	vsel vm1, $0x1, v56  }
0x186: {  	vm1 =	vmand vm2, vm0;
	vm2 =	veq.s32 v45, v0;
	v1 =	vadd.s32 v50, v1  }
0x187: {  	v51 =	vsel vm1, $0x1, v56;
	vm1 =	vmand vm2, vm15;
	v1 =	vadd.s32 v46, v1  }
0x188: {  	v52 =	vsel vm1, $0x1, v56;
	v1 =	vadd.s32 v51, v1  }
0x189: {  	v1 =	vadd.s32 v52, v1  }
0x18a: {  	s30 =	rddreg [dreg:$0x6];
	[tilespmem:$0x1130] =	vst v1  }
0x18b: {  	s31 =	rddreg [dreg:$0x9];
	[tilespmem:v0+s10+$0x0] =	vst.idx.add.s32.msk $0xffff, v22  }
0x18c: {  	[hbm4b:s30+s3] =	stream.linear.scatter [tilespmem:s31], [sflag:$0x2], $0x40, $0x38;
	[tilespmem:$0xD200] =	vst v63  }
0x18d: {  	_ =	swait.ge [sflag:s8], $0x40  }
0x18e: {  	[sflag:s8] =	ssyncset.done $0x0  }
0x18f: {  	s29 =	rddreg [dreg:$0x7];
	[sflag:s8] =	ssyncadd.s32 $0xFFFFFFC0  }
0x190: {  	[tilespmem:s11], [sflag:$0x2] =	stream.linear.gather [hbm4b:s29+s3], $0xC000, $0x38;
	[tilespmem:$0xD200] =	vst v63  }
0x191: {  	_ =	swait.ge [sflag:s8], $0xC000  }
0x192: {  	[sflag:s8] =	ssyncset.done $0x0  }
0x193: {  	[sflag:s8] =	ssyncadd.s32 $0xFFFF4000  }
0x194: {  	v53 =	vld [tilespmem:$0x1100];
	_ =	sdelay $0x3  }
0x195: {  	v58 =	vld [tilespmem:$0x1FFF0]  }
0x196: {  	v54 =	vshrl.u32 v53, $0x3  }
0x197: {  	v1 =	vmul.u32 $0x30, v54  }
0x198: {  	v55 =	vlaneseq.u32;
	v0 =	vand.u32 $0x7, v53  }
0x199: {  	v57 =	vshrl.u32 v55, $0x3;
	v0 =	vor.u32 v0, v1  }
0x19a: {  	v1 =	vmul.u32 $0x8, v57;
	v59 =	vperm.xlane v0, v58  }
0x19b: {  	v60 =	vld [tilespmem:$0x1FEF0]  }
0x19c: {  	v2 =	vadd.s32 v1, v59;
	_ =	sdelay $0x2  }
0x19d: {  	v3 =	vor.u32 $0x8, v55  }
0x19e: {  	vm0 =	vnez.u8 v60;
	v0 =	vperm.xlane v0, v3  }
0x19f: {  	[hbm4b:s2+s3] =	stream.indirect_vreg.scatter [tilespmem:s11], [sflag:$0x1], $0x80, v2, vm0, $0xb8;
	[tilespmem:$0xD200] =	vst v63  }
0x1a0: {  	s30 =	rddreg [dreg:$0xa];
	v0 =	vadd.s32 v1, v0  }
0x1a1: {  	[hbm4b:s5+s3] =	stream.indirect_vreg.scatter [tilespmem:s30], [sflag:$0x1], $0x80, v2, vm0, $0xb8;
	[tilespmem:$0xD200] =	vst v63  }
0x1a2: {  	s31 =	rddreg [dreg:$0xb]  }
0x1a3: {  	[hbm4b:s6+s3] =	stream.indirect_vreg.scatter [tilespmem:s31], [sflag:$0x1], $0x80, v2, vm0, $0xb8;
	[tilespmem:$0xD200] =	vst v63  }
0x1a4: {  	s30 =	rddreg [dreg:$0xc]  }
0x1a5: {  	[hbm4b:s2+s3] =	stream.indirect_vreg.scatter [tilespmem:s30], [sflag:$0x1], $0x80, v0, vm0, $0xb8;
	[tilespmem:$0xD200] =	vst v63  }
0x1a6: {  	s31 =	rddreg [dreg:$0xd]  }
0x1a7: {  	[hbm4b:s5+s3] =	stream.indirect_vreg.scatter [tilespmem:s31], [sflag:$0x1], $0x80, v0, vm0, $0xb8;
	[tilespmem:$0xD200] =	vst v63  }
0x1a8: {  	s30 =	rddreg [dreg:$0xe]  }
0x1a9: {  	[hbm4b:s6+s3] =	stream.indirect_vreg.scatter [tilespmem:s30], [sflag:$0x1], $0x80, v0, vm0, $0xb8;
	[tilespmem:$0xD200] =	vst v63  }
0x1aa: {  	v0 =	vld [tilespmem:$0x1110];
	_ =	sdelay $0x4  }
0x1ab: {  	v61 =	vshrl.u32 v0, $0x3  }
0x1ac: {  	v2 =	vmul.u32 $0x30, v61  }
0x1ad: {  	v0 =	vand.u32 $0x7, v0  }
0x1ae: {  	v0 =	vor.u32 v0, v2  }
0x1af: {  	v2 =	vperm.xlane v0, v58;
	_ =	sdelay $0x1  }
0x1b0: {  	v2 =	vadd.s32 v1, v2;
	_ =	sdelay $0x3  }
0x1b1: {  	s31 =	rddreg [dreg:$0xf];
	v0 =	vperm.xlane v0, v3  }
0x1b2: {  	[hbm4b:s2+s3] =	stream.indirect_vreg.scatter [tilespmem:s31], [sflag:$0x1], $0x80, v2, vm0, $0xb8;
	[tilespmem:$0xD200] =	vst v63  }
0x1b3: {  	s30 =	rddreg [dreg:$0x10];
	v0 =	vadd.s32 v1, v0  }
0x1b4: {  	[hbm4b:s5+s3] =	stream.indirect_vreg.scatter [tilespmem:s30], [sflag:$0x1], $0x80, v2, vm0, $0xb8;
	[tilespmem:$0xD200] =	vst v63  }
0x1b5: {  	s31 =	rddreg [dreg:$0x11]  }
0x1b6: {  	[hbm4b:s6+s3] =	stream.indirect_vreg.scatter [tilespmem:s31], [sflag:$0x1], $0x80, v2, vm0, $0xb8;
	[tilespmem:$0xD200] =	vst v63  }
0x1b7: {  	_ = 	snop  }
0x1b8: {  	[hbm4b:s2+s3] =	stream.indirect_vreg.scatter [tilespmem:s12], [sflag:$0x1], $0x80, v0, vm0, $0xb8;
	[tilespmem:$0xD200] =	vst v63  }
0x1b9: {  	_ = 	snop  }
0x1ba: {  	[hbm4b:s5+s3] =	stream.indirect_vreg.scatter [tilespmem:s13], [sflag:$0x1], $0x80, v0, vm0, $0xb8;
	[tilespmem:$0xD200] =	vst v63  }
0x1bb: {  	_ = 	snop  }
0x1bc: {  	[hbm4b:s6+s3] =	stream.indirect_vreg.scatter [tilespmem:s14], [sflag:$0x1], $0x80, v0, vm0, $0xb8;
	[tilespmem:$0xD200] =	vst v63  }
0x1bd: {  	v0 =	vld [tilespmem:$0x1120];
	_ =	sdelay $0x4  }
0x1be: {  	v62 =	vshrl.u32 v0, $0x3  }
0x1bf: {  	v2 =	vmul.u32 $0x30, v62  }
0x1c0: {  	v0 =	vand.u32 $0x7, v0  }
0x1c1: {  	v0 =	vor.u32 v0, v2  }
0x1c2: {  	v2 =	vperm.xlane v0, v58;
	_ =	sdelay $0x1  }
0x1c3: {  	v2 =	vadd.s32 v1, v2;
	_ =	sdelay $0x3  }
0x1c4: {  	v0 =	vperm.xlane v0, v3  }
0x1c5: {  	[hbm4b:s2+s3] =	stream.indirect_vreg.scatter [tilespmem:s15], [sflag:$0x1], $0x80, v2, vm0, $0xb8;
	[tilespmem:$0xD200] =	vst v63  }
0x1c6: {  	v0 =	vadd.s32 v1, v0  }
0x1c7: {  	[hbm4b:s5+s3] =	stream.indirect_vreg.scatter [tilespmem:s16], [sflag:$0x1], $0x80, v2, vm0, $0xb8;
	[tilespmem:$0xD200] =	vst v63  }
0x1c8: {  	_ = 	snop  }
0x1c9: {  	[hbm4b:s6+s3] =	stream.indirect_vreg.scatter [tilespmem:s17], [sflag:$0x1], $0x80, v2, vm0, $0xb8;
	[tilespmem:$0xD200] =	vst v63  }
0x1ca: {  	_ = 	snop  }
0x1cb: {  	[hbm4b:s2+s3] =	stream.indirect_vreg.scatter [tilespmem:s18], [sflag:$0x1], $0x80, v0, vm0, $0xb8;
	[tilespmem:$0xD200] =	vst v63  }
0x1cc: {  	_ = 	snop  }
0x1cd: {  	[hbm4b:s5+s3] =	stream.indirect_vreg.scatter [tilespmem:s19], [sflag:$0x1], $0x80, v0, vm0, $0xb8;
	[tilespmem:$0xD200] =	vst v63  }
0x1ce: {  	_ = 	snop  }
0x1cf: {  	[hbm4b:s6+s3] =	stream.indirect_vreg.scatter [tilespmem:s20], [sflag:$0x1], $0x80, v0, vm0, $0xb8;
	[tilespmem:$0xD200] =	vst v63  }
0x1d0: {  	v0 =	vld [tilespmem:$0x1130];
	_ =	sdelay $0x4  }
0x1d1: {  	v63 =	vshrl.u32 v0, $0x3  }
0x1d2: {  	v2 =	vmul.u32 $0x30, v63  }
0x1d3: {  	v0 =	vand.u32 $0x7, v0  }
0x1d4: {  	v0 =	vor.u32 v0, v2  }
0x1d5: {  	v2 =	vperm.xlane v0, v58;
	_ =	sdelay $0x1  }
0x1d6: {  	v2 =	vadd.s32 v1, v2;
	_ =	sdelay $0x3  }
0x1d7: {  	v0 =	vperm.xlane v0, v3  }
0x1d8: {  	[hbm4b:s2+s3] =	stream.indirect_vreg.scatter [tilespmem:s21], [sflag:$0x1], $0x80, v2, vm0, $0xb8;
	[tilespmem:$0xD200] =	vst v63  }
0x1d9: {  	v0 =	vadd.s32 v1, v0  }
0x1da: {  	[hbm4b:s5+s3] =	stream.indirect_vreg.scatter [tilespmem:s22], [sflag:$0x1], $0x80, v2, vm0, $0xb8;
	[tilespmem:$0xD200] =	vst v63  }
0x1db: {  	_ = 	snop  }
0x1dc: {  	[hbm4b:s6+s3] =	stream.indirect_vreg.scatter [tilespmem:s23], [sflag:$0x1], $0x80, v2, vm0, $0xb8;
	[tilespmem:$0xD200] =	vst v63  }
0x1dd: {  	_ = 	snop  }
0x1de: {  	[hbm4b:s2+s3] =	stream.indirect_vreg.scatter [tilespmem:s24], [sflag:$0x1], $0x80, v0, vm0, $0xb8;
	[tilespmem:$0xD200] =	vst v63  }
0x1df: {  	p1 =	sne.s32 s7, $0x1  }
0x1e0: {  	[hbm4b:s5+s3] =	stream.indirect_vreg.scatter [tilespmem:s25], [sflag:$0x1], $0x80, v0, vm0, $0xb8;
	[tilespmem:$0xD200] =	vst v63  }
.Ltmp0:
0x1e1: {  	_ = 	snop;
	(pc) =	sbr.rel @p1 .LBB2_1-.Ltmp0, $4  }
0x1e2: {  	[hbm4b:s6+s3] =	stream.indirect_vreg.scatter [tilespmem:s26], [sflag:$0x1], $0x80, v0, vm0, $0xb8;
	[tilespmem:$0xD200] =	vst v63  }
0x1e3: {  	_ =	swait.ge [sflag:s4], $0xC000  }
0x1e4: {  	[sflag:s4] =	ssyncset.done $0x0  }
0x1e5: {  	s7 =	sadd.s32 $0xFFFFFFFF, s7;
	[sflag:s4] =	ssyncadd.s32 $0xFFFF4000  }
0x1e6: {  	_ =	sfence.sel $0x180000  }
0x1e7: {  	[bflag:$0x0] =	sbarrier.arrive $0xFFFF  }
0x1e8: {  	_ =	strace $0x9000004A  }
0x1e9: {  	s0 =	sadd.s32 @!p0 $0x100000, s1;
	[bflag:$0x2] =	sbarrier.arrive $0xFFFF  }
0x1ea: {  	[sflag:s0] =	ssyncadd.tile.s32 @!p0 $0x1;
	_ =	shalt  }
.Lfunc_end2:
_tile_overlayer_lowered:
.L_overlay_start_2:
0x1eb: {  	(tag) =	ssettag $0x2  }
0x1ec: {  	s0 =	rddreg [dreg:$0x0];
	s2 =	stileid.u32  }
0x1ed: {  	s1 =	rddreg [dreg:$0x1];
	p0 =	sne.s32 s2, $0x0  }
0x1ee: {  	s3 =	rddreg [dreg:$0x2];
	[bflag:$0x3] =	sbarrier.arrive $0xFFFF;
	s2 =	simm.s32 @!p0 $0x1C02  }
0x1ef: {  	[timem:s3], [sflag:s2] =	dma.local @!p0 [hbm:s0], s1  }
0x1f0: {  	s0 =	simm.s32 @!p0 $0x2  }
0x1f1: {  	_ =	swait.ge @!p0 [sflag:s0], s1  }
0x1f2: {  	s1 =	ssub.s32 @!p0 $0x0, s1;
	[sflag:s0] =	ssyncset.done @!p0 $0x0  }
0x1f3: {  	[sflag:s0] =	ssyncadd.s32 @!p0 s1  }
0x1f4: {  	[bflag:$0x3] =	sbarrier.arrive $0xFFFF  }
0x1f5: {  	_ =	shalt  }

</sc_bundles>
